<compile_context>
chip_gen: v7x
topology: tpu7x:2x2x1
jax: 0.10.2.dev20260603
libtpu: 0.0.44.dev20260713+nightly
codegen_flags: <defaults>
</compile_context>

<pallas_src>
import jax
import jax.numpy as jnp
from jax import lax
from jax.experimental import pallas as pl
from jax.experimental.pallas import tpu as pltpu
from jax.experimental.pallas import tpu_sc as plsc

B, S, D = 4, 4096, 768
DFF = 3072
EPS = 1e-05
K = max(1, int(0.5 * S))
C = K + 128
BC = B * C
PER_TILE = BC // 32
EXP_TILE = B * S // 32

ROUTER_BLK = 1024
TOK_BLK = 256


def _router_body(h_ref, rw_ref, rb_ref, w_ref):
    logits = jnp.dot(h_ref[...], rw_ref[...], preferred_element_type=jnp.float32)
    w_ref[...] = jax.nn.sigmoid(logits + rb_ref[0])


def _slot_body(wrow_ref, wcol_ref, slotg_ref, mask_ref, idx_ref):
    b = pl.program_id(0)
    w_row = wrow_ref[0]
    w_col = wcol_ref[0]
    i_idx = lax.broadcasted_iota(jnp.int32, (1, S), 1)
    cnt = jnp.zeros((1, S), jnp.float32)
    tie = jnp.zeros((1, S), jnp.float32)
    CH = 512
    ones_row = jnp.ones((1, CH), jnp.bfloat16)
    for c in range(S // CH):
        wc = w_col[c * CH:(c + 1) * CH, :]
        j_idx = lax.broadcasted_iota(jnp.int32, (CH, 1), 0) + (c * CH)
        gt = (wc > w_row).astype(jnp.bfloat16)
        cnt = cnt + jnp.dot(ones_row, gt, preferred_element_type=jnp.float32)
        eq = ((wc == w_row) & (j_idx < i_idx)).astype(jnp.bfloat16)
        tie = tie + jnp.dot(ones_row, eq, preferred_element_type=jnp.float32)
    sel = cnt < float(K)
    slot = cnt + tie
    mask_ref[0] = sel.astype(jnp.float32)
    slotg_ref[0] = (b * C + jnp.where(sel, slot, 0.0)).astype(jnp.int32)

    p_col = lax.broadcasted_iota(jnp.int32, (C, 1), 0).astype(jnp.float32)
    slot_sel = jnp.where(sel, slot, -1.0)
    acc_hi = jnp.zeros((C, 1), jnp.float32)
    acc_lo = jnp.zeros((C, 1), jnp.float32)
    for c in range(S // CH):
        sl_c = slot_sel[:, c * CH:(c + 1) * CH]
        toks = (lax.broadcasted_iota(jnp.int32, (CH, 1), 0) + (c * CH)
                + b * S)
        hi = (toks >> 7).astype(jnp.bfloat16)
        lo = (toks & 127).astype(jnp.bfloat16)
        onehot = (p_col == sl_c).astype(jnp.bfloat16)
        acc_hi = acc_hi + jnp.dot(onehot, hi,
                                  preferred_element_type=jnp.float32)
        acc_lo = acc_lo + jnp.dot(onehot, lo,
                                  preferred_element_type=jnp.float32)
    idx_ref[0] = (128.0 * acc_hi + acc_lo).astype(jnp.int32)


def _block_body(x_ref, wv_ref, wo_ref, g1_ref, g2_ref,
                wg_ref, wu_ref, wd_ref, o_ref, w2_ref):
    @pl.when(pl.program_id(0) == 0)
    def _():
        w2 = jnp.dot(wv_ref[...], wo_ref[...],
                     preferred_element_type=jnp.float32)
        w2_ref[...] = w2.astype(jnp.bfloat16)

    x = x_ref[...].astype(jnp.float32)
    n1 = x * lax.rsqrt(jnp.mean(x * x, axis=-1, keepdims=True) + EPS)
    n1 = (n1 * g1_ref[...]).astype(jnp.bfloat16)
    attn = jnp.dot(n1, w2_ref[...], preferred_element_type=jnp.float32)
    r = x + attn
    n2 = r * lax.rsqrt(jnp.mean(r * r, axis=-1, keepdims=True) + EPS)
    n2 = (n2 * g2_ref[...]).astype(jnp.bfloat16)
    gg = jnp.dot(n2, wg_ref[...], preferred_element_type=jnp.float32)
    uu = jnp.dot(n2, wu_ref[...], preferred_element_type=jnp.float32)
    h = ((gg * jax.nn.sigmoid(gg)) * uu).astype(jnp.bfloat16)
    f = jnp.dot(h, wd_ref[...], preferred_element_type=jnp.float32)
    o_ref[...] = r + f


def _gather_pipeline(src_hbm, dst_hbm, idxv, bufs, gsem, wsems, base, chunks):
    wr = [None, None]
    for j, (off, n) in enumerate(chunks):
        bi = j % 2
        if wr[bi] is not None:
            wr[bi].wait()
        stage = bufs[bi].at[pl.ds(0, n)]
        pltpu.async_copy(src_hbm.at[idxv.at[pl.ds(off, n)]],
                         stage, gsem).wait()
        wr[bi] = pltpu.async_copy(stage, dst_hbm.at[pl.ds(base + off, n)],
                                  wsems[bi])
    for d in wr:
        if d is not None:
            d.wait()


def _sc_compact_body(idx_hbm, hid_hbm, xg_hbm, idxv, buf0, buf1,
                     gsem, wsem0, wsem1):
    c = lax.axis_index("c")
    s = lax.axis_index("s")
    base = (s * 2 + c) * PER_TILE
    pltpu.sync_copy(idx_hbm.at[pl.ds(base, PER_TILE)], idxv)
    _gather_pipeline(hid_hbm, xg_hbm, idxv, (buf0, buf1), gsem,
                     (wsem0, wsem1), base,
                     ((0, 64), (64, 64), (128, 64), (192, 64), (256, 16)))


def _sc_expand_body(slotg_hbm, yg_hbm, zg_hbm, idxv, buf0, buf1,
                    gsem, wsem0, wsem1):
    c = lax.axis_index("c")
    s = lax.axis_index("s")
    base = (s * 2 + c) * EXP_TILE
    pltpu.sync_copy(slotg_hbm.at[pl.ds(base, EXP_TILE)], idxv)
    _gather_pipeline(yg_hbm, zg_hbm, idxv, (buf0, buf1), gsem,
                     (wsem0, wsem1), base,
                     tuple((j * 64, 64) for j in range(8)))


def _blend_body(x_ref, z_ref, m_ref, o_ref):
    x = x_ref[...]
    m = m_ref[...]
    o_ref[...] = x + m * (z_ref[...] - x)


def kernel(hidden_states, router_w, router_b, wq, wk, wv, wo, g1, g2, wg, wu, wd):
    del wq, wk
    hid = hidden_states.reshape(B * S, D)

    weights = pl.pallas_call(
        _router_body,
        out_shape=jax.ShapeDtypeStruct((B * S, 1), jnp.float32),
        grid=(B * S // ROUTER_BLK,),
        in_specs=[
            pl.BlockSpec((ROUTER_BLK, D), lambda i: (i, 0)),
            pl.BlockSpec((D, 1), lambda i: (0, 0)),
            pl.BlockSpec(memory_space=pltpu.SMEM),
        ],
        out_specs=pl.BlockSpec((ROUTER_BLK, 1), lambda i: (i, 0)),
    )(hid, router_w, router_b)

    w_row3 = weights.reshape(B, 1, S)
    w_col3 = weights.reshape(B, S, 1)

    slotg3, mask3, idx3 = pl.pallas_call(
        _slot_body,
        out_shape=[
            jax.ShapeDtypeStruct((B, 1, S), jnp.int32),
            jax.ShapeDtypeStruct((B, 1, S), jnp.float32),
            jax.ShapeDtypeStruct((B, C, 1), jnp.int32),
        ],
        grid=(B,),
        in_specs=[
            pl.BlockSpec((1, 1, S), lambda b: (b, 0, 0)),
            pl.BlockSpec((1, S, 1), lambda b: (b, 0, 0)),
        ],
        out_specs=[
            pl.BlockSpec((1, 1, S), lambda b: (b, 0, 0)),
            pl.BlockSpec((1, 1, S), lambda b: (b, 0, 0)),
            pl.BlockSpec((1, C, 1), lambda b: (b, 0, 0)),
        ],
    )(w_row3, w_col3)
    slotg = slotg3.reshape(B * S)
    mask = mask3.reshape(B * S, 1)
    idxg = idx3.reshape(BC)

    mesh = plsc.VectorSubcoreMesh(core_axis_name="c", subcore_axis_name="s")
    xg = pl.kernel(
        _sc_compact_body,
        out_type=jax.ShapeDtypeStruct((BC, D), jnp.float32),
        mesh=mesh,
        scratch_types=[
            pltpu.VMEM((PER_TILE,), jnp.int32),
            pltpu.VMEM((64, D), jnp.float32),
            pltpu.VMEM((64, D), jnp.float32),
            pltpu.SemaphoreType.DMA,
            pltpu.SemaphoreType.DMA,
            pltpu.SemaphoreType.DMA,
        ],
    )(idxg, hid)

    wv_b = wv.astype(jnp.bfloat16)
    wo_b = wo.astype(jnp.bfloat16)
    wg_b = wg.astype(jnp.bfloat16)
    wu_b = wu.astype(jnp.bfloat16)
    wd_b = wd.astype(jnp.bfloat16)
    g1r = g1.reshape(1, D)
    g2r = g2.reshape(1, D)

    yg = pl.pallas_call(
        _block_body,
        out_shape=jax.ShapeDtypeStruct((BC, D), jnp.float32),
        grid=(BC // TOK_BLK,),
        in_specs=[
            pl.BlockSpec((TOK_BLK, D), lambda i: (i, 0)),
            pl.BlockSpec((D, D), lambda i: (0, 0)),
            pl.BlockSpec((D, D), lambda i: (0, 0)),
            pl.BlockSpec((1, D), lambda i: (0, 0)),
            pl.BlockSpec((1, D), lambda i: (0, 0)),
            pl.BlockSpec((D, DFF), lambda i: (0, 0)),
            pl.BlockSpec((D, DFF), lambda i: (0, 0)),
            pl.BlockSpec((DFF, D), lambda i: (0, 0)),
        ],
        out_specs=pl.BlockSpec((TOK_BLK, D), lambda i: (i, 0)),
        scratch_shapes=[pltpu.VMEM((D, D), jnp.bfloat16)],
        compiler_params=pltpu.CompilerParams(
            dimension_semantics=("arbitrary",)),
    )(xg, wv_b, wo_b, g1r, g2r, wg_b, wu_b, wd_b)

    zg = pl.kernel(
        _sc_expand_body,
        out_type=jax.ShapeDtypeStruct((B * S, D), jnp.float32),
        mesh=mesh,
        scratch_types=[
            pltpu.VMEM((EXP_TILE,), jnp.int32),
            pltpu.VMEM((64, D), jnp.float32),
            pltpu.VMEM((64, D), jnp.float32),
            pltpu.SemaphoreType.DMA,
            pltpu.SemaphoreType.DMA,
            pltpu.SemaphoreType.DMA,
        ],
    )(slotg, yg)

    out = pl.pallas_call(
        _blend_body,
        out_shape=jax.ShapeDtypeStruct((B * S, D), jnp.float32),
        grid=(B * S // ROUTER_BLK,),
        in_specs=[
            pl.BlockSpec((ROUTER_BLK, D), lambda i: (i, 0)),
            pl.BlockSpec((ROUTER_BLK, D), lambda i: (i, 0)),
            pl.BlockSpec((ROUTER_BLK, 1), lambda i: (i, 0)),
        ],
        out_specs=pl.BlockSpec((ROUTER_BLK, D), lambda i: (i, 0)),
    )(hid, zg, mask)

    return out.reshape(B, S, D)

# --- scband reference (transcript-rebuilt; emitter-appended) ---
"""Pipeline reference for scband-mixture-of-depths-block-17927193493873 (READ-ONLY COPY).

The authoritative reference and input builder live on the scoring server;
editing this copy changes nothing except your own understanding.
"""

import jax, jax.numpy as jnp
import numpy as np

B, S, D = 4, 4096, 768
H, DH = 12, 64
DFF = 3072
CAPACITY = 0.5
EPS = 1e-05


def rmsnorm(x, g):
    return x * jax.lax.rsqrt(jnp.mean(x * x, axis=-1, keepdims=True) + EPS) * g


def setup_inputs(seed: int = 0) -> dict:
    key = jax.random.key(seed)
    ks = jax.random.split(key, 12)
    inp = {}
    inp["hidden_states"] = jax.random.normal(ks[0], (B, S, D), dtype=jnp.float32)
    inp["router_w"] = 0.02 * jax.random.normal(ks[1], (D, 1), dtype=jnp.float32)
    inp["router_b"] = jnp.zeros((1,), dtype=jnp.float32)
    inp["wq"] = 0.02 * jax.random.normal(ks[2], (D, D), dtype=jnp.float32)
    inp["wk"] = 0.02 * jax.random.normal(ks[3], (D, D), dtype=jnp.float32)
    inp["wv"] = 0.02 * jax.random.normal(ks[4], (D, D), dtype=jnp.float32)
    inp["wo"] = 0.02 * jax.random.normal(ks[5], (D, D), dtype=jnp.float32)
    inp["g1"] = jnp.ones((D,), dtype=jnp.float32)
    inp["g2"] = jnp.ones((D,), dtype=jnp.float32)
    inp["wg"] = 0.02 * jax.random.normal(ks[6], (D, DFF), dtype=jnp.float32)
    inp["wu"] = 0.02 * jax.random.normal(ks[7], (D, DFF), dtype=jnp.float32)
    inp["wd"] = 0.02 * jax.random.normal(ks[8], (DFF, D), dtype=jnp.float32)
    return inp


def reference(hidden_states, router_w, router_b, wq, wk, wv, wo, g1, g2, wg, wu, wd):
    # --- MixtureOfDepthsRouter ---
    logits = (hidden_states @ router_w + router_b)[..., 0]  # (B, S)
    weights = jax.nn.sigmoid(logits)
    k = max(1, int(CAPACITY * S))
    topk_vals, _ = jax.lax.top_k(weights, k)
    threshold = topk_vals[:, -1:]
    selected_mask = weights >= threshold  # (B, S)

    # --- full-layer compute; per-token attention (torch code attends over seq_len=1
    # after flattening selected tokens, i.e. each token attends only to itself) ---
    x = hidden_states
    normed = rmsnorm(x, g1)
    q = (normed @ wq).reshape(B, S, H, DH)
    kk = (normed @ wk).reshape(B, S, H, DH)
    v = (normed @ wv).reshape(B, S, H, DH)
    scores = jnp.sum(q * kk, axis=-1, keepdims=True) / np.sqrt(DH)  # (B, S, H, 1)
    p = jax.nn.softmax(scores, axis=-1)  # softmax over single key -> 1
    ctx = (p * v).reshape(B, S, D)
    attn_out = ctx @ wo
    residual_sel = x + attn_out
    n2 = rmsnorm(residual_sel, g2)
    ffn_out = (jax.nn.silu(n2 @ wg) * (n2 @ wu)) @ wd
    output_sel = residual_sel + ffn_out

    # scatter back: selected tokens replaced, others identity (equivalent to
    # torch boolean-index select + scatter, since attention is per-token)
    out = jnp.where(selected_mask[..., None], output_sel, hidden_states)
    return out

if __name__ == "__main__":
    import jax
    _d = setup_inputs()
    print(jax.jit(kernel)(*tuple(_d.values())))

</pallas_src>

<mosaic_0001>
#map = affine_map<(d0, d1) -> (0)>
#map1 = affine_map<(d0, d1) -> (0, 0)>
module attributes {stable_mosaic.version = 14 : i64} {
  func.func @_sc_expand_body(%arg0: i32, %arg1: i32, %arg2: memref<16384xi32, #tpu.memory_space<hbm>>, %arg3: memref<8704x768xf32, #tpu.memory_space<hbm>>, %arg4: memref<16384x768xf32, #tpu.memory_space<hbm>>, %arg5: memref<512xi32, #tpu.memory_space<vmem>>, %arg6: memref<64x768xf32, #tpu.memory_space<vmem>>, %arg7: memref<64x768xf32, #tpu.memory_space<vmem>>, %arg8: memref<!tpu.dma_semaphore, #tpu.memory_space<semaphore_mem>>, %arg9: memref<!tpu.dma_semaphore, #tpu.memory_space<semaphore_mem>>, %arg10: memref<!tpu.dma_semaphore, #tpu.memory_space<semaphore_mem>>) attributes {dimension_semantics = [#tpu.dimension_semantics<core_parallel>, #tpu.dimension_semantics<subcore_parallel>], iteration_bounds = array<i64: 2, 16>, scalar_prefetch = 0 : i64, scratch_operands = 6 : i64, tpu.core_type = #tpu.core_type<sc_vector_subcore>, window_params = [{transform_indices = #map}, {transform_indices = #map1}, {transform_indices = #map1}]} {
    %mul3A = arith.constant 2 : i32
    %mul3A_0 = arith.muli %arg1, %mul3A : i32
    %add3A = arith.addi %mul3A_0, %arg0 : i32
    %mul3A_1 = arith.constant 512 : i32
    %mul3A_2 = arith.muli %add3A, %mul3A_1 : i32
    "tpu.region"() ({
      %run_scoped3A = tpu.sem_alloc : memref<!tpu.dma_semaphore, #tpu.memory_space<semaphore_mem>>
      %dma_start3A_305 = tpu.memref_slice %arg2[%mul3A_2] : memref<16384xi32, #tpu.memory_space<hbm>> -> memref<512xi32, #tpu.memory_space<hbm>>
      %dma_start3A_306 = tpu.memref_slice %arg2[%mul3A_2] : memref<16384xi32, #tpu.memory_space<hbm>> -> memref<512xi32, #tpu.memory_space<hbm>>
      tpu.enqueue_dma source(%dma_start3A_306 : memref<512xi32, #tpu.memory_space<hbm>>) target(%arg5 : memref<512xi32, #tpu.memory_space<vmem>>) target_semaphore(%run_scoped3A : memref<!tpu.dma_semaphore, #tpu.memory_space<semaphore_mem>>)
      %dma_wait3A_307 = tpu.memref_slice %arg2[%mul3A_2] : memref<16384xi32, #tpu.memory_space<hbm>> -> memref<512xi32, #tpu.memory_space<hbm>>
      %dma_wait3A_308 = tpu.memref_slice %arg2[%mul3A_2] : memref<16384xi32, #tpu.memory_space<hbm>> -> memref<512xi32, #tpu.memory_space<hbm>>
      tpu.wait_dma2 semaphore(%run_scoped3A : memref<!tpu.dma_semaphore, #tpu.memory_space<semaphore_mem>>) src(%dma_wait3A_308 : memref<512xi32, #tpu.memory_space<hbm>>) dst(%arg5 : memref<512xi32, #tpu.memory_space<vmem>>)
      tpu.yield
    }) : () -> ()
    %dma_start3A = arith.constant 0 : i32
    %dma_start3A_3 = arith.constant 0 : i32
    %dma_start3A_4 = tpu.memref_slice %arg6[%dma_start3A, %dma_start3A_3] : memref<64x768xf32, #tpu.memory_space<vmem>> -> memref<64x768xf32, #tpu.memory_space<vmem>>
    %dma_start3A_5 = arith.constant 0 : i32
    %dma_start3A_6 = tpu.memref_slice %arg5[%dma_start3A_5] : memref<512xi32, #tpu.memory_space<vmem>> -> memref<64xi32, #tpu.memory_space<vmem>>
    %dma_start3A_7 = arith.constant 0 : i32
    %dma_start3A_8 = arith.constant 0 : i32
    %dma_start3A_9 = tpu.memref_slice %arg3[%dma_start3A_7, %dma_start3A_8] : memref<8704x768xf32, #tpu.memory_space<hbm>> -> memref<8704x768xf32, #tpu.memory_space<hbm>>
    tpu.enqueue_indirect_dma source(%dma_start3A_9 : memref<8704x768xf32, #tpu.memory_space<hbm>>) target(%dma_start3A_4 : memref<64x768xf32, #tpu.memory_space<vmem>>) offsets(%dma_start3A_6 : memref<64xi32, #tpu.memory_space<vmem>>) semaphore(%arg8 : memref<!tpu.dma_semaphore, #tpu.memory_space<semaphore_mem>>)
    %dma_wait3A = arith.constant 0 : i32
    %dma_wait3A_10 = arith.constant 0 : i32
    %dma_wait3A_11 = tpu.memref_slice %arg6[%dma_wait3A, %dma_wait3A_10] : memref<64x768xf32, #tpu.memory_space<vmem>> -> memref<64x768xf32, #tpu.memory_space<vmem>>
    %dma_wait3A_12 = arith.constant 0 : i32
    %dma_wait3A_13 = tpu.memref_slice %arg5[%dma_wait3A_12] : memref<512xi32, #tpu.memory_space<vmem>> -> memref<64xi32, #tpu.memory_space<vmem>>
    %dma_wait3A_14 = arith.constant 0 : i32
    %dma_wait3A_15 = arith.constant 0 : i32
    %dma_wait3A_16 = tpu.memref_slice %arg3[%dma_wait3A_14, %dma_wait3A_15] : memref<8704x768xf32, #tpu.memory_space<hbm>> -> memref<8704x768xf32, #tpu.memory_space<hbm>>
    tpu.wait_indirect_dma semaphore(%arg8 : memref<!tpu.dma_semaphore, #tpu.memory_space<semaphore_mem>>) src(%dma_wait3A_16 : memref<8704x768xf32, #tpu.memory_space<hbm>>) dst(%dma_wait3A_11 : memref<64x768xf32, #tpu.memory_space<vmem>>)
    %add3A_17 = arith.constant 0 : i32
    %add3A_18 = arith.addi %mul3A_2, %add3A_17 : i32
    %dma_start3A_19 = arith.constant 0 : i32
    %dma_start3A_20 = arith.constant 0 : i32
    %dma_start3A_21 = tpu.memref_slice %arg6[%dma_start3A_19, %dma_start3A_20] : memref<64x768xf32, #tpu.memory_space<vmem>> -> memref<64x768xf32, #tpu.memory_space<vmem>>
    %dma_start3A_22 = arith.constant 0 : i32
    %dma_start3A_23 = tpu.memref_slice %arg4[%add3A_18, %dma_start3A_22] : memref<16384x768xf32, #tpu.memory_space<hbm>> -> memref<64x768xf32, #tpu.memory_space<hbm>>
    %dma_start3A_24 = arith.constant 0 : i32
    %dma_start3A_25 = tpu.memref_slice %arg4[%add3A_18, %dma_start3A_24] : memref<16384x768xf32, #tpu.memory_space<hbm>> -> memref<64x768xf32, #tpu.memory_space<hbm>>
    %dma_start3A_26 = arith.constant 0 : i32
    %dma_start3A_27 = arith.constant 0 : i32
    %dma_start3A_28 = tpu.memref_slice %arg6[%dma_start3A_26, %dma_start3A_27] : memref<64x768xf32, #tpu.memory_space<vmem>> -> memref<64x768xf32, #tpu.memory_space<vmem>>
    tpu.enqueue_dma source(%dma_start3A_28 : memref<64x768xf32, #tpu.memory_space<vmem>>) target(%dma_start3A_25 : memref<64x768xf32, #tpu.memory_space<hbm>>) target_semaphore(%arg9 : memref<!tpu.dma_semaphore, #tpu.memory_space<semaphore_mem>>)
    %dma_start3A_29 = arith.constant 0 : i32
    %dma_start3A_30 = arith.constant 0 : i32
    %dma_start3A_31 = tpu.memref_slice %arg7[%dma_start3A_29, %dma_start3A_30] : memref<64x768xf32, #tpu.memory_space<vmem>> -> memref<64x768xf32, #tpu.memory_space<vmem>>
    %dma_start3A_32 = arith.constant 64 : i32
    %dma_start3A_33 = tpu.memref_slice %arg5[%dma_start3A_32] : memref<512xi32, #tpu.memory_space<vmem>> -> memref<64xi32, #tpu.memory_space<vmem>>
    %dma_start3A_34 = arith.constant 0 : i32
    %dma_start3A_35 = arith.constant 0 : i32
    %dma_start3A_36 = tpu.memref_slice %arg3[%dma_start3A_34, %dma_start3A_35] : memref<8704x768xf32, #tpu.memory_space<hbm>> -> memref<8704x768xf32, #tpu.memory_space<hbm>>
    tpu.enqueue_indirect_dma source(%dma_start3A_36 : memref<8704x768xf32, #tpu.memory_space<hbm>>) target(%dma_start3A_31 : memref<64x768xf32, #tpu.memory_space<vmem>>) offsets(%dma_start3A_33 : memref<64xi32, #tpu.memory_space<vmem>>) semaphore(%arg8 : memref<!tpu.dma_semaphore, #tpu.memory_space<semaphore_mem>>)
    %dma_wait3A_37 = arith.constant 0 : i32
    %dma_wait3A_38 = arith.constant 0 : i32
    %dma_wait3A_39 = tpu.memref_slice %arg7[%dma_wait3A_37, %dma_wait3A_38] : memref<64x768xf32, #tpu.memory_space<vmem>> -> memref<64x768xf32, #tpu.memory_space<vmem>>
    %dma_wait3A_40 = arith.constant 64 : i32
    %dma_wait3A_41 = tpu.memref_slice %arg5[%dma_wait3A_40] : memref<512xi32, #tpu.memory_space<vmem>> -> memref<64xi32, #tpu.memory_space<vmem>>
    %dma_wait3A_42 = arith.constant 0 : i32
    %dma_wait3A_43 = arith.constant 0 : i32
    %dma_wait3A_44 = tpu.memref_slice %arg3[%dma_wait3A_42, %dma_wait3A_43] : memref<8704x768xf32, #tpu.memory_space<hbm>> -> memref<8704x768xf32, #tpu.memory_space<hbm>>
    tpu.wait_indirect_dma semaphore(%arg8 : memref<!tpu.dma_semaphore, #tpu.memory_space<semaphore_mem>>) src(%dma_wait3A_44 : memref<8704x768xf32, #tpu.memory_space<hbm>>) dst(%dma_wait3A_39 : memref<64x768xf32, #tpu.memory_space<vmem>>)
    %add3A_45 = arith.constant 64 : i32
    %add3A_46 = arith.addi %mul3A_2, %add3A_45 : i32
    %dma_start3A_47 = arith.constant 0 : i32
    %dma_start3A_48 = arith.constant 0 : i32
    %dma_start3A_49 = tpu.memref_slice %arg7[%dma_start3A_47, %dma_start3A_48] : memref<64x768xf32, #tpu.memory_space<vmem>> -> memref<64x768xf32, #tpu.memory_space<vmem>>
    %dma_start3A_50 = arith.constant 0 : i32
    %dma_start3A_51 = tpu.memref_slice %arg4[%add3A_46, %dma_start3A_50] : memref<16384x768xf32, #tpu.memory_space<hbm>> -> memref<64x768xf32, #tpu.memory_space<hbm>>
    %dma_start3A_52 = arith.constant 0 : i32
    %dma_start3A_53 = tpu.memref_slice %arg4[%add3A_46, %dma_start3A_52] : memref<16384x768xf32, #tpu.memory_space<hbm>> -> memref<64x768xf32, #tpu.memory_space<hbm>>
    %dma_start3A_54 = arith.constant 0 : i32
    %dma_start3A_55 = arith.constant 0 : i32
    %dma_start3A_56 = tpu.memref_slice %arg7[%dma_start3A_54, %dma_start3A_55] : memref<64x768xf32, #tpu.memory_space<vmem>> -> memref<64x768xf32, #tpu.memory_space<vmem>>
    tpu.enqueue_dma source(%dma_start3A_56 : memref<64x768xf32, #tpu.memory_space<vmem>>) target(%dma_start3A_53 : memref<64x768xf32, #tpu.memory_space<hbm>>) target_semaphore(%arg10 : memref<!tpu.dma_semaphore, #tpu.memory_space<semaphore_mem>>)
    %dma_wait3A_57 = arith.constant 0 : i32
    %dma_wait3A_58 = arith.constant 0 : i32
    %dma_wait3A_59 = tpu.memref_slice %arg6[%dma_wait3A_57, %dma_wait3A_58] : memref<64x768xf32, #tpu.memory_space<vmem>> -> memref<64x768xf32, #tpu.memory_space<vmem>>
    %dma_wait3A_60 = arith.constant 0 : i32
    %dma_wait3A_61 = tpu.memref_slice %arg4[%add3A_18, %dma_wait3A_60] : memref<16384x768xf32, #tpu.memory_space<hbm>> -> memref<64x768xf32, #tpu.memory_space<hbm>>
    %dma_wait3A_62 = arith.constant 0 : i32
    %dma_wait3A_63 = tpu.memref_slice %arg4[%add3A_18, %dma_wait3A_62] : memref<16384x768xf32, #tpu.memory_space<hbm>> -> memref<64x768xf32, #tpu.memory_space<hbm>>
    %dma_wait3A_64 = arith.constant 0 : i32
    %dma_wait3A_65 = arith.constant 0 : i32
    %dma_wait3A_66 = tpu.memref_slice %arg6[%dma_wait3A_64, %dma_wait3A_65] : memref<64x768xf32, #tpu.memory_space<vmem>> -> memref<64x768xf32, #tpu.memory_space<vmem>>
    tpu.wait_dma2 semaphore(%arg9 : memref<!tpu.dma_semaphore, #tpu.memory_space<semaphore_mem>>) src(%dma_wait3A_66 : memref<64x768xf32, #tpu.memory_space<vmem>>) dst(%dma_wait3A_63 : memref<64x768xf32, #tpu.memory_space<hbm>>)
    %dma_start3A_67 = arith.constant 0 : i32
    %dma_start3A_68 = arith.constant 0 : i32
    %dma_start3A_69 = tpu.memref_slice %arg6[%dma_start3A_67, %dma_start3A_68] : memref<64x768xf32, #tpu.memory_space<vmem>> -> memref<64x768xf32, #tpu.memory_space<vmem>>
    %dma_start3A_70 = arith.constant 128 : i32
    %dma_start3A_71 = tpu.memref_slice %arg5[%dma_start3A_70] : memref<512xi32, #tpu.memory_space<vmem>> -> memref<64xi32, #tpu.memory_space<vmem>>
    %dma_start3A_72 = arith.constant 0 : i32
    %dma_start3A_73 = arith.constant 0 : i32
    %dma_start3A_74 = tpu.memref_slice %arg3[%dma_start3A_72, %dma_start3A_73] : memref<8704x768xf32, #tpu.memory_space<hbm>> -> memref<8704x768xf32, #tpu.memory_space<hbm>>
    tpu.enqueue_indirect_dma source(%dma_start3A_74 : memref<8704x768xf32, #tpu.memory_space<hbm>>) target(%dma_start3A_69 : memref<64x768xf32, #tpu.memory_space<vmem>>) offsets(%dma_start3A_71 : memref<64xi32, #tpu.memory_space<vmem>>) semaphore(%arg8 : memref<!tpu.dma_semaphore, #tpu.memory_space<semaphore_mem>>)
    %dma_wait3A_75 = arith.constant 0 : i32
    %dma_wait3A_76 = arith.constant 0 : i32
    %dma_wait3A_77 = tpu.memref_slice %arg6[%dma_wait3A_75, %dma_wait3A_76] : memref<64x768xf32, #tpu.memory_space<vmem>> -> memref<64x768xf32, #tpu.memory_space<vmem>>
    %dma_wait3A_78 = arith.constant 128 : i32
    %dma_wait3A_79 = tpu.memref_slice %arg5[%dma_wait3A_78] : memref<512xi32, #tpu.memory_space<vmem>> -> memref<64xi32, #tpu.memory_space<vmem>>
    %dma_wait3A_80 = arith.constant 0 : i32
    %dma_wait3A_81 = arith.constant 0 : i32
    %dma_wait3A_82 = tpu.memref_slice %arg3[%dma_wait3A_80, %dma_wait3A_81] : memref<8704x768xf32, #tpu.memory_space<hbm>> -> memref<8704x768xf32, #tpu.memory_space<hbm>>
    tpu.wait_indirect_dma semaphore(%arg8 : memref<!tpu.dma_semaphore, #tpu.memory_space<semaphore_mem>>) src(%dma_wait3A_82 : memref<8704x768xf32, #tpu.memory_space<hbm>>) dst(%dma_wait3A_77 : memref<64x768xf32, #tpu.memory_space<vmem>>)
    %add3A_83 = arith.constant 128 : i32
    %add3A_84 = arith.addi %mul3A_2, %add3A_83 : i32
    %dma_start3A_85 = arith.constant 0 : i32
    %dma_start3A_86 = arith.constant 0 : i32
    %dma_start3A_87 = tpu.memref_slice %arg6[%dma_start3A_85, %dma_start3A_86] : memref<64x768xf32, #tpu.memory_space<vmem>> -> memref<64x768xf32, #tpu.memory_space<vmem>>
    %dma_start3A_88 = arith.constant 0 : i32
    %dma_start3A_89 = tpu.memref_slice %arg4[%add3A_84, %dma_start3A_88] : memref<16384x768xf32, #tpu.memory_space<hbm>> -> memref<64x768xf32, #tpu.memory_space<hbm>>
    %dma_start3A_90 = arith.constant 0 : i32
    %dma_start3A_91 = tpu.memref_slice %arg4[%add3A_84, %dma_start3A_90] : memref<16384x768xf32, #tpu.memory_space<hbm>> -> memref<64x768xf32, #tpu.memory_space<hbm>>
    %dma_start3A_92 = arith.constant 0 : i32
    %dma_start3A_93 = arith.constant 0 : i32
    %dma_start3A_94 = tpu.memref_slice %arg6[%dma_start3A_92, %dma_start3A_93] : memref<64x768xf32, #tpu.memory_space<vmem>> -> memref<64x768xf32, #tpu.memory_space<vmem>>
    tpu.enqueue_dma source(%dma_start3A_94 : memref<64x768xf32, #tpu.memory_space<vmem>>) target(%dma_start3A_91 : memref<64x768xf32, #tpu.memory_space<hbm>>) target_semaphore(%arg9 : memref<!tpu.dma_semaphore, #tpu.memory_space<semaphore_mem>>)
    %dma_wait3A_95 = arith.constant 0 : i32
    %dma_wait3A_96 = arith.constant 0 : i32
    %dma_wait3A_97 = tpu.memref_slice %arg7[%dma_wait3A_95, %dma_wait3A_96] : memref<64x768xf32, #tpu.memory_space<vmem>> -> memref<64x768xf32, #tpu.memory_space<vmem>>
    %dma_wait3A_98 = arith.constant 0 : i32
    %dma_wait3A_99 = tpu.memref_slice %arg4[%add3A_46, %dma_wait3A_98] : memref<16384x768xf32, #tpu.memory_space<hbm>> -> memref<64x768xf32, #tpu.memory_space<hbm>>
    %dma_wait3A_100 = arith.constant 0 : i32
    %dma_wait3A_101 = tpu.memref_slice %arg4[%add3A_46, %dma_wait3A_100] : memref<16384x768xf32, #tpu.memory_space<hbm>> -> memref<64x768xf32, #tpu.memory_space<hbm>>
    %dma_wait3A_102 = arith.constant 0 : i32
    %dma_wait3A_103 = arith.constant 0 : i32
    %dma_wait3A_104 = tpu.memref_slice %arg7[%dma_wait3A_102, %dma_wait3A_103] : memref<64x768xf32, #tpu.memory_space<vmem>> -> memref<64x768xf32, #tpu.memory_space<vmem>>
    tpu.wait_dma2 semaphore(%arg10 : memref<!tpu.dma_semaphore, #tpu.memory_space<semaphore_mem>>) src(%dma_wait3A_104 : memref<64x768xf32, #tpu.memory_space<vmem>>) dst(%dma_wait3A_101 : memref<64x768xf32, #tpu.memory_space<hbm>>)
    %dma_start3A_105 = arith.constant 0 : i32
    %dma_start3A_106 = arith.constant 0 : i32
    %dma_start3A_107 = tpu.memref_slice %arg7[%dma_start3A_105, %dma_start3A_106] : memref<64x768xf32, #tpu.memory_space<vmem>> -> memref<64x768xf32, #tpu.memory_space<vmem>>
    %dma_start3A_108 = arith.constant 192 : i32
    %dma_start3A_109 = tpu.memref_slice %arg5[%dma_start3A_108] : memref<512xi32, #tpu.memory_space<vmem>> -> memref<64xi32, #tpu.memory_space<vmem>>
    %dma_start3A_110 = arith.constant 0 : i32
    %dma_start3A_111 = arith.constant 0 : i32
    %dma_start3A_112 = tpu.memref_slice %arg3[%dma_start3A_110, %dma_start3A_111] : memref<8704x768xf32, #tpu.memory_space<hbm>> -> memref<8704x768xf32, #tpu.memory_space<hbm>>
    tpu.enqueue_indirect_dma source(%dma_start3A_112 : memref<8704x768xf32, #tpu.memory_space<hbm>>) target(%dma_start3A_107 : memref<64x768xf32, #tpu.memory_space<vmem>>) offsets(%dma_start3A_109 : memref<64xi32, #tpu.memory_space<vmem>>) semaphore(%arg8 : memref<!tpu.dma_semaphore, #tpu.memory_space<semaphore_mem>>)
    %dma_wait3A_113 = arith.constant 0 : i32
    %dma_wait3A_114 = arith.constant 0 : i32
    %dma_wait3A_115 = tpu.memref_slice %arg7[%dma_wait3A_113, %dma_wait3A_114] : memref<64x768xf32, #tpu.memory_space<vmem>> -> memref<64x768xf32, #tpu.memory_space<vmem>>
    %dma_wait3A_116 = arith.constant 192 : i32
    %dma_wait3A_117 = tpu.memref_slice %arg5[%dma_wait3A_116] : memref<512xi32, #tpu.memory_space<vmem>> -> memref<64xi32, #tpu.memory_space<vmem>>
    %dma_wait3A_118 = arith.constant 0 : i32
    %dma_wait3A_119 = arith.constant 0 : i32
    %dma_wait3A_120 = tpu.memref_slice %arg3[%dma_wait3A_118, %dma_wait3A_119] : memref<8704x768xf32, #tpu.memory_space<hbm>> -> memref<8704x768xf32, #tpu.memory_space<hbm>>
    tpu.wait_indirect_dma semaphore(%arg8 : memref<!tpu.dma_semaphore, #tpu.memory_space<semaphore_mem>>) src(%dma_wait3A_120 : memref<8704x768xf32, #tpu.memory_space<hbm>>) dst(%dma_wait3A_115 : memref<64x768xf32, #tpu.memory_space<vmem>>)
    %add3A_121 = arith.constant 192 : i32
    %add3A_122 = arith.addi %mul3A_2, %add3A_121 : i32
    %dma_start3A_123 = arith.constant 0 : i32
    %dma_start3A_124 = arith.constant 0 : i32
    %dma_start3A_125 = tpu.memref_slice %arg7[%dma_start3A_123, %dma_start3A_124] : memref<64x768xf32, #tpu.memory_space<vmem>> -> memref<64x768xf32, #tpu.memory_space<vmem>>
    %dma_start3A_126 = arith.constant 0 : i32
    %dma_start3A_127 = tpu.memref_slice %arg4[%add3A_122, %dma_start3A_126] : memref<16384x768xf32, #tpu.memory_space<hbm>> -> memref<64x768xf32, #tpu.memory_space<hbm>>
    %dma_start3A_128 = arith.constant 0 : i32
    %dma_start3A_129 = tpu.memref_slice %arg4[%add3A_122, %dma_start3A_128] : memref<16384x768xf32, #tpu.memory_space<hbm>> -> memref<64x768xf32, #tpu.memory_space<hbm>>
    %dma_start3A_130 = arith.constant 0 : i32
    %dma_start3A_131 = arith.constant 0 : i32
    %dma_start3A_132 = tpu.memref_slice %arg7[%dma_start3A_130, %dma_start3A_131] : memref<64x768xf32, #tpu.memory_space<vmem>> -> memref<64x768xf32, #tpu.memory_space<vmem>>
    tpu.enqueue_dma source(%dma_start3A_132 : memref<64x768xf32, #tpu.memory_space<vmem>>) target(%dma_start3A_129 : memref<64x768xf32, #tpu.memory_space<hbm>>) target_semaphore(%arg10 : memref<!tpu.dma_semaphore, #tpu.memory_space<semaphore_mem>>)
    %dma_wait3A_133 = arith.constant 0 : i32
    %dma_wait3A_134 = arith.constant 0 : i32
    %dma_wait3A_135 = tpu.memref_slice %arg6[%dma_wait3A_133, %dma_wait3A_134] : memref<64x768xf32, #tpu.memory_space<vmem>> -> memref<64x768xf32, #tpu.memory_space<vmem>>
    %dma_wait3A_136 = arith.constant 0 : i32
    %dma_wait3A_137 = tpu.memref_slice %arg4[%add3A_84, %dma_wait3A_136] : memref<16384x768xf32, #tpu.memory_space<hbm>> -> memref<64x768xf32, #tpu.memory_space<hbm>>
    %dma_wait3A_138 = arith.constant 0 : i32
    %dma_wait3A_139 = tpu.memref_slice %arg4[%add3A_84, %dma_wait3A_138] : memref<16384x768xf32, #tpu.memory_space<hbm>> -> memref<64x768xf32, #tpu.memory_space<hbm>>
    %dma_wait3A_140 = arith.constant 0 : i32
    %dma_wait3A_141 = arith.constant 0 : i32
    %dma_wait3A_142 = tpu.memref_slice %arg6[%dma_wait3A_140, %dma_wait3A_141] : memref<64x768xf32, #tpu.memory_space<vmem>> -> memref<64x768xf32, #tpu.memory_space<vmem>>
    tpu.wait_dma2 semaphore(%arg9 : memref<!tpu.dma_semaphore, #tpu.memory_space<semaphore_mem>>) src(%dma_wait3A_142 : memref<64x768xf32, #tpu.memory_space<vmem>>) dst(%dma_wait3A_139 : memref<64x768xf32, #tpu.memory_space<hbm>>)
    %dma_start3A_143 = arith.constant 0 : i32
    %dma_start3A_144 = arith.constant 0 : i32
    %dma_start3A_145 = tpu.memref_slice %arg6[%dma_start3A_143, %dma_start3A_144] : memref<64x768xf32, #tpu.memory_space<vmem>> -> memref<64x768xf32, #tpu.memory_space<vmem>>
    %dma_start3A_146 = arith.constant 256 : i32
    %dma_start3A_147 = tpu.memref_slice %arg5[%dma_start3A_146] : memref<512xi32, #tpu.memory_space<vmem>> -> memref<64xi32, #tpu.memory_space<vmem>>
    %dma_start3A_148 = arith.constant 0 : i32
    %dma_start3A_149 = arith.constant 0 : i32
    %dma_start3A_150 = tpu.memref_slice %arg3[%dma_start3A_148, %dma_start3A_149] : memref<8704x768xf32, #tpu.memory_space<hbm>> -> memref<8704x768xf32, #tpu.memory_space<hbm>>
    tpu.enqueue_indirect_dma source(%dma_start3A_150 : memref<8704x768xf32, #tpu.memory_space<hbm>>) target(%dma_start3A_145 : memref<64x768xf32, #tpu.memory_space<vmem>>) offsets(%dma_start3A_147 : memref<64xi32, #tpu.memory_space<vmem>>) semaphore(%arg8 : memref<!tpu.dma_semaphore, #tpu.memory_space<semaphore_mem>>)
    %dma_wait3A_151 = arith.constant 0 : i32
    %dma_wait3A_152 = arith.constant 0 : i32
    %dma_wait3A_153 = tpu.memref_slice %arg6[%dma_wait3A_151, %dma_wait3A_152] : memref<64x768xf32, #tpu.memory_space<vmem>> -> memref<64x768xf32, #tpu.memory_space<vmem>>
    %dma_wait3A_154 = arith.constant 256 : i32
    %dma_wait3A_155 = tpu.memref_slice %arg5[%dma_wait3A_154] : memref<512xi32, #tpu.memory_space<vmem>> -> memref<64xi32, #tpu.memory_space<vmem>>
    %dma_wait3A_156 = arith.constant 0 : i32
    %dma_wait3A_157 = arith.constant 0 : i32
    %dma_wait3A_158 = tpu.memref_slice %arg3[%dma_wait3A_156, %dma_wait3A_157] : memref<8704x768xf32, #tpu.memory_space<hbm>> -> memref<8704x768xf32, #tpu.memory_space<hbm>>
    tpu.wait_indirect_dma semaphore(%arg8 : memref<!tpu.dma_semaphore, #tpu.memory_space<semaphore_mem>>) src(%dma_wait3A_158 : memref<8704x768xf32, #tpu.memory_space<hbm>>) dst(%dma_wait3A_153 : memref<64x768xf32, #tpu.memory_space<vmem>>)
    %add3A_159 = arith.constant 256 : i32
    %add3A_160 = arith.addi %mul3A_2, %add3A_159 : i32
    %dma_start3A_161 = arith.constant 0 : i32
    %dma_start3A_162 = arith.constant 0 : i32
    %dma_start3A_163 = tpu.memref_slice %arg6[%dma_start3A_161, %dma_start3A_162] : memref<64x768xf32, #tpu.memory_space<vmem>> -> memref<64x768xf32, #tpu.memory_space<vmem>>
    %dma_start3A_164 = arith.constant 0 : i32
    %dma_start3A_165 = tpu.memref_slice %arg4[%add3A_160, %dma_start3A_164] : memref<16384x768xf32, #tpu.memory_space<hbm>> -> memref<64x768xf32, #tpu.memory_space<hbm>>
    %dma_start3A_166 = arith.constant 0 : i32
    %dma_start3A_167 = tpu.memref_slice %arg4[%add3A_160, %dma_start3A_166] : memref<16384x768xf32, #tpu.memory_space<hbm>> -> memref<64x768xf32, #tpu.memory_space<hbm>>
    %dma_start3A_168 = arith.constant 0 : i32
    %dma_start3A_169 = arith.constant 0 : i32
    %dma_start3A_170 = tpu.memref_slice %arg6[%dma_start3A_168, %dma_start3A_169] : memref<64x768xf32, #tpu.memory_space<vmem>> -> memref<64x768xf32, #tpu.memory_space<vmem>>
    tpu.enqueue_dma source(%dma_start3A_170 : memref<64x768xf32, #tpu.memory_space<vmem>>) target(%dma_start3A_167 : memref<64x768xf32, #tpu.memory_space<hbm>>) target_semaphore(%arg9 : memref<!tpu.dma_semaphore, #tpu.memory_space<semaphore_mem>>)
    %dma_wait3A_171 = arith.constant 0 : i32
    %dma_wait3A_172 = arith.constant 0 : i32
    %dma_wait3A_173 = tpu.memref_slice %arg7[%dma_wait3A_171, %dma_wait3A_172] : memref<64x768xf32, #tpu.memory_space<vmem>> -> memref<64x768xf32, #tpu.memory_space<vmem>>
    %dma_wait3A_174 = arith.constant 0 : i32
    %dma_wait3A_175 = tpu.memref_slice %arg4[%add3A_122, %dma_wait3A_174] : memref<16384x768xf32, #tpu.memory_space<hbm>> -> memref<64x768xf32, #tpu.memory_space<hbm>>
    %dma_wait3A_176 = arith.constant 0 : i32
    %dma_wait3A_177 = tpu.memref_slice %arg4[%add3A_122, %dma_wait3A_176] : memref<16384x768xf32, #tpu.memory_space<hbm>> -> memref<64x768xf32, #tpu.memory_space<hbm>>
    %dma_wait3A_178 = arith.constant 0 : i32
    %dma_wait3A_179 = arith.constant 0 : i32
    %dma_wait3A_180 = tpu.memref_slice %arg7[%dma_wait3A_178, %dma_wait3A_179] : memref<64x768xf32, #tpu.memory_space<vmem>> -> memref<64x768xf32, #tpu.memory_space<vmem>>
    tpu.wait_dma2 semaphore(%arg10 : memref<!tpu.dma_semaphore, #tpu.memory_space<semaphore_mem>>) src(%dma_wait3A_180 : memref<64x768xf32, #tpu.memory_space<vmem>>) dst(%dma_wait3A_177 : memref<64x768xf32, #tpu.memory_space<hbm>>)
    %dma_start3A_181 = arith.constant 0 : i32
    %dma_start3A_182 = arith.constant 0 : i32
    %dma_start3A_183 = tpu.memref_slice %arg7[%dma_start3A_181, %dma_start3A_182] : memref<64x768xf32, #tpu.memory_space<vmem>> -> memref<64x768xf32, #tpu.memory_space<vmem>>
    %dma_start3A_184 = arith.constant 320 : i32
    %dma_start3A_185 = tpu.memref_slice %arg5[%dma_start3A_184] : memref<512xi32, #tpu.memory_space<vmem>> -> memref<64xi32, #tpu.memory_space<vmem>>
    %dma_start3A_186 = arith.constant 0 : i32
    %dma_start3A_187 = arith.constant 0 : i32
    %dma_start3A_188 = tpu.memref_slice %arg3[%dma_start3A_186, %dma_start3A_187] : memref<8704x768xf32, #tpu.memory_space<hbm>> -> memref<8704x768xf32, #tpu.memory_space<hbm>>
    tpu.enqueue_indirect_dma source(%dma_start3A_188 : memref<8704x768xf32, #tpu.memory_space<hbm>>) target(%dma_start3A_183 : memref<64x768xf32, #tpu.memory_space<vmem>>) offsets(%dma_start3A_185 : memref<64xi32, #tpu.memory_space<vmem>>) semaphore(%arg8 : memref<!tpu.dma_semaphore, #tpu.memory_space<semaphore_mem>>)
    %dma_wait3A_189 = arith.constant 0 : i32
    %dma_wait3A_190 = arith.constant 0 : i32
    %dma_wait3A_191 = tpu.memref_slice %arg7[%dma_wait3A_189, %dma_wait3A_190] : memref<64x768xf32, #tpu.memory_space<vmem>> -> memref<64x768xf32, #tpu.memory_space<vmem>>
    %dma_wait3A_192 = arith.constant 320 : i32
    %dma_wait3A_193 = tpu.memref_slice %arg5[%dma_wait3A_192] : memref<512xi32, #tpu.memory_space<vmem>> -> memref<64xi32, #tpu.memory_space<vmem>>
    %dma_wait3A_194 = arith.constant 0 : i32
    %dma_wait3A_195 = arith.constant 0 : i32
    %dma_wait3A_196 = tpu.memref_slice %arg3[%dma_wait3A_194, %dma_wait3A_195] : memref<8704x768xf32, #tpu.memory_space<hbm>> -> memref<8704x768xf32, #tpu.memory_space<hbm>>
    tpu.wait_indirect_dma semaphore(%arg8 : memref<!tpu.dma_semaphore, #tpu.memory_space<semaphore_mem>>) src(%dma_wait3A_196 : memref<8704x768xf32, #tpu.memory_space<hbm>>) dst(%dma_wait3A_191 : memref<64x768xf32, #tpu.memory_space<vmem>>)
    %add3A_197 = arith.constant 320 : i32
    %add3A_198 = arith.addi %mul3A_2, %add3A_197 : i32
    %dma_start3A_199 = arith.constant 0 : i32
    %dma_start3A_200 = arith.constant 0 : i32
    %dma_start3A_201 = tpu.memref_slice %arg7[%dma_start3A_199, %dma_start3A_200] : memref<64x768xf32, #tpu.memory_space<vmem>> -> memref<64x768xf32, #tpu.memory_space<vmem>>
    %dma_start3A_202 = arith.constant 0 : i32
    %dma_start3A_203 = tpu.memref_slice %arg4[%add3A_198, %dma_start3A_202] : memref<16384x768xf32, #tpu.memory_space<hbm>> -> memref<64x768xf32, #tpu.memory_space<hbm>>
    %dma_start3A_204 = arith.constant 0 : i32
    %dma_start3A_205 = tpu.memref_slice %arg4[%add3A_198, %dma_start3A_204] : memref<16384x768xf32, #tpu.memory_space<hbm>> -> memref<64x768xf32, #tpu.memory_space<hbm>>
    %dma_start3A_206 = arith.constant 0 : i32
    %dma_start3A_207 = arith.constant 0 : i32
    %dma_start3A_208 = tpu.memref_slice %arg7[%dma_start3A_206, %dma_start3A_207] : memref<64x768xf32, #tpu.memory_space<vmem>> -> memref<64x768xf32, #tpu.memory_space<vmem>>
    tpu.enqueue_dma source(%dma_start3A_208 : memref<64x768xf32, #tpu.memory_space<vmem>>) target(%dma_start3A_205 : memref<64x768xf32, #tpu.memory_space<hbm>>) target_semaphore(%arg10 : memref<!tpu.dma_semaphore, #tpu.memory_space<semaphore_mem>>)
    %dma_wait3A_209 = arith.constant 0 : i32
    %dma_wait3A_210 = arith.constant 0 : i32
    %dma_wait3A_211 = tpu.memref_slice %arg6[%dma_wait3A_209, %dma_wait3A_210] : memref<64x768xf32, #tpu.memory_space<vmem>> -> memref<64x768xf32, #tpu.memory_space<vmem>>
    %dma_wait3A_212 = arith.constant 0 : i32
    %dma_wait3A_213 = tpu.memref_slice %arg4[%add3A_160, %dma_wait3A_212] : memref<16384x768xf32, #tpu.memory_space<hbm>> -> memref<64x768xf32, #tpu.memory_space<hbm>>
    %dma_wait3A_214 = arith.constant 0 : i32
    %dma_wait3A_215 = tpu.memref_slice %arg4[%add3A_160, %dma_wait3A_214] : memref<16384x768xf32, #tpu.memory_space<hbm>> -> memref<64x768xf32, #tpu.memory_space<hbm>>
    %dma_wait3A_216 = arith.constant 0 : i32
    %dma_wait3A_217 = arith.constant 0 : i32
    %dma_wait3A_218 = tpu.memref_slice %arg6[%dma_wait3A_216, %dma_wait3A_217] : memref<64x768xf32, #tpu.memory_space<vmem>> -> memref<64x768xf32, #tpu.memory_space<vmem>>
    tpu.wait_dma2 semaphore(%arg9 : memref<!tpu.dma_semaphore, #tpu.memory_space<semaphore_mem>>) src(%dma_wait3A_218 : memref<64x768xf32, #tpu.memory_space<vmem>>) dst(%dma_wait3A_215 : memref<64x768xf32, #tpu.memory_space<hbm>>)
    %dma_start3A_219 = arith.constant 0 : i32
    %dma_start3A_220 = arith.constant 0 : i32
    %dma_start3A_221 = tpu.memref_slice %arg6[%dma_start3A_219, %dma_start3A_220] : memref<64x768xf32, #tpu.memory_space<vmem>> -> memref<64x768xf32, #tpu.memory_space<vmem>>
    %dma_start3A_222 = arith.constant 384 : i32
    %dma_start3A_223 = tpu.memref_slice %arg5[%dma_start3A_222] : memref<512xi32, #tpu.memory_space<vmem>> -> memref<64xi32, #tpu.memory_space<vmem>>
    %dma_start3A_224 = arith.constant 0 : i32
    %dma_start3A_225 = arith.constant 0 : i32
    %dma_start3A_226 = tpu.memref_slice %arg3[%dma_start3A_224, %dma_start3A_225] : memref<8704x768xf32, #tpu.memory_space<hbm>> -> memref<8704x768xf32, #tpu.memory_space<hbm>>
    tpu.enqueue_indirect_dma source(%dma_start3A_226 : memref<8704x768xf32, #tpu.memory_space<hbm>>) target(%dma_start3A_221 : memref<64x768xf32, #tpu.memory_space<vmem>>) offsets(%dma_start3A_223 : memref<64xi32, #tpu.memory_space<vmem>>) semaphore(%arg8 : memref<!tpu.dma_semaphore, #tpu.memory_space<semaphore_mem>>)
    %dma_wait3A_227 = arith.constant 0 : i32
    %dma_wait3A_228 = arith.constant 0 : i32
    %dma_wait3A_229 = tpu.memref_slice %arg6[%dma_wait3A_227, %dma_wait3A_228] : memref<64x768xf32, #tpu.memory_space<vmem>> -> memref<64x768xf32, #tpu.memory_space<vmem>>
    %dma_wait3A_230 = arith.constant 384 : i32
    %dma_wait3A_231 = tpu.memref_slice %arg5[%dma_wait3A_230] : memref<512xi32, #tpu.memory_space<vmem>> -> memref<64xi32, #tpu.memory_space<vmem>>
    %dma_wait3A_232 = arith.constant 0 : i32
    %dma_wait3A_233 = arith.constant 0 : i32
    %dma_wait3A_234 = tpu.memref_slice %arg3[%dma_wait3A_232, %dma_wait3A_233] : memref<8704x768xf32, #tpu.memory_space<hbm>> -> memref<8704x768xf32, #tpu.memory_space<hbm>>
    tpu.wait_indirect_dma semaphore(%arg8 : memref<!tpu.dma_semaphore, #tpu.memory_space<semaphore_mem>>) src(%dma_wait3A_234 : memref<8704x768xf32, #tpu.memory_space<hbm>>) dst(%dma_wait3A_229 : memref<64x768xf32, #tpu.memory_space<vmem>>)
    %add3A_235 = arith.constant 384 : i32
    %add3A_236 = arith.addi %mul3A_2, %add3A_235 : i32
    %dma_start3A_237 = arith.constant 0 : i32
    %dma_start3A_238 = arith.constant 0 : i32
    %dma_start3A_239 = tpu.memref_slice %arg6[%dma_start3A_237, %dma_start3A_238] : memref<64x768xf32, #tpu.memory_space<vmem>> -> memref<64x768xf32, #tpu.memory_space<vmem>>
    %dma_start3A_240 = arith.constant 0 : i32
    %dma_start3A_241 = tpu.memref_slice %arg4[%add3A_236, %dma_start3A_240] : memref<16384x768xf32, #tpu.memory_space<hbm>> -> memref<64x768xf32, #tpu.memory_space<hbm>>
    %dma_start3A_242 = arith.constant 0 : i32
    %dma_start3A_243 = tpu.memref_slice %arg4[%add3A_236, %dma_start3A_242] : memref<16384x768xf32, #tpu.memory_space<hbm>> -> memref<64x768xf32, #tpu.memory_space<hbm>>
    %dma_start3A_244 = arith.constant 0 : i32
    %dma_start3A_245 = arith.constant 0 : i32
    %dma_start3A_246 = tpu.memref_slice %arg6[%dma_start3A_244, %dma_start3A_245] : memref<64x768xf32, #tpu.memory_space<vmem>> -> memref<64x768xf32, #tpu.memory_space<vmem>>
    tpu.enqueue_dma source(%dma_start3A_246 : memref<64x768xf32, #tpu.memory_space<vmem>>) target(%dma_start3A_243 : memref<64x768xf32, #tpu.memory_space<hbm>>) target_semaphore(%arg9 : memref<!tpu.dma_semaphore, #tpu.memory_space<semaphore_mem>>)
    %dma_wait3A_247 = arith.constant 0 : i32
    %dma_wait3A_248 = arith.constant 0 : i32
    %dma_wait3A_249 = tpu.memref_slice %arg7[%dma_wait3A_247, %dma_wait3A_248] : memref<64x768xf32, #tpu.memory_space<vmem>> -> memref<64x768xf32, #tpu.memory_space<vmem>>
    %dma_wait3A_250 = arith.constant 0 : i32
    %dma_wait3A_251 = tpu.memref_slice %arg4[%add3A_198, %dma_wait3A_250] : memref<16384x768xf32, #tpu.memory_space<hbm>> -> memref<64x768xf32, #tpu.memory_space<hbm>>
    %dma_wait3A_252 = arith.constant 0 : i32
    %dma_wait3A_253 = tpu.memref_slice %arg4[%add3A_198, %dma_wait3A_252] : memref<16384x768xf32, #tpu.memory_space<hbm>> -> memref<64x768xf32, #tpu.memory_space<hbm>>
    %dma_wait3A_254 = arith.constant 0 : i32
    %dma_wait3A_255 = arith.constant 0 : i32
    %dma_wait3A_256 = tpu.memref_slice %arg7[%dma_wait3A_254, %dma_wait3A_255] : memref<64x768xf32, #tpu.memory_space<vmem>> -> memref<64x768xf32, #tpu.memory_space<vmem>>
    tpu.wait_dma2 semaphore(%arg10 : memref<!tpu.dma_semaphore, #tpu.memory_space<semaphore_mem>>) src(%dma_wait3A_256 : memref<64x768xf32, #tpu.memory_space<vmem>>) dst(%dma_wait3A_253 : memref<64x768xf32, #tpu.memory_space<hbm>>)
    %dma_start3A_257 = arith.constant 0 : i32
    %dma_start3A_258 = arith.constant 0 : i32
    %dma_start3A_259 = tpu.memref_slice %arg7[%dma_start3A_257, %dma_start3A_258] : memref<64x768xf32, #tpu.memory_space<vmem>> -> memref<64x768xf32, #tpu.memory_space<vmem>>
    %dma_start3A_260 = arith.constant 448 : i32
    %dma_start3A_261 = tpu.memref_slice %arg5[%dma_start3A_260] : memref<512xi32, #tpu.memory_space<vmem>> -> memref<64xi32, #tpu.memory_space<vmem>>
    %dma_start3A_262 = arith.constant 0 : i32
    %dma_start3A_263 = arith.constant 0 : i32
    %dma_start3A_264 = tpu.memref_slice %arg3[%dma_start3A_262, %dma_start3A_263] : memref<8704x768xf32, #tpu.memory_space<hbm>> -> memref<8704x768xf32, #tpu.memory_space<hbm>>
    tpu.enqueue_indirect_dma source(%dma_start3A_264 : memref<8704x768xf32, #tpu.memory_space<hbm>>) target(%dma_start3A_259 : memref<64x768xf32, #tpu.memory_space<vmem>>) offsets(%dma_start3A_261 : memref<64xi32, #tpu.memory_space<vmem>>) semaphore(%arg8 : memref<!tpu.dma_semaphore, #tpu.memory_space<semaphore_mem>>)
    %dma_wait3A_265 = arith.constant 0 : i32
    %dma_wait3A_266 = arith.constant 0 : i32
    %dma_wait3A_267 = tpu.memref_slice %arg7[%dma_wait3A_265, %dma_wait3A_266] : memref<64x768xf32, #tpu.memory_space<vmem>> -> memref<64x768xf32, #tpu.memory_space<vmem>>
    %dma_wait3A_268 = arith.constant 448 : i32
    %dma_wait3A_269 = tpu.memref_slice %arg5[%dma_wait3A_268] : memref<512xi32, #tpu.memory_space<vmem>> -> memref<64xi32, #tpu.memory_space<vmem>>
    %dma_wait3A_270 = arith.constant 0 : i32
    %dma_wait3A_271 = arith.constant 0 : i32
    %dma_wait3A_272 = tpu.memref_slice %arg3[%dma_wait3A_270, %dma_wait3A_271] : memref<8704x768xf32, #tpu.memory_space<hbm>> -> memref<8704x768xf32, #tpu.memory_space<hbm>>
    tpu.wait_indirect_dma semaphore(%arg8 : memref<!tpu.dma_semaphore, #tpu.memory_space<semaphore_mem>>) src(%dma_wait3A_272 : memref<8704x768xf32, #tpu.memory_space<hbm>>) dst(%dma_wait3A_267 : memref<64x768xf32, #tpu.memory_space<vmem>>)
    %add3A_273 = arith.constant 448 : i32
    %add3A_274 = arith.addi %mul3A_2, %add3A_273 : i32
    %dma_start3A_275 = arith.constant 0 : i32
    %dma_start3A_276 = arith.constant 0 : i32
    %dma_start3A_277 = tpu.memref_slice %arg7[%dma_start3A_275, %dma_start3A_276] : memref<64x768xf32, #tpu.memory_space<vmem>> -> memref<64x768xf32, #tpu.memory_space<vmem>>
    %dma_start3A_278 = arith.constant 0 : i32
    %dma_start3A_279 = tpu.memref_slice %arg4[%add3A_274, %dma_start3A_278] : memref<16384x768xf32, #tpu.memory_space<hbm>> -> memref<64x768xf32, #tpu.memory_space<hbm>>
    %dma_start3A_280 = arith.constant 0 : i32
    %dma_start3A_281 = tpu.memref_slice %arg4[%add3A_274, %dma_start3A_280] : memref<16384x768xf32, #tpu.memory_space<hbm>> -> memref<64x768xf32, #tpu.memory_space<hbm>>
    %dma_start3A_282 = arith.constant 0 : i32
    %dma_start3A_283 = arith.constant 0 : i32
    %dma_start3A_284 = tpu.memref_slice %arg7[%dma_start3A_282, %dma_start3A_283] : memref<64x768xf32, #tpu.memory_space<vmem>> -> memref<64x768xf32, #tpu.memory_space<vmem>>
    tpu.enqueue_dma source(%dma_start3A_284 : memref<64x768xf32, #tpu.memory_space<vmem>>) target(%dma_start3A_281 : memref<64x768xf32, #tpu.memory_space<hbm>>) target_semaphore(%arg10 : memref<!tpu.dma_semaphore, #tpu.memory_space<semaphore_mem>>)
    %dma_wait3A_285 = arith.constant 0 : i32
    %dma_wait3A_286 = arith.constant 0 : i32
    %dma_wait3A_287 = tpu.memref_slice %arg6[%dma_wait3A_285, %dma_wait3A_286] : memref<64x768xf32, #tpu.memory_space<vmem>> -> memref<64x768xf32, #tpu.memory_space<vmem>>
    %dma_wait3A_288 = arith.constant 0 : i32
    %dma_wait3A_289 = tpu.memref_slice %arg4[%add3A_236, %dma_wait3A_288] : memref<16384x768xf32, #tpu.memory_space<hbm>> -> memref<64x768xf32, #tpu.memory_space<hbm>>
    %dma_wait3A_290 = arith.constant 0 : i32
    %dma_wait3A_291 = tpu.memref_slice %arg4[%add3A_236, %dma_wait3A_290] : memref<16384x768xf32, #tpu.memory_space<hbm>> -> memref<64x768xf32, #tpu.memory_space<hbm>>
    %dma_wait3A_292 = arith.constant 0 : i32
    %dma_wait3A_293 = arith.constant 0 : i32
    %dma_wait3A_294 = tpu.memref_slice %arg6[%dma_wait3A_292, %dma_wait3A_293] : memref<64x768xf32, #tpu.memory_space<vmem>> -> memref<64x768xf32, #tpu.memory_space<vmem>>
    tpu.wait_dma2 semaphore(%arg9 : memref<!tpu.dma_semaphore, #tpu.memory_space<semaphore_mem>>) src(%dma_wait3A_294 : memref<64x768xf32, #tpu.memory_space<vmem>>) dst(%dma_wait3A_291 : memref<64x768xf32, #tpu.memory_space<hbm>>)
    %dma_wait3A_295 = arith.constant 0 : i32
    %dma_wait3A_296 = arith.constant 0 : i32
    %dma_wait3A_297 = tpu.memref_slice %arg7[%dma_wait3A_295, %dma_wait3A_296] : memref<64x768xf32, #tpu.memory_space<vmem>> -> memref<64x768xf32, #tpu.memory_space<vmem>>
    %dma_wait3A_298 = arith.constant 0 : i32
    %dma_wait3A_299 = tpu.memref_slice %arg4[%add3A_274, %dma_wait3A_298] : memref<16384x768xf32, #tpu.memory_space<hbm>> -> memref<64x768xf32, #tpu.memory_space<hbm>>
    %dma_wait3A_300 = arith.constant 0 : i32
    %dma_wait3A_301 = tpu.memref_slice %arg4[%add3A_274, %dma_wait3A_300] : memref<16384x768xf32, #tpu.memory_space<hbm>> -> memref<64x768xf32, #tpu.memory_space<hbm>>
    %dma_wait3A_302 = arith.constant 0 : i32
    %dma_wait3A_303 = arith.constant 0 : i32
    %dma_wait3A_304 = tpu.memref_slice %arg7[%dma_wait3A_302, %dma_wait3A_303] : memref<64x768xf32, #tpu.memory_space<vmem>> -> memref<64x768xf32, #tpu.memory_space<vmem>>
    tpu.wait_dma2 semaphore(%arg10 : memref<!tpu.dma_semaphore, #tpu.memory_space<semaphore_mem>>) src(%dma_wait3A_304 : memref<64x768xf32, #tpu.memory_space<vmem>>) dst(%dma_wait3A_301 : memref<64x768xf32, #tpu.memory_space<hbm>>)
    return
  }
}

#map = affine_map<(d0, d1) -> (0)>
#map1 = affine_map<(d0, d1) -> (0, 0)>
module attributes {stable_mosaic.version = 14 : i64} {
  func.func @_sc_compact_body(%arg0: i32, %arg1: i32, %arg2: memref<8704xi32, #tpu.memory_space<hbm>>, %arg3: memref<16384x768xf32, #tpu.memory_space<hbm>>, %arg4: memref<8704x768xf32, #tpu.memory_space<hbm>>, %arg5: memref<272xi32, #tpu.memory_space<vmem>>, %arg6: memref<64x768xf32, #tpu.memory_space<vmem>>, %arg7: memref<64x768xf32, #tpu.memory_space<vmem>>, %arg8: memref<!tpu.dma_semaphore, #tpu.memory_space<semaphore_mem>>, %arg9: memref<!tpu.dma_semaphore, #tpu.memory_space<semaphore_mem>>, %arg10: memref<!tpu.dma_semaphore, #tpu.memory_space<semaphore_mem>>) attributes {dimension_semantics = [#tpu.dimension_semantics<core_parallel>, #tpu.dimension_semantics<subcore_parallel>], iteration_bounds = array<i64: 2, 16>, scalar_prefetch = 0 : i64, scratch_operands = 6 : i64, tpu.core_type = #tpu.core_type<sc_vector_subcore>, window_params = [{transform_indices = #map}, {transform_indices = #map1}, {transform_indices = #map1}]} {
    %mul3A = arith.constant 2 : i32
    %mul3A_0 = arith.muli %arg1, %mul3A : i32
    %add3A = arith.addi %mul3A_0, %arg0 : i32
    %mul3A_1 = arith.constant 272 : i32
    %mul3A_2 = arith.muli %add3A, %mul3A_1 : i32
    "tpu.region"() ({
      %run_scoped3A = tpu.sem_alloc : memref<!tpu.dma_semaphore, #tpu.memory_space<semaphore_mem>>
      %dma_start3A_191 = tpu.memref_slice %arg2[%mul3A_2] : memref<8704xi32, #tpu.memory_space<hbm>> -> memref<272xi32, #tpu.memory_space<hbm>>
      %dma_start3A_192 = tpu.memref_slice %arg2[%mul3A_2] : memref<8704xi32, #tpu.memory_space<hbm>> -> memref<272xi32, #tpu.memory_space<hbm>>
      tpu.enqueue_dma source(%dma_start3A_192 : memref<272xi32, #tpu.memory_space<hbm>>) target(%arg5 : memref<272xi32, #tpu.memory_space<vmem>>) target_semaphore(%run_scoped3A : memref<!tpu.dma_semaphore, #tpu.memory_space<semaphore_mem>>)
      %dma_wait3A_193 = tpu.memref_slice %arg2[%mul3A_2] : memref<8704xi32, #tpu.memory_space<hbm>> -> memref<272xi32, #tpu.memory_space<hbm>>
      %dma_wait3A_194 = tpu.memref_slice %arg2[%mul3A_2] : memref<8704xi32, #tpu.memory_space<hbm>> -> memref<272xi32, #tpu.memory_space<hbm>>
      tpu.wait_dma2 semaphore(%run_scoped3A : memref<!tpu.dma_semaphore, #tpu.memory_space<semaphore_mem>>) src(%dma_wait3A_194 : memref<272xi32, #tpu.memory_space<hbm>>) dst(%arg5 : memref<272xi32, #tpu.memory_space<vmem>>)
      tpu.yield
    }) : () -> ()
    %dma_start3A = arith.constant 0 : i32
    %dma_start3A_3 = arith.constant 0 : i32
    %dma_start3A_4 = tpu.memref_slice %arg6[%dma_start3A, %dma_start3A_3] : memref<64x768xf32, #tpu.memory_space<vmem>> -> memref<64x768xf32, #tpu.memory_space<vmem>>
    %dma_start3A_5 = arith.constant 0 : i32
    %dma_start3A_6 = tpu.memref_slice %arg5[%dma_start3A_5] : memref<272xi32, #tpu.memory_space<vmem>> -> memref<64xi32, #tpu.memory_space<vmem>>
    %dma_start3A_7 = arith.constant 0 : i32
    %dma_start3A_8 = arith.constant 0 : i32
    %dma_start3A_9 = tpu.memref_slice %arg3[%dma_start3A_7, %dma_start3A_8] : memref<16384x768xf32, #tpu.memory_space<hbm>> -> memref<16384x768xf32, #tpu.memory_space<hbm>>
    tpu.enqueue_indirect_dma source(%dma_start3A_9 : memref<16384x768xf32, #tpu.memory_space<hbm>>) target(%dma_start3A_4 : memref<64x768xf32, #tpu.memory_space<vmem>>) offsets(%dma_start3A_6 : memref<64xi32, #tpu.memory_space<vmem>>) semaphore(%arg8 : memref<!tpu.dma_semaphore, #tpu.memory_space<semaphore_mem>>)
    %dma_wait3A = arith.constant 0 : i32
    %dma_wait3A_10 = arith.constant 0 : i32
    %dma_wait3A_11 = tpu.memref_slice %arg6[%dma_wait3A, %dma_wait3A_10] : memref<64x768xf32, #tpu.memory_space<vmem>> -> memref<64x768xf32, #tpu.memory_space<vmem>>
    %dma_wait3A_12 = arith.constant 0 : i32
    %dma_wait3A_13 = tpu.memref_slice %arg5[%dma_wait3A_12] : memref<272xi32, #tpu.memory_space<vmem>> -> memref<64xi32, #tpu.memory_space<vmem>>
    %dma_wait3A_14 = arith.constant 0 : i32
    %dma_wait3A_15 = arith.constant 0 : i32
    %dma_wait3A_16 = tpu.memref_slice %arg3[%dma_wait3A_14, %dma_wait3A_15] : memref<16384x768xf32, #tpu.memory_space<hbm>> -> memref<16384x768xf32, #tpu.memory_space<hbm>>
    tpu.wait_indirect_dma semaphore(%arg8 : memref<!tpu.dma_semaphore, #tpu.memory_space<semaphore_mem>>) src(%dma_wait3A_16 : memref<16384x768xf32, #tpu.memory_space<hbm>>) dst(%dma_wait3A_11 : memref<64x768xf32, #tpu.memory_space<vmem>>)
    %add3A_17 = arith.constant 0 : i32
    %add3A_18 = arith.addi %mul3A_2, %add3A_17 : i32
    %dma_start3A_19 = arith.constant 0 : i32
    %dma_start3A_20 = arith.constant 0 : i32
    %dma_start3A_21 = tpu.memref_slice %arg6[%dma_start3A_19, %dma_start3A_20] : memref<64x768xf32, #tpu.memory_space<vmem>> -> memref<64x768xf32, #tpu.memory_space<vmem>>
    %dma_start3A_22 = arith.constant 0 : i32
    %dma_start3A_23 = tpu.memref_slice %arg4[%add3A_18, %dma_start3A_22] : memref<8704x768xf32, #tpu.memory_space<hbm>> -> memref<64x768xf32, #tpu.memory_space<hbm>>
    %dma_start3A_24 = arith.constant 0 : i32
    %dma_start3A_25 = tpu.memref_slice %arg4[%add3A_18, %dma_start3A_24] : memref<8704x768xf32, #tpu.memory_space<hbm>> -> memref<64x768xf32, #tpu.memory_space<hbm>>
    %dma_start3A_26 = arith.constant 0 : i32
    %dma_start3A_27 = arith.constant 0 : i32
    %dma_start3A_28 = tpu.memref_slice %arg6[%dma_start3A_26, %dma_start3A_27] : memref<64x768xf32, #tpu.memory_space<vmem>> -> memref<64x768xf32, #tpu.memory_space<vmem>>
    tpu.enqueue_dma source(%dma_start3A_28 : memref<64x768xf32, #tpu.memory_space<vmem>>) target(%dma_start3A_25 : memref<64x768xf32, #tpu.memory_space<hbm>>) target_semaphore(%arg9 : memref<!tpu.dma_semaphore, #tpu.memory_space<semaphore_mem>>)
    %dma_start3A_29 = arith.constant 0 : i32
    %dma_start3A_30 = arith.constant 0 : i32
    %dma_start3A_31 = tpu.memref_slice %arg7[%dma_start3A_29, %dma_start3A_30] : memref<64x768xf32, #tpu.memory_space<vmem>> -> memref<64x768xf32, #tpu.memory_space<vmem>>
    %dma_start3A_32 = arith.constant 64 : i32
    %dma_start3A_33 = tpu.memref_slice %arg5[%dma_start3A_32] : memref<272xi32, #tpu.memory_space<vmem>> -> memref<64xi32, #tpu.memory_space<vmem>>
    %dma_start3A_34 = arith.constant 0 : i32
    %dma_start3A_35 = arith.constant 0 : i32
    %dma_start3A_36 = tpu.memref_slice %arg3[%dma_start3A_34, %dma_start3A_35] : memref<16384x768xf32, #tpu.memory_space<hbm>> -> memref<16384x768xf32, #tpu.memory_space<hbm>>
    tpu.enqueue_indirect_dma source(%dma_start3A_36 : memref<16384x768xf32, #tpu.memory_space<hbm>>) target(%dma_start3A_31 : memref<64x768xf32, #tpu.memory_space<vmem>>) offsets(%dma_start3A_33 : memref<64xi32, #tpu.memory_space<vmem>>) semaphore(%arg8 : memref<!tpu.dma_semaphore, #tpu.memory_space<semaphore_mem>>)
    %dma_wait3A_37 = arith.constant 0 : i32
    %dma_wait3A_38 = arith.constant 0 : i32
    %dma_wait3A_39 = tpu.memref_slice %arg7[%dma_wait3A_37, %dma_wait3A_38] : memref<64x768xf32, #tpu.memory_space<vmem>> -> memref<64x768xf32, #tpu.memory_space<vmem>>
    %dma_wait3A_40 = arith.constant 64 : i32
    %dma_wait3A_41 = tpu.memref_slice %arg5[%dma_wait3A_40] : memref<272xi32, #tpu.memory_space<vmem>> -> memref<64xi32, #tpu.memory_space<vmem>>
    %dma_wait3A_42 = arith.constant 0 : i32
    %dma_wait3A_43 = arith.constant 0 : i32
    %dma_wait3A_44 = tpu.memref_slice %arg3[%dma_wait3A_42, %dma_wait3A_43] : memref<16384x768xf32, #tpu.memory_space<hbm>> -> memref<16384x768xf32, #tpu.memory_space<hbm>>
    tpu.wait_indirect_dma semaphore(%arg8 : memref<!tpu.dma_semaphore, #tpu.memory_space<semaphore_mem>>) src(%dma_wait3A_44 : memref<16384x768xf32, #tpu.memory_space<hbm>>) dst(%dma_wait3A_39 : memref<64x768xf32, #tpu.memory_space<vmem>>)
    %add3A_45 = arith.constant 64 : i32
    %add3A_46 = arith.addi %mul3A_2, %add3A_45 : i32
    %dma_start3A_47 = arith.constant 0 : i32
    %dma_start3A_48 = arith.constant 0 : i32
    %dma_start3A_49 = tpu.memref_slice %arg7[%dma_start3A_47, %dma_start3A_48] : memref<64x768xf32, #tpu.memory_space<vmem>> -> memref<64x768xf32, #tpu.memory_space<vmem>>
    %dma_start3A_50 = arith.constant 0 : i32
    %dma_start3A_51 = tpu.memref_slice %arg4[%add3A_46, %dma_start3A_50] : memref<8704x768xf32, #tpu.memory_space<hbm>> -> memref<64x768xf32, #tpu.memory_space<hbm>>
    %dma_start3A_52 = arith.constant 0 : i32
    %dma_start3A_53 = tpu.memref_slice %arg4[%add3A_46, %dma_start3A_52] : memref<8704x768xf32, #tpu.memory_space<hbm>> -> memref<64x768xf32, #tpu.memory_space<hbm>>
    %dma_start3A_54 = arith.constant 0 : i32
    %dma_start3A_55 = arith.constant 0 : i32
    %dma_start3A_56 = tpu.memref_slice %arg7[%dma_start3A_54, %dma_start3A_55] : memref<64x768xf32, #tpu.memory_space<vmem>> -> memref<64x768xf32, #tpu.memory_space<vmem>>
    tpu.enqueue_dma source(%dma_start3A_56 : memref<64x768xf32, #tpu.memory_space<vmem>>) target(%dma_start3A_53 : memref<64x768xf32, #tpu.memory_space<hbm>>) target_semaphore(%arg10 : memref<!tpu.dma_semaphore, #tpu.memory_space<semaphore_mem>>)
    %dma_wait3A_57 = arith.constant 0 : i32
    %dma_wait3A_58 = arith.constant 0 : i32
    %dma_wait3A_59 = tpu.memref_slice %arg6[%dma_wait3A_57, %dma_wait3A_58] : memref<64x768xf32, #tpu.memory_space<vmem>> -> memref<64x768xf32, #tpu.memory_space<vmem>>
    %dma_wait3A_60 = arith.constant 0 : i32
    %dma_wait3A_61 = tpu.memref_slice %arg4[%add3A_18, %dma_wait3A_60] : memref<8704x768xf32, #tpu.memory_space<hbm>> -> memref<64x768xf32, #tpu.memory_space<hbm>>
    %dma_wait3A_62 = arith.constant 0 : i32
    %dma_wait3A_63 = tpu.memref_slice %arg4[%add3A_18, %dma_wait3A_62] : memref<8704x768xf32, #tpu.memory_space<hbm>> -> memref<64x768xf32, #tpu.memory_space<hbm>>
    %dma_wait3A_64 = arith.constant 0 : i32
    %dma_wait3A_65 = arith.constant 0 : i32
    %dma_wait3A_66 = tpu.memref_slice %arg6[%dma_wait3A_64, %dma_wait3A_65] : memref<64x768xf32, #tpu.memory_space<vmem>> -> memref<64x768xf32, #tpu.memory_space<vmem>>
    tpu.wait_dma2 semaphore(%arg9 : memref<!tpu.dma_semaphore, #tpu.memory_space<semaphore_mem>>) src(%dma_wait3A_66 : memref<64x768xf32, #tpu.memory_space<vmem>>) dst(%dma_wait3A_63 : memref<64x768xf32, #tpu.memory_space<hbm>>)
    %dma_start3A_67 = arith.constant 0 : i32
    %dma_start3A_68 = arith.constant 0 : i32
    %dma_start3A_69 = tpu.memref_slice %arg6[%dma_start3A_67, %dma_start3A_68] : memref<64x768xf32, #tpu.memory_space<vmem>> -> memref<64x768xf32, #tpu.memory_space<vmem>>
    %dma_start3A_70 = arith.constant 128 : i32
    %dma_start3A_71 = tpu.memref_slice %arg5[%dma_start3A_70] : memref<272xi32, #tpu.memory_space<vmem>> -> memref<64xi32, #tpu.memory_space<vmem>>
    %dma_start3A_72 = arith.constant 0 : i32
    %dma_start3A_73 = arith.constant 0 : i32
    %dma_start3A_74 = tpu.memref_slice %arg3[%dma_start3A_72, %dma_start3A_73] : memref<16384x768xf32, #tpu.memory_space<hbm>> -> memref<16384x768xf32, #tpu.memory_space<hbm>>
    tpu.enqueue_indirect_dma source(%dma_start3A_74 : memref<16384x768xf32, #tpu.memory_space<hbm>>) target(%dma_start3A_69 : memref<64x768xf32, #tpu.memory_space<vmem>>) offsets(%dma_start3A_71 : memref<64xi32, #tpu.memory_space<vmem>>) semaphore(%arg8 : memref<!tpu.dma_semaphore, #tpu.memory_space<semaphore_mem>>)
    %dma_wait3A_75 = arith.constant 0 : i32
    %dma_wait3A_76 = arith.constant 0 : i32
    %dma_wait3A_77 = tpu.memref_slice %arg6[%dma_wait3A_75, %dma_wait3A_76] : memref<64x768xf32, #tpu.memory_space<vmem>> -> memref<64x768xf32, #tpu.memory_space<vmem>>
    %dma_wait3A_78 = arith.constant 128 : i32
    %dma_wait3A_79 = tpu.memref_slice %arg5[%dma_wait3A_78] : memref<272xi32, #tpu.memory_space<vmem>> -> memref<64xi32, #tpu.memory_space<vmem>>
    %dma_wait3A_80 = arith.constant 0 : i32
    %dma_wait3A_81 = arith.constant 0 : i32
    %dma_wait3A_82 = tpu.memref_slice %arg3[%dma_wait3A_80, %dma_wait3A_81] : memref<16384x768xf32, #tpu.memory_space<hbm>> -> memref<16384x768xf32, #tpu.memory_space<hbm>>
    tpu.wait_indirect_dma semaphore(%arg8 : memref<!tpu.dma_semaphore, #tpu.memory_space<semaphore_mem>>) src(%dma_wait3A_82 : memref<16384x768xf32, #tpu.memory_space<hbm>>) dst(%dma_wait3A_77 : memref<64x768xf32, #tpu.memory_space<vmem>>)
    %add3A_83 = arith.constant 128 : i32
    %add3A_84 = arith.addi %mul3A_2, %add3A_83 : i32
    %dma_start3A_85 = arith.constant 0 : i32
    %dma_start3A_86 = arith.constant 0 : i32
    %dma_start3A_87 = tpu.memref_slice %arg6[%dma_start3A_85, %dma_start3A_86] : memref<64x768xf32, #tpu.memory_space<vmem>> -> memref<64x768xf32, #tpu.memory_space<vmem>>
    %dma_start3A_88 = arith.constant 0 : i32
    %dma_start3A_89 = tpu.memref_slice %arg4[%add3A_84, %dma_start3A_88] : memref<8704x768xf32, #tpu.memory_space<hbm>> -> memref<64x768xf32, #tpu.memory_space<hbm>>
    %dma_start3A_90 = arith.constant 0 : i32
    %dma_start3A_91 = tpu.memref_slice %arg4[%add3A_84, %dma_start3A_90] : memref<8704x768xf32, #tpu.memory_space<hbm>> -> memref<64x768xf32, #tpu.memory_space<hbm>>
    %dma_start3A_92 = arith.constant 0 : i32
    %dma_start3A_93 = arith.constant 0 : i32
    %dma_start3A_94 = tpu.memref_slice %arg6[%dma_start3A_92, %dma_start3A_93] : memref<64x768xf32, #tpu.memory_space<vmem>> -> memref<64x768xf32, #tpu.memory_space<vmem>>
    tpu.enqueue_dma source(%dma_start3A_94 : memref<64x768xf32, #tpu.memory_space<vmem>>) target(%dma_start3A_91 : memref<64x768xf32, #tpu.memory_space<hbm>>) target_semaphore(%arg9 : memref<!tpu.dma_semaphore, #tpu.memory_space<semaphore_mem>>)
    %dma_wait3A_95 = arith.constant 0 : i32
    %dma_wait3A_96 = arith.constant 0 : i32
    %dma_wait3A_97 = tpu.memref_slice %arg7[%dma_wait3A_95, %dma_wait3A_96] : memref<64x768xf32, #tpu.memory_space<vmem>> -> memref<64x768xf32, #tpu.memory_space<vmem>>
    %dma_wait3A_98 = arith.constant 0 : i32
    %dma_wait3A_99 = tpu.memref_slice %arg4[%add3A_46, %dma_wait3A_98] : memref<8704x768xf32, #tpu.memory_space<hbm>> -> memref<64x768xf32, #tpu.memory_space<hbm>>
    %dma_wait3A_100 = arith.constant 0 : i32
    %dma_wait3A_101 = tpu.memref_slice %arg4[%add3A_46, %dma_wait3A_100] : memref<8704x768xf32, #tpu.memory_space<hbm>> -> memref<64x768xf32, #tpu.memory_space<hbm>>
    %dma_wait3A_102 = arith.constant 0 : i32
    %dma_wait3A_103 = arith.constant 0 : i32
    %dma_wait3A_104 = tpu.memref_slice %arg7[%dma_wait3A_102, %dma_wait3A_103] : memref<64x768xf32, #tpu.memory_space<vmem>> -> memref<64x768xf32, #tpu.memory_space<vmem>>
    tpu.wait_dma2 semaphore(%arg10 : memref<!tpu.dma_semaphore, #tpu.memory_space<semaphore_mem>>) src(%dma_wait3A_104 : memref<64x768xf32, #tpu.memory_space<vmem>>) dst(%dma_wait3A_101 : memref<64x768xf32, #tpu.memory_space<hbm>>)
    %dma_start3A_105 = arith.constant 0 : i32
    %dma_start3A_106 = arith.constant 0 : i32
    %dma_start3A_107 = tpu.memref_slice %arg7[%dma_start3A_105, %dma_start3A_106] : memref<64x768xf32, #tpu.memory_space<vmem>> -> memref<64x768xf32, #tpu.memory_space<vmem>>
    %dma_start3A_108 = arith.constant 192 : i32
    %dma_start3A_109 = tpu.memref_slice %arg5[%dma_start3A_108] : memref<272xi32, #tpu.memory_space<vmem>> -> memref<64xi32, #tpu.memory_space<vmem>>
    %dma_start3A_110 = arith.constant 0 : i32
    %dma_start3A_111 = arith.constant 0 : i32
    %dma_start3A_112 = tpu.memref_slice %arg3[%dma_start3A_110, %dma_start3A_111] : memref<16384x768xf32, #tpu.memory_space<hbm>> -> memref<16384x768xf32, #tpu.memory_space<hbm>>
    tpu.enqueue_indirect_dma source(%dma_start3A_112 : memref<16384x768xf32, #tpu.memory_space<hbm>>) target(%dma_start3A_107 : memref<64x768xf32, #tpu.memory_space<vmem>>) offsets(%dma_start3A_109 : memref<64xi32, #tpu.memory_space<vmem>>) semaphore(%arg8 : memref<!tpu.dma_semaphore, #tpu.memory_space<semaphore_mem>>)
    %dma_wait3A_113 = arith.constant 0 : i32
    %dma_wait3A_114 = arith.constant 0 : i32
    %dma_wait3A_115 = tpu.memref_slice %arg7[%dma_wait3A_113, %dma_wait3A_114] : memref<64x768xf32, #tpu.memory_space<vmem>> -> memref<64x768xf32, #tpu.memory_space<vmem>>
    %dma_wait3A_116 = arith.constant 192 : i32
    %dma_wait3A_117 = tpu.memref_slice %arg5[%dma_wait3A_116] : memref<272xi32, #tpu.memory_space<vmem>> -> memref<64xi32, #tpu.memory_space<vmem>>
    %dma_wait3A_118 = arith.constant 0 : i32
    %dma_wait3A_119 = arith.constant 0 : i32
    %dma_wait3A_120 = tpu.memref_slice %arg3[%dma_wait3A_118, %dma_wait3A_119] : memref<16384x768xf32, #tpu.memory_space<hbm>> -> memref<16384x768xf32, #tpu.memory_space<hbm>>
    tpu.wait_indirect_dma semaphore(%arg8 : memref<!tpu.dma_semaphore, #tpu.memory_space<semaphore_mem>>) src(%dma_wait3A_120 : memref<16384x768xf32, #tpu.memory_space<hbm>>) dst(%dma_wait3A_115 : memref<64x768xf32, #tpu.memory_space<vmem>>)
    %add3A_121 = arith.constant 192 : i32
    %add3A_122 = arith.addi %mul3A_2, %add3A_121 : i32
    %dma_start3A_123 = arith.constant 0 : i32
    %dma_start3A_124 = arith.constant 0 : i32
    %dma_start3A_125 = tpu.memref_slice %arg7[%dma_start3A_123, %dma_start3A_124] : memref<64x768xf32, #tpu.memory_space<vmem>> -> memref<64x768xf32, #tpu.memory_space<vmem>>
    %dma_start3A_126 = arith.constant 0 : i32
    %dma_start3A_127 = tpu.memref_slice %arg4[%add3A_122, %dma_start3A_126] : memref<8704x768xf32, #tpu.memory_space<hbm>> -> memref<64x768xf32, #tpu.memory_space<hbm>>
    %dma_start3A_128 = arith.constant 0 : i32
    %dma_start3A_129 = tpu.memref_slice %arg4[%add3A_122, %dma_start3A_128] : memref<8704x768xf32, #tpu.memory_space<hbm>> -> memref<64x768xf32, #tpu.memory_space<hbm>>
    %dma_start3A_130 = arith.constant 0 : i32
    %dma_start3A_131 = arith.constant 0 : i32
    %dma_start3A_132 = tpu.memref_slice %arg7[%dma_start3A_130, %dma_start3A_131] : memref<64x768xf32, #tpu.memory_space<vmem>> -> memref<64x768xf32, #tpu.memory_space<vmem>>
    tpu.enqueue_dma source(%dma_start3A_132 : memref<64x768xf32, #tpu.memory_space<vmem>>) target(%dma_start3A_129 : memref<64x768xf32, #tpu.memory_space<hbm>>) target_semaphore(%arg10 : memref<!tpu.dma_semaphore, #tpu.memory_space<semaphore_mem>>)
    %dma_wait3A_133 = arith.constant 0 : i32
    %dma_wait3A_134 = arith.constant 0 : i32
    %dma_wait3A_135 = tpu.memref_slice %arg6[%dma_wait3A_133, %dma_wait3A_134] : memref<64x768xf32, #tpu.memory_space<vmem>> -> memref<64x768xf32, #tpu.memory_space<vmem>>
    %dma_wait3A_136 = arith.constant 0 : i32
    %dma_wait3A_137 = tpu.memref_slice %arg4[%add3A_84, %dma_wait3A_136] : memref<8704x768xf32, #tpu.memory_space<hbm>> -> memref<64x768xf32, #tpu.memory_space<hbm>>
    %dma_wait3A_138 = arith.constant 0 : i32
    %dma_wait3A_139 = tpu.memref_slice %arg4[%add3A_84, %dma_wait3A_138] : memref<8704x768xf32, #tpu.memory_space<hbm>> -> memref<64x768xf32, #tpu.memory_space<hbm>>
    %dma_wait3A_140 = arith.constant 0 : i32
    %dma_wait3A_141 = arith.constant 0 : i32
    %dma_wait3A_142 = tpu.memref_slice %arg6[%dma_wait3A_140, %dma_wait3A_141] : memref<64x768xf32, #tpu.memory_space<vmem>> -> memref<64x768xf32, #tpu.memory_space<vmem>>
    tpu.wait_dma2 semaphore(%arg9 : memref<!tpu.dma_semaphore, #tpu.memory_space<semaphore_mem>>) src(%dma_wait3A_142 : memref<64x768xf32, #tpu.memory_space<vmem>>) dst(%dma_wait3A_139 : memref<64x768xf32, #tpu.memory_space<hbm>>)
    %dma_start3A_143 = arith.constant 0 : i32
    %dma_start3A_144 = arith.constant 0 : i32
    %dma_start3A_145 = tpu.memref_slice %arg6[%dma_start3A_143, %dma_start3A_144] : memref<64x768xf32, #tpu.memory_space<vmem>> -> memref<16x768xf32, #tpu.memory_space<vmem>>
    %dma_start3A_146 = arith.constant 256 : i32
    %dma_start3A_147 = tpu.memref_slice %arg5[%dma_start3A_146] : memref<272xi32, #tpu.memory_space<vmem>> -> memref<16xi32, #tpu.memory_space<vmem>>
    %dma_start3A_148 = arith.constant 0 : i32
    %dma_start3A_149 = arith.constant 0 : i32
    %dma_start3A_150 = tpu.memref_slice %arg3[%dma_start3A_148, %dma_start3A_149] : memref<16384x768xf32, #tpu.memory_space<hbm>> -> memref<16384x768xf32, #tpu.memory_space<hbm>>
    tpu.enqueue_indirect_dma source(%dma_start3A_150 : memref<16384x768xf32, #tpu.memory_space<hbm>>) target(%dma_start3A_145 : memref<16x768xf32, #tpu.memory_space<vmem>>) offsets(%dma_start3A_147 : memref<16xi32, #tpu.memory_space<vmem>>) semaphore(%arg8 : memref<!tpu.dma_semaphore, #tpu.memory_space<semaphore_mem>>)
    %dma_wait3A_151 = arith.constant 0 : i32
    %dma_wait3A_152 = arith.constant 0 : i32
    %dma_wait3A_153 = tpu.memref_slice %arg6[%dma_wait3A_151, %dma_wait3A_152] : memref<64x768xf32, #tpu.memory_space<vmem>> -> memref<16x768xf32, #tpu.memory_space<vmem>>
    %dma_wait3A_154 = arith.constant 256 : i32
    %dma_wait3A_155 = tpu.memref_slice %arg5[%dma_wait3A_154] : memref<272xi32, #tpu.memory_space<vmem>> -> memref<16xi32, #tpu.memory_space<vmem>>
    %dma_wait3A_156 = arith.constant 0 : i32
    %dma_wait3A_157 = arith.constant 0 : i32
    %dma_wait3A_158 = tpu.memref_slice %arg3[%dma_wait3A_156, %dma_wait3A_157] : memref<16384x768xf32, #tpu.memory_space<hbm>> -> memref<16384x768xf32, #tpu.memory_space<hbm>>
    tpu.wait_indirect_dma semaphore(%arg8 : memref<!tpu.dma_semaphore, #tpu.memory_space<semaphore_mem>>) src(%dma_wait3A_158 : memref<16384x768xf32, #tpu.memory_space<hbm>>) dst(%dma_wait3A_153 : memref<16x768xf32, #tpu.memory_space<vmem>>)
    %add3A_159 = arith.constant 256 : i32
    %add3A_160 = arith.addi %mul3A_2, %add3A_159 : i32
    %dma_start3A_161 = arith.constant 0 : i32
    %dma_start3A_162 = arith.constant 0 : i32
    %dma_start3A_163 = tpu.memref_slice %arg6[%dma_start3A_161, %dma_start3A_162] : memref<64x768xf32, #tpu.memory_space<vmem>> -> memref<16x768xf32, #tpu.memory_space<vmem>>
    %dma_start3A_164 = arith.constant 0 : i32
    %dma_start3A_165 = tpu.memref_slice %arg4[%add3A_160, %dma_start3A_164] : memref<8704x768xf32, #tpu.memory_space<hbm>> -> memref<16x768xf32, #tpu.memory_space<hbm>>
    %dma_start3A_166 = arith.constant 0 : i32
    %dma_start3A_167 = tpu.memref_slice %arg4[%add3A_160, %dma_start3A_166] : memref<8704x768xf32, #tpu.memory_space<hbm>> -> memref<16x768xf32, #tpu.memory_space<hbm>>
    %dma_start3A_168 = arith.constant 0 : i32
    %dma_start3A_169 = arith.constant 0 : i32
    %dma_start3A_170 = tpu.memref_slice %arg6[%dma_start3A_168, %dma_start3A_169] : memref<64x768xf32, #tpu.memory_space<vmem>> -> memref<16x768xf32, #tpu.memory_space<vmem>>
    tpu.enqueue_dma source(%dma_start3A_170 : memref<16x768xf32, #tpu.memory_space<vmem>>) target(%dma_start3A_167 : memref<16x768xf32, #tpu.memory_space<hbm>>) target_semaphore(%arg9 : memref<!tpu.dma_semaphore, #tpu.memory_space<semaphore_mem>>)
    %dma_wait3A_171 = arith.constant 0 : i32
    %dma_wait3A_172 = arith.constant 0 : i32
    %dma_wait3A_173 = tpu.memref_slice %arg6[%dma_wait3A_171, %dma_wait3A_172] : memref<64x768xf32, #tpu.memory_space<vmem>> -> memref<16x768xf32, #tpu.memory_space<vmem>>
    %dma_wait3A_174 = arith.constant 0 : i32
    %dma_wait3A_175 = tpu.memref_slice %arg4[%add3A_160, %dma_wait3A_174] : memref<8704x768xf32, #tpu.memory_space<hbm>> -> memref<16x768xf32, #tpu.memory_space<hbm>>
    %dma_wait3A_176 = arith.constant 0 : i32
    %dma_wait3A_177 = tpu.memref_slice %arg4[%add3A_160, %dma_wait3A_176] : memref<8704x768xf32, #tpu.memory_space<hbm>> -> memref<16x768xf32, #tpu.memory_space<hbm>>
    %dma_wait3A_178 = arith.constant 0 : i32
    %dma_wait3A_179 = arith.constant 0 : i32
    %dma_wait3A_180 = tpu.memref_slice %arg6[%dma_wait3A_178, %dma_wait3A_179] : memref<64x768xf32, #tpu.memory_space<vmem>> -> memref<16x768xf32, #tpu.memory_space<vmem>>
    tpu.wait_dma2 semaphore(%arg9 : memref<!tpu.dma_semaphore, #tpu.memory_space<semaphore_mem>>) src(%dma_wait3A_180 : memref<16x768xf32, #tpu.memory_space<vmem>>) dst(%dma_wait3A_177 : memref<16x768xf32, #tpu.memory_space<hbm>>)
    %dma_wait3A_181 = arith.constant 0 : i32
    %dma_wait3A_182 = arith.constant 0 : i32
    %dma_wait3A_183 = tpu.memref_slice %arg7[%dma_wait3A_181, %dma_wait3A_182] : memref<64x768xf32, #tpu.memory_space<vmem>> -> memref<64x768xf32, #tpu.memory_space<vmem>>
    %dma_wait3A_184 = arith.constant 0 : i32
    %dma_wait3A_185 = tpu.memref_slice %arg4[%add3A_122, %dma_wait3A_184] : memref<8704x768xf32, #tpu.memory_space<hbm>> -> memref<64x768xf32, #tpu.memory_space<hbm>>
    %dma_wait3A_186 = arith.constant 0 : i32
    %dma_wait3A_187 = tpu.memref_slice %arg4[%add3A_122, %dma_wait3A_186] : memref<8704x768xf32, #tpu.memory_space<hbm>> -> memref<64x768xf32, #tpu.memory_space<hbm>>
    %dma_wait3A_188 = arith.constant 0 : i32
    %dma_wait3A_189 = arith.constant 0 : i32
    %dma_wait3A_190 = tpu.memref_slice %arg7[%dma_wait3A_188, %dma_wait3A_189] : memref<64x768xf32, #tpu.memory_space<vmem>> -> memref<64x768xf32, #tpu.memory_space<vmem>>
    tpu.wait_dma2 semaphore(%arg10 : memref<!tpu.dma_semaphore, #tpu.memory_space<semaphore_mem>>) src(%dma_wait3A_190 : memref<64x768xf32, #tpu.memory_space<vmem>>) dst(%dma_wait3A_187 : memref<64x768xf32, #tpu.memory_space<hbm>>)
    return
  }
}

module attributes {stable_mosaic.version = 14 : i64} {
  func.func @_router_body(%arg0: i32, %arg1: memref<1024x768xf32, #tpu.memory_space<vmem>>, %arg2: memref<768x1xf32, #tpu.memory_space<vmem>>, %arg3: memref<1xf32, #tpu.memory_space<smem>>, %arg4: memref<1024x1xf32, #tpu.memory_space<vmem>>) attributes {dimension_semantics = [#tpu.dimension_semantics<arbitrary>], iteration_bounds = array<i64: 16>, scalar_prefetch = 0 : i64, scratch_operands = 0 : i64, tpu.core_type = #tpu.core_type<tc>, window_params = [{transform_indices = @transform_0, window_bounds = array<i64: 1024, 768>}, {pipeline_mode = #tpu.pipeline_mode<synchronous>, transform_indices = @transform_1, window_bounds = array<i64: 768, 1>}, {transform_indices = @transform_2, window_bounds = array<i64: 1>}, {transform_indices = @transform_3, window_bounds = array<i64: 1024, 1>}]} {
    %get3A = arith.constant 0 : index
    %get3A_0 = arith.constant 0 : index
    %get3A_1 = vector.load %arg1[%get3A, %get3A_0] : memref<1024x768xf32, #tpu.memory_space<vmem>>, vector<1024x768xf32>
    %get3A_2 = arith.constant 0 : index
    %get3A_3 = arith.constant 0 : index
    %get3A_4 = vector.load %arg2[%get3A_2, %get3A_3] : memref<768x1xf32, #tpu.memory_space<vmem>>, vector<768x1xf32>
    %dot_general3A = arith.constant dense<0.000000e+00> : vector<1024x1xf32>
    %dot_general3A_5 = tpu.matmul %get3A_1, %get3A_4, %dot_general3A {dimension_numbers = #tpu.dot_dimension_numbers<[1], [0], [0], [1], [0, 0, 1, 1], [], []>, transpose_lhs_hint = false} : vector<1024x768xf32>, vector<768x1xf32>, vector<1024x1xf32> -> vector<1024x1xf32>
    %get3A_6 = arith.constant 0 : index
    %get3A_7 = memref.load %arg3[%get3A_6] : memref<1xf32, #tpu.memory_space<smem>>
    %add3A = vector.broadcast %get3A_7 : f32 to vector<1024x1xf32>
    %add3A_8 = arith.addf %dot_general3A_5, %add3A : vector<1024x1xf32>
    %logistic3A = arith.negf %add3A_8 : vector<1024x1xf32>
    %logistic3A_9 = math.exp %logistic3A : vector<1024x1xf32>
    %logistic3A_10 = arith.constant 1.000000e+00 : f32
    %logistic3A_11 = vector.broadcast %logistic3A_10 : f32 to vector<1024x1xf32>
    %logistic3A_12 = arith.addf %logistic3A_11, %logistic3A_9 : vector<1024x1xf32>
    %logistic3A_13 = arith.divf %logistic3A_11, %logistic3A_12 : vector<1024x1xf32>
    %swap3A = arith.constant 0 : index
    %swap3A_14 = arith.constant 0 : index
    %swap3A_15 = vector.load %arg4[%swap3A, %swap3A_14] : memref<1024x1xf32, #tpu.memory_space<vmem>>, vector<1024x1xf32>
    tpu.vector_store %arg4[%swap3A, %swap3A_14], %logistic3A_13 {strides = array<i32>} : memref<1024x1xf32, #tpu.memory_space<vmem>>, vector<1024x1xf32>,
    return
  }
  func.func @transform_0(%arg0: i32) -> (i32, i32) {
    %c0_i32 = arith.constant 0 : i32
    %c0_i32_0 = arith.constant 0 : i32
    return %arg0, %c0_i32 : i32, i32
  }
  func.func @transform_1(%arg0: i32) -> (i32, i32) {
    %c0_i32 = arith.constant 0 : i32
    %c0_i32_0 = arith.constant 0 : i32
    %c0_i32_1 = arith.constant 0 : i32
    return %c0_i32, %c0_i32_0 : i32, i32
  }
  func.func @transform_2(%arg0: i32) -> i32 {
    %c0_i32 = arith.constant 0 : i32
    %c0_i32_0 = arith.constant 0 : i32
    return %c0_i32 : i32
  }
  func.func @transform_3(%arg0: i32) -> (i32, i32) {
    %c0_i32 = arith.constant 0 : i32
    %c0_i32_0 = arith.constant 0 : i32
    return %arg0, %c0_i32 : i32, i32
  }
}

module attributes {stable_mosaic.version = 14 : i64} {
  func.func @_slot_body(%arg0: i32, %arg1: memref<1x1x4096xf32, #tpu.memory_space<vmem>>, %arg2: memref<1x4096x1xf32, #tpu.memory_space<vmem>>, %arg3: memref<1x1x4096xi32, #tpu.memory_space<vmem>>, %arg4: memref<1x1x4096xf32, #tpu.memory_space<vmem>>, %arg5: memref<1x2176x1xi32, #tpu.memory_space<vmem>>) attributes {dimension_semantics = [#tpu.dimension_semantics<arbitrary>], iteration_bounds = array<i64: 4>, scalar_prefetch = 0 : i64, scratch_operands = 0 : i64, tpu.core_type = #tpu.core_type<tc>, window_params = [{transform_indices = @transform_0, window_bounds = array<i64: 1, 1, 4096>}, {transform_indices = @transform_1, window_bounds = array<i64: 1, 4096, 1>}, {transform_indices = @transform_2, window_bounds = array<i64: 1, 1, 4096>}, {transform_indices = @transform_3, window_bounds = array<i64: 1, 1, 4096>}, {transform_indices = @transform_4, window_bounds = array<i64: 1, 2176, 1>}]} {
    %get3A = arith.constant 0 : index
    %get3A_0 = arith.constant 0 : index
    %get3A_1 = arith.constant 0 : index
    %get3A_2 = vector.load %arg1[%get3A, %get3A_0, %get3A_1] : memref<1x1x4096xf32, #tpu.memory_space<vmem>>, vector<1x1x4096xf32>
    %get3A_3 = vector.shape_cast %get3A_2 : vector<1x1x4096xf32> to vector<1x4096xf32>
    %get3A_4 = arith.constant 0 : index
    %get3A_5 = arith.constant 0 : index
    %get3A_6 = arith.constant 0 : index
    %get3A_7 = vector.load %arg2[%get3A_4, %get3A_5, %get3A_6] : memref<1x4096x1xf32, #tpu.memory_space<vmem>>, vector<1x4096x1xf32>
    %get3A_8 = vector.shape_cast %get3A_7 : vector<1x4096x1xf32> to vector<4096x1xf32>
    %iota3A = tpu.iota {dimensions = array<i32: 1>} : vector<1x4096xi32>
    %broadcast_in_dim3A = arith.constant 0.000000e+00 : f32
    %broadcast_in_dim3A_9 = vector.broadcast %broadcast_in_dim3A : f32 to vector<1x4096xf32>
    %broadcast_in_dim3A_10 = arith.constant 0.000000e+00 : f32
    %broadcast_in_dim3A_11 = vector.broadcast %broadcast_in_dim3A_10 : f32 to vector<1x4096xf32>
    %broadcast_in_dim3A_12 = arith.constant 1.000000e+00 : bf16
    %broadcast_in_dim3A_13 = vector.broadcast %broadcast_in_dim3A_12 : bf16 to vector<1x512xbf16>
    %slice3A = vector.extract_strided_slice %get3A_8 {offsets = [0, 0], sizes = [512, 1], strides = [1, 1]} : vector<4096x1xf32> to vector<512x1xf32>
    %iota3A_14 = tpu.iota {dimensions = array<i32: 0>} : vector<512x1xi32>
    %add3A = arith.constant 0 : i32
    %add3A_15 = vector.broadcast %add3A : i32 to vector<512x1xi32>
    %add3A_16 = arith.addi %iota3A_14, %add3A_15 : vector<512x1xi32>
    %gt3A = vector.broadcast %slice3A : vector<512x1xf32> to vector<512x4096xf32>
    %gt3A_17 = vector.broadcast %get3A_3 : vector<1x4096xf32> to vector<512x4096xf32>
    %gt3A_18 = arith.cmpf ogt, %gt3A, %gt3A_17 : vector<512x4096xf32>
    %convert_element_type3A = arith.extui %gt3A_18 : vector<512x4096xi1> to vector<512x4096xi32>
    %convert_element_type3A_19 = arith.sitofp %convert_element_type3A : vector<512x4096xi32> to vector<512x4096xf32>
    %convert_element_type3A_20 = arith.truncf %convert_element_type3A_19 : vector<512x4096xf32> to vector<512x4096xbf16>
    %dot_general3A = arith.constant dense<0.000000e+00> : vector<1x4096xf32>
    %dot_general3A_21 = tpu.matmul %broadcast_in_dim3A_13, %convert_element_type3A_20, %dot_general3A {dimension_numbers = #tpu.dot_dimension_numbers<[1], [0], [0], [1], [0, 0, 1, 1], [], []>, transpose_lhs_hint = false} : vector<1x512xbf16>, vector<512x4096xbf16>, vector<1x4096xf32> -> vector<1x4096xf32>
    %add3A_22 = arith.addf %broadcast_in_dim3A_9, %dot_general3A_21 : vector<1x4096xf32>
    %eq3A = vector.broadcast %slice3A : vector<512x1xf32> to vector<512x4096xf32>
    %eq3A_23 = vector.broadcast %get3A_3 : vector<1x4096xf32> to vector<512x4096xf32>
    %eq3A_24 = arith.cmpf oeq, %eq3A, %eq3A_23 : vector<512x4096xf32>
    %lt3A = vector.broadcast %add3A_16 : vector<512x1xi32> to vector<512x4096xi32>
    %lt3A_25 = vector.broadcast %iota3A : vector<1x4096xi32> to vector<512x4096xi32>
    %lt3A_26 = arith.cmpi slt, %lt3A, %lt3A_25 : vector<512x4096xi32>
    %and3A = arith.andi %eq3A_24, %lt3A_26 : vector<512x4096xi1>
    %convert_element_type3A_27 = arith.extui %and3A : vector<512x4096xi1> to vector<512x4096xi32>
    %convert_element_type3A_28 = arith.sitofp %convert_element_type3A_27 : vector<512x4096xi32> to vector<512x4096xf32>
    %convert_element_type3A_29 = arith.truncf %convert_element_type3A_28 : vector<512x4096xf32> to vector<512x4096xbf16>
    %dot_general3A_30 = arith.constant dense<0.000000e+00> : vector<1x4096xf32>
    %dot_general3A_31 = tpu.matmul %broadcast_in_dim3A_13, %convert_element_type3A_29, %dot_general3A_30 {dimension_numbers = #tpu.dot_dimension_numbers<[1], [0], [0], [1], [0, 0, 1, 1], [], []>, transpose_lhs_hint = false} : vector<1x512xbf16>, vector<512x4096xbf16>, vector<1x4096xf32> -> vector<1x4096xf32>
    %add3A_32 = arith.addf %broadcast_in_dim3A_11, %dot_general3A_31 : vector<1x4096xf32>
    %slice3A_33 = vector.extract_strided_slice %get3A_8 {offsets = [512, 0], sizes = [512, 1], strides = [1, 1]} : vector<4096x1xf32> to vector<512x1xf32>
    %iota3A_34 = tpu.iota {dimensions = array<i32: 0>} : vector<512x1xi32>
    %add3A_35 = arith.constant 512 : i32
    %add3A_36 = vector.broadcast %add3A_35 : i32 to vector<512x1xi32>
    %add3A_37 = arith.addi %iota3A_34, %add3A_36 : vector<512x1xi32>
    %gt3A_38 = vector.broadcast %slice3A_33 : vector<512x1xf32> to vector<512x4096xf32>
    %gt3A_39 = vector.broadcast %get3A_3 : vector<1x4096xf32> to vector<512x4096xf32>
    %gt3A_40 = arith.cmpf ogt, %gt3A_38, %gt3A_39 : vector<512x4096xf32>
    %convert_element_type3A_41 = arith.extui %gt3A_40 : vector<512x4096xi1> to vector<512x4096xi32>
    %convert_element_type3A_42 = arith.sitofp %convert_element_type3A_41 : vector<512x4096xi32> to vector<512x4096xf32>
    %convert_element_type3A_43 = arith.truncf %convert_element_type3A_42 : vector<512x4096xf32> to vector<512x4096xbf16>
    %dot_general3A_44 = arith.constant dense<0.000000e+00> : vector<1x4096xf32>
    %dot_general3A_45 = tpu.matmul %broadcast_in_dim3A_13, %convert_element_type3A_43, %dot_general3A_44 {dimension_numbers = #tpu.dot_dimension_numbers<[1], [0], [0], [1], [0, 0, 1, 1], [], []>, transpose_lhs_hint = false} : vector<1x512xbf16>, vector<512x4096xbf16>, vector<1x4096xf32> -> vector<1x4096xf32>
    %add3A_46 = arith.addf %add3A_22, %dot_general3A_45 : vector<1x4096xf32>
    %eq3A_47 = vector.broadcast %slice3A_33 : vector<512x1xf32> to vector<512x4096xf32>
    %eq3A_48 = vector.broadcast %get3A_3 : vector<1x4096xf32> to vector<512x4096xf32>
    %eq3A_49 = arith.cmpf oeq, %eq3A_47, %eq3A_48 : vector<512x4096xf32>
    %lt3A_50 = vector.broadcast %add3A_37 : vector<512x1xi32> to vector<512x4096xi32>
    %lt3A_51 = vector.broadcast %iota3A : vector<1x4096xi32> to vector<512x4096xi32>
    %lt3A_52 = arith.cmpi slt, %lt3A_50, %lt3A_51 : vector<512x4096xi32>
    %and3A_53 = arith.andi %eq3A_49, %lt3A_52 : vector<512x4096xi1>
    %convert_element_type3A_54 = arith.extui %and3A_53 : vector<512x4096xi1> to vector<512x4096xi32>
    %convert_element_type3A_55 = arith.sitofp %convert_element_type3A_54 : vector<512x4096xi32> to vector<512x4096xf32>
    %convert_element_type3A_56 = arith.truncf %convert_element_type3A_55 : vector<512x4096xf32> to vector<512x4096xbf16>
    %dot_general3A_57 = arith.constant dense<0.000000e+00> : vector<1x4096xf32>
    %dot_general3A_58 = tpu.matmul %broadcast_in_dim3A_13, %convert_element_type3A_56, %dot_general3A_57 {dimension_numbers = #tpu.dot_dimension_numbers<[1], [0], [0], [1], [0, 0, 1, 1], [], []>, transpose_lhs_hint = false} : vector<1x512xbf16>, vector<512x4096xbf16>, vector<1x4096xf32> -> vector<1x4096xf32>
    %add3A_59 = arith.addf %add3A_32, %dot_general3A_58 : vector<1x4096xf32>
    %slice3A_60 = vector.extract_strided_slice %get3A_8 {offsets = [1024, 0], sizes = [512, 1], strides = [1, 1]} : vector<4096x1xf32> to vector<512x1xf32>
    %iota3A_61 = tpu.iota {dimensions = array<i32: 0>} : vector<512x1xi32>
    %add3A_62 = arith.constant 1024 : i32
    %add3A_63 = vector.broadcast %add3A_62 : i32 to vector<512x1xi32>
    %add3A_64 = arith.addi %iota3A_61, %add3A_63 : vector<512x1xi32>
    %gt3A_65 = vector.broadcast %slice3A_60 : vector<512x1xf32> to vector<512x4096xf32>
    %gt3A_66 = vector.broadcast %get3A_3 : vector<1x4096xf32> to vector<512x4096xf32>
    %gt3A_67 = arith.cmpf ogt, %gt3A_65, %gt3A_66 : vector<512x4096xf32>
    %convert_element_type3A_68 = arith.extui %gt3A_67 : vector<512x4096xi1> to vector<512x4096xi32>
    %convert_element_type3A_69 = arith.sitofp %convert_element_type3A_68 : vector<512x4096xi32> to vector<512x4096xf32>
    %convert_element_type3A_70 = arith.truncf %convert_element_type3A_69 : vector<512x4096xf32> to vector<512x4096xbf16>
    %dot_general3A_71 = arith.constant dense<0.000000e+00> : vector<1x4096xf32>
    %dot_general3A_72 = tpu.matmul %broadcast_in_dim3A_13, %convert_element_type3A_70, %dot_general3A_71 {dimension_numbers = #tpu.dot_dimension_numbers<[1], [0], [0], [1], [0, 0, 1, 1], [], []>, transpose_lhs_hint = false} : vector<1x512xbf16>, vector<512x4096xbf16>, vector<1x4096xf32> -> vector<1x4096xf32>
    %add3A_73 = arith.addf %add3A_46, %dot_general3A_72 : vector<1x4096xf32>
    %eq3A_74 = vector.broadcast %slice3A_60 : vector<512x1xf32> to vector<512x4096xf32>
    %eq3A_75 = vector.broadcast %get3A_3 : vector<1x4096xf32> to vector<512x4096xf32>
    %eq3A_76 = arith.cmpf oeq, %eq3A_74, %eq3A_75 : vector<512x4096xf32>
    %lt3A_77 = vector.broadcast %add3A_64 : vector<512x1xi32> to vector<512x4096xi32>
    %lt3A_78 = vector.broadcast %iota3A : vector<1x4096xi32> to vector<512x4096xi32>
    %lt3A_79 = arith.cmpi slt, %lt3A_77, %lt3A_78 : vector<512x4096xi32>
    %and3A_80 = arith.andi %eq3A_76, %lt3A_79 : vector<512x4096xi1>
    %convert_element_type3A_81 = arith.extui %and3A_80 : vector<512x4096xi1> to vector<512x4096xi32>
    %convert_element_type3A_82 = arith.sitofp %convert_element_type3A_81 : vector<512x4096xi32> to vector<512x4096xf32>
    %convert_element_type3A_83 = arith.truncf %convert_element_type3A_82 : vector<512x4096xf32> to vector<512x4096xbf16>
    %dot_general3A_84 = arith.constant dense<0.000000e+00> : vector<1x4096xf32>
    %dot_general3A_85 = tpu.matmul %broadcast_in_dim3A_13, %convert_element_type3A_83, %dot_general3A_84 {dimension_numbers = #tpu.dot_dimension_numbers<[1], [0], [0], [1], [0, 0, 1, 1], [], []>, transpose_lhs_hint = false} : vector<1x512xbf16>, vector<512x4096xbf16>, vector<1x4096xf32> -> vector<1x4096xf32>
    %add3A_86 = arith.addf %add3A_59, %dot_general3A_85 : vector<1x4096xf32>
    %slice3A_87 = vector.extract_strided_slice %get3A_8 {offsets = [1536, 0], sizes = [512, 1], strides = [1, 1]} : vector<4096x1xf32> to vector<512x1xf32>
    %iota3A_88 = tpu.iota {dimensions = array<i32: 0>} : vector<512x1xi32>
    %add3A_89 = arith.constant 1536 : i32
    %add3A_90 = vector.broadcast %add3A_89 : i32 to vector<512x1xi32>
    %add3A_91 = arith.addi %iota3A_88, %add3A_90 : vector<512x1xi32>
    %gt3A_92 = vector.broadcast %slice3A_87 : vector<512x1xf32> to vector<512x4096xf32>
    %gt3A_93 = vector.broadcast %get3A_3 : vector<1x4096xf32> to vector<512x4096xf32>
    %gt3A_94 = arith.cmpf ogt, %gt3A_92, %gt3A_93 : vector<512x4096xf32>
    %convert_element_type3A_95 = arith.extui %gt3A_94 : vector<512x4096xi1> to vector<512x4096xi32>
    %convert_element_type3A_96 = arith.sitofp %convert_element_type3A_95 : vector<512x4096xi32> to vector<512x4096xf32>
    %convert_element_type3A_97 = arith.truncf %convert_element_type3A_96 : vector<512x4096xf32> to vector<512x4096xbf16>
    %dot_general3A_98 = arith.constant dense<0.000000e+00> : vector<1x4096xf32>
    %dot_general3A_99 = tpu.matmul %broadcast_in_dim3A_13, %convert_element_type3A_97, %dot_general3A_98 {dimension_numbers = #tpu.dot_dimension_numbers<[1], [0], [0], [1], [0, 0, 1, 1], [], []>, transpose_lhs_hint = false} : vector<1x512xbf16>, vector<512x4096xbf16>, vector<1x4096xf32> -> vector<1x4096xf32>
    %add3A_100 = arith.addf %add3A_73, %dot_general3A_99 : vector<1x4096xf32>
    %eq3A_101 = vector.broadcast %slice3A_87 : vector<512x1xf32> to vector<512x4096xf32>
    %eq3A_102 = vector.broadcast %get3A_3 : vector<1x4096xf32> to vector<512x4096xf32>
    %eq3A_103 = arith.cmpf oeq, %eq3A_101, %eq3A_102 : vector<512x4096xf32>
    %lt3A_104 = vector.broadcast %add3A_91 : vector<512x1xi32> to vector<512x4096xi32>
    %lt3A_105 = vector.broadcast %iota3A : vector<1x4096xi32> to vector<512x4096xi32>
    %lt3A_106 = arith.cmpi slt, %lt3A_104, %lt3A_105 : vector<512x4096xi32>
    %and3A_107 = arith.andi %eq3A_103, %lt3A_106 : vector<512x4096xi1>
    %convert_element_type3A_108 = arith.extui %and3A_107 : vector<512x4096xi1> to vector<512x4096xi32>
    %convert_element_type3A_109 = arith.sitofp %convert_element_type3A_108 : vector<512x4096xi32> to vector<512x4096xf32>
    %convert_element_type3A_110 = arith.truncf %convert_element_type3A_109 : vector<512x4096xf32> to vector<512x4096xbf16>
    %dot_general3A_111 = arith.constant dense<0.000000e+00> : vector<1x4096xf32>
    %dot_general3A_112 = tpu.matmul %broadcast_in_dim3A_13, %convert_element_type3A_110, %dot_general3A_111 {dimension_numbers = #tpu.dot_dimension_numbers<[1], [0], [0], [1], [0, 0, 1, 1], [], []>, transpose_lhs_hint = false} : vector<1x512xbf16>, vector<512x4096xbf16>, vector<1x4096xf32> -> vector<1x4096xf32>
    %add3A_113 = arith.addf %add3A_86, %dot_general3A_112 : vector<1x4096xf32>
    %slice3A_114 = vector.extract_strided_slice %get3A_8 {offsets = [2048, 0], sizes = [512, 1], strides = [1, 1]} : vector<4096x1xf32> to vector<512x1xf32>
    %iota3A_115 = tpu.iota {dimensions = array<i32: 0>} : vector<512x1xi32>
    %add3A_116 = arith.constant 2048 : i32
    %add3A_117 = vector.broadcast %add3A_116 : i32 to vector<512x1xi32>
    %add3A_118 = arith.addi %iota3A_115, %add3A_117 : vector<512x1xi32>
    %gt3A_119 = vector.broadcast %slice3A_114 : vector<512x1xf32> to vector<512x4096xf32>
    %gt3A_120 = vector.broadcast %get3A_3 : vector<1x4096xf32> to vector<512x4096xf32>
    %gt3A_121 = arith.cmpf ogt, %gt3A_119, %gt3A_120 : vector<512x4096xf32>
    %convert_element_type3A_122 = arith.extui %gt3A_121 : vector<512x4096xi1> to vector<512x4096xi32>
    %convert_element_type3A_123 = arith.sitofp %convert_element_type3A_122 : vector<512x4096xi32> to vector<512x4096xf32>
    %convert_element_type3A_124 = arith.truncf %convert_element_type3A_123 : vector<512x4096xf32> to vector<512x4096xbf16>
    %dot_general3A_125 = arith.constant dense<0.000000e+00> : vector<1x4096xf32>
    %dot_general3A_126 = tpu.matmul %broadcast_in_dim3A_13, %convert_element_type3A_124, %dot_general3A_125 {dimension_numbers = #tpu.dot_dimension_numbers<[1], [0], [0], [1], [0, 0, 1, 1], [], []>, transpose_lhs_hint = false} : vector<1x512xbf16>, vector<512x4096xbf16>, vector<1x4096xf32> -> vector<1x4096xf32>
    %add3A_127 = arith.addf %add3A_100, %dot_general3A_126 : vector<1x4096xf32>
    %eq3A_128 = vector.broadcast %slice3A_114 : vector<512x1xf32> to vector<512x4096xf32>
    %eq3A_129 = vector.broadcast %get3A_3 : vector<1x4096xf32> to vector<512x4096xf32>
    %eq3A_130 = arith.cmpf oeq, %eq3A_128, %eq3A_129 : vector<512x4096xf32>
    %lt3A_131 = vector.broadcast %add3A_118 : vector<512x1xi32> to vector<512x4096xi32>
    %lt3A_132 = vector.broadcast %iota3A : vector<1x4096xi32> to vector<512x4096xi32>
    %lt3A_133 = arith.cmpi slt, %lt3A_131, %lt3A_132 : vector<512x4096xi32>
    %and3A_134 = arith.andi %eq3A_130, %lt3A_133 : vector<512x4096xi1>
    %convert_element_type3A_135 = arith.extui %and3A_134 : vector<512x4096xi1> to vector<512x4096xi32>
    %convert_element_type3A_136 = arith.sitofp %convert_element_type3A_135 : vector<512x4096xi32> to vector<512x4096xf32>
    %convert_element_type3A_137 = arith.truncf %convert_element_type3A_136 : vector<512x4096xf32> to vector<512x4096xbf16>
    %dot_general3A_138 = arith.constant dense<0.000000e+00> : vector<1x4096xf32>
    %dot_general3A_139 = tpu.matmul %broadcast_in_dim3A_13, %convert_element_type3A_137, %dot_general3A_138 {dimension_numbers = #tpu.dot_dimension_numbers<[1], [0], [0], [1], [0, 0, 1, 1], [], []>, transpose_lhs_hint = false} : vector<1x512xbf16>, vector<512x4096xbf16>, vector<1x4096xf32> -> vector<1x4096xf32>
    %add3A_140 = arith.addf %add3A_113, %dot_general3A_139 : vector<1x4096xf32>
    %slice3A_141 = vector.extract_strided_slice %get3A_8 {offsets = [2560, 0], sizes = [512, 1], strides = [1, 1]} : vector<4096x1xf32> to vector<512x1xf32>
    %iota3A_142 = tpu.iota {dimensions = array<i32: 0>} : vector<512x1xi32>
    %add3A_143 = arith.constant 2560 : i32
    %add3A_144 = vector.broadcast %add3A_143 : i32 to vector<512x1xi32>
    %add3A_145 = arith.addi %iota3A_142, %add3A_144 : vector<512x1xi32>
    %gt3A_146 = vector.broadcast %slice3A_141 : vector<512x1xf32> to vector<512x4096xf32>
    %gt3A_147 = vector.broadcast %get3A_3 : vector<1x4096xf32> to vector<512x4096xf32>
    %gt3A_148 = arith.cmpf ogt, %gt3A_146, %gt3A_147 : vector<512x4096xf32>
    %convert_element_type3A_149 = arith.extui %gt3A_148 : vector<512x4096xi1> to vector<512x4096xi32>
    %convert_element_type3A_150 = arith.sitofp %convert_element_type3A_149 : vector<512x4096xi32> to vector<512x4096xf32>
    %convert_element_type3A_151 = arith.truncf %convert_element_type3A_150 : vector<512x4096xf32> to vector<512x4096xbf16>
    %dot_general3A_152 = arith.constant dense<0.000000e+00> : vector<1x4096xf32>
    %dot_general3A_153 = tpu.matmul %broadcast_in_dim3A_13, %convert_element_type3A_151, %dot_general3A_152 {dimension_numbers = #tpu.dot_dimension_numbers<[1], [0], [0], [1], [0, 0, 1, 1], [], []>, transpose_lhs_hint = false} : vector<1x512xbf16>, vector<512x4096xbf16>, vector<1x4096xf32> -> vector<1x4096xf32>
    %add3A_154 = arith.addf %add3A_127, %dot_general3A_153 : vector<1x4096xf32>
    %eq3A_155 = vector.broadcast %slice3A_141 : vector<512x1xf32> to vector<512x4096xf32>
    %eq3A_156 = vector.broadcast %get3A_3 : vector<1x4096xf32> to vector<512x4096xf32>
    %eq3A_157 = arith.cmpf oeq, %eq3A_155, %eq3A_156 : vector<512x4096xf32>
    %lt3A_158 = vector.broadcast %add3A_145 : vector<512x1xi32> to vector<512x4096xi32>
    %lt3A_159 = vector.broadcast %iota3A : vector<1x4096xi32> to vector<512x4096xi32>
    %lt3A_160 = arith.cmpi slt, %lt3A_158, %lt3A_159 : vector<512x4096xi32>
    %and3A_161 = arith.andi %eq3A_157, %lt3A_160 : vector<512x4096xi1>
    %convert_element_type3A_162 = arith.extui %and3A_161 : vector<512x4096xi1> to vector<512x4096xi32>
    %convert_element_type3A_163 = arith.sitofp %convert_element_type3A_162 : vector<512x4096xi32> to vector<512x4096xf32>
    %convert_element_type3A_164 = arith.truncf %convert_element_type3A_163 : vector<512x4096xf32> to vector<512x4096xbf16>
    %dot_general3A_165 = arith.constant dense<0.000000e+00> : vector<1x4096xf32>
    %dot_general3A_166 = tpu.matmul %broadcast_in_dim3A_13, %convert_element_type3A_164, %dot_general3A_165 {dimension_numbers = #tpu.dot_dimension_numbers<[1], [0], [0], [1], [0, 0, 1, 1], [], []>, transpose_lhs_hint = false} : vector<1x512xbf16>, vector<512x4096xbf16>, vector<1x4096xf32> -> vector<1x4096xf32>
    %add3A_167 = arith.addf %add3A_140, %dot_general3A_166 : vector<1x4096xf32>
    %slice3A_168 = vector.extract_strided_slice %get3A_8 {offsets = [3072, 0], sizes = [512, 1], strides = [1, 1]} : vector<4096x1xf32> to vector<512x1xf32>
    %iota3A_169 = tpu.iota {dimensions = array<i32: 0>} : vector<512x1xi32>
    %add3A_170 = arith.constant 3072 : i32
    %add3A_171 = vector.broadcast %add3A_170 : i32 to vector<512x1xi32>
    %add3A_172 = arith.addi %iota3A_169, %add3A_171 : vector<512x1xi32>
    %gt3A_173 = vector.broadcast %slice3A_168 : vector<512x1xf32> to vector<512x4096xf32>
    %gt3A_174 = vector.broadcast %get3A_3 : vector<1x4096xf32> to vector<512x4096xf32>
    %gt3A_175 = arith.cmpf ogt, %gt3A_173, %gt3A_174 : vector<512x4096xf32>
    %convert_element_type3A_176 = arith.extui %gt3A_175 : vector<512x4096xi1> to vector<512x4096xi32>
    %convert_element_type3A_177 = arith.sitofp %convert_element_type3A_176 : vector<512x4096xi32> to vector<512x4096xf32>
    %convert_element_type3A_178 = arith.truncf %convert_element_type3A_177 : vector<512x4096xf32> to vector<512x4096xbf16>
    %dot_general3A_179 = arith.constant dense<0.000000e+00> : vector<1x4096xf32>
    %dot_general3A_180 = tpu.matmul %broadcast_in_dim3A_13, %convert_element_type3A_178, %dot_general3A_179 {dimension_numbers = #tpu.dot_dimension_numbers<[1], [0], [0], [1], [0, 0, 1, 1], [], []>, transpose_lhs_hint = false} : vector<1x512xbf16>, vector<512x4096xbf16>, vector<1x4096xf32> -> vector<1x4096xf32>
    %add3A_181 = arith.addf %add3A_154, %dot_general3A_180 : vector<1x4096xf32>
    %eq3A_182 = vector.broadcast %slice3A_168 : vector<512x1xf32> to vector<512x4096xf32>
    %eq3A_183 = vector.broadcast %get3A_3 : vector<1x4096xf32> to vector<512x4096xf32>
    %eq3A_184 = arith.cmpf oeq, %eq3A_182, %eq3A_183 : vector<512x4096xf32>
    %lt3A_185 = vector.broadcast %add3A_172 : vector<512x1xi32> to vector<512x4096xi32>
    %lt3A_186 = vector.broadcast %iota3A : vector<1x4096xi32> to vector<512x4096xi32>
    %lt3A_187 = arith.cmpi slt, %lt3A_185, %lt3A_186 : vector<512x4096xi32>
    %and3A_188 = arith.andi %eq3A_184, %lt3A_187 : vector<512x4096xi1>
    %convert_element_type3A_189 = arith.extui %and3A_188 : vector<512x4096xi1> to vector<512x4096xi32>
    %convert_element_type3A_190 = arith.sitofp %convert_element_type3A_189 : vector<512x4096xi32> to vector<512x4096xf32>
    %convert_element_type3A_191 = arith.truncf %convert_element_type3A_190 : vector<512x4096xf32> to vector<512x4096xbf16>
    %dot_general3A_192 = arith.constant dense<0.000000e+00> : vector<1x4096xf32>
    %dot_general3A_193 = tpu.matmul %broadcast_in_dim3A_13, %convert_element_type3A_191, %dot_general3A_192 {dimension_numbers = #tpu.dot_dimension_numbers<[1], [0], [0], [1], [0, 0, 1, 1], [], []>, transpose_lhs_hint = false} : vector<1x512xbf16>, vector<512x4096xbf16>, vector<1x4096xf32> -> vector<1x4096xf32>
    %add3A_194 = arith.addf %add3A_167, %dot_general3A_193 : vector<1x4096xf32>
    %slice3A_195 = vector.extract_strided_slice %get3A_8 {offsets = [3584, 0], sizes = [512, 1], strides = [1, 1]} : vector<4096x1xf32> to vector<512x1xf32>
    %iota3A_196 = tpu.iota {dimensions = array<i32: 0>} : vector<512x1xi32>
    %add3A_197 = arith.constant 3584 : i32
    %add3A_198 = vector.broadcast %add3A_197 : i32 to vector<512x1xi32>
    %add3A_199 = arith.addi %iota3A_196, %add3A_198 : vector<512x1xi32>
    %gt3A_200 = vector.broadcast %slice3A_195 : vector<512x1xf32> to vector<512x4096xf32>
    %gt3A_201 = vector.broadcast %get3A_3 : vector<1x4096xf32> to vector<512x4096xf32>
    %gt3A_202 = arith.cmpf ogt, %gt3A_200, %gt3A_201 : vector<512x4096xf32>
    %convert_element_type3A_203 = arith.extui %gt3A_202 : vector<512x4096xi1> to vector<512x4096xi32>
    %convert_element_type3A_204 = arith.sitofp %convert_element_type3A_203 : vector<512x4096xi32> to vector<512x4096xf32>
    %convert_element_type3A_205 = arith.truncf %convert_element_type3A_204 : vector<512x4096xf32> to vector<512x4096xbf16>
    %dot_general3A_206 = arith.constant dense<0.000000e+00> : vector<1x4096xf32>
    %dot_general3A_207 = tpu.matmul %broadcast_in_dim3A_13, %convert_element_type3A_205, %dot_general3A_206 {dimension_numbers = #tpu.dot_dimension_numbers<[1], [0], [0], [1], [0, 0, 1, 1], [], []>, transpose_lhs_hint = false} : vector<1x512xbf16>, vector<512x4096xbf16>, vector<1x4096xf32> -> vector<1x4096xf32>
    %add3A_208 = arith.addf %add3A_181, %dot_general3A_207 : vector<1x4096xf32>
    %eq3A_209 = vector.broadcast %slice3A_195 : vector<512x1xf32> to vector<512x4096xf32>
    %eq3A_210 = vector.broadcast %get3A_3 : vector<1x4096xf32> to vector<512x4096xf32>
    %eq3A_211 = arith.cmpf oeq, %eq3A_209, %eq3A_210 : vector<512x4096xf32>
    %lt3A_212 = vector.broadcast %add3A_199 : vector<512x1xi32> to vector<512x4096xi32>
    %lt3A_213 = vector.broadcast %iota3A : vector<1x4096xi32> to vector<512x4096xi32>
    %lt3A_214 = arith.cmpi slt, %lt3A_212, %lt3A_213 : vector<512x4096xi32>
    %and3A_215 = arith.andi %eq3A_211, %lt3A_214 : vector<512x4096xi1>
    %convert_element_type3A_216 = arith.extui %and3A_215 : vector<512x4096xi1> to vector<512x4096xi32>
    %convert_element_type3A_217 = arith.sitofp %convert_element_type3A_216 : vector<512x4096xi32> to vector<512x4096xf32>
    %convert_element_type3A_218 = arith.truncf %convert_element_type3A_217 : vector<512x4096xf32> to vector<512x4096xbf16>
    %dot_general3A_219 = arith.constant dense<0.000000e+00> : vector<1x4096xf32>
    %dot_general3A_220 = tpu.matmul %broadcast_in_dim3A_13, %convert_element_type3A_218, %dot_general3A_219 {dimension_numbers = #tpu.dot_dimension_numbers<[1], [0], [0], [1], [0, 0, 1, 1], [], []>, transpose_lhs_hint = false} : vector<1x512xbf16>, vector<512x4096xbf16>, vector<1x4096xf32> -> vector<1x4096xf32>
    %add3A_221 = arith.addf %add3A_194, %dot_general3A_220 : vector<1x4096xf32>
    %lt3A_222 = arith.constant 2.048000e+03 : f32
    %lt3A_223 = vector.broadcast %lt3A_222 : f32 to vector<1x4096xf32>
    %lt3A_224 = arith.cmpf olt, %add3A_208, %lt3A_223 : vector<1x4096xf32>
    %add3A_225 = arith.addf %add3A_208, %add3A_221 : vector<1x4096xf32>
    %convert_element_type3A_226 = arith.extui %lt3A_224 : vector<1x4096xi1> to vector<1x4096xi32>
    %convert_element_type3A_227 = arith.sitofp %convert_element_type3A_226 : vector<1x4096xi32> to vector<1x4096xf32>
    %swap3A = arith.constant 0 : index
    %swap3A_228 = arith.constant 0 : index
    %swap3A_229 = arith.constant 0 : index
    %swap3A_230 = vector.load %arg4[%swap3A, %swap3A_228, %swap3A_229] : memref<1x1x4096xf32, #tpu.memory_space<vmem>>, vector<1x1x4096xf32>
    %swap3A_231 = vector.shape_cast %swap3A_230 : vector<1x1x4096xf32> to vector<1x4096xf32>
    %swap3A_232 = vector.shape_cast %convert_element_type3A_227 : vector<1x4096xf32> to vector<1x1x4096xf32>
    tpu.vector_store %arg4[%swap3A, %swap3A_228, %swap3A_229], %swap3A_232 {strides = array<i32>} : memref<1x1x4096xf32, #tpu.memory_space<vmem>>, vector<1x1x4096xf32>,
    %mul3A = arith.constant 2176 : i32
    %mul3A_233 = arith.muli %arg0, %mul3A : i32
    %jit3A = arith.constant 0.000000e+00 : f32
    %broadcast_in_dim3A_234 = vector.broadcast %jit3A : f32 to vector<1x4096xf32>
    %select_n3A = arith.select %lt3A_224, %add3A_225, %broadcast_in_dim3A_234 : vector<1x4096xi1>, vector<1x4096xf32>
    %convert_element_type3A_235 = arith.sitofp %mul3A_233 : i32 to f32
    %add3A_236 = vector.broadcast %convert_element_type3A_235 : f32 to vector<1x4096xf32>
    %add3A_237 = arith.addf %add3A_236, %select_n3A : vector<1x4096xf32>
    %convert_element_type3A_238 = arith.fptosi %add3A_237 : vector<1x4096xf32> to vector<1x4096xi32>
    %swap3A_239 = arith.constant 0 : index
    %swap3A_240 = arith.constant 0 : index
    %swap3A_241 = arith.constant 0 : index
    %swap3A_242 = vector.load %arg3[%swap3A_239, %swap3A_240, %swap3A_241] : memref<1x1x4096xi32, #tpu.memory_space<vmem>>, vector<1x1x4096xi32>
    %swap3A_243 = vector.shape_cast %swap3A_242 : vector<1x1x4096xi32> to vector<1x4096xi32>
    %swap3A_244 = vector.shape_cast %convert_element_type3A_238 : vector<1x4096xi32> to vector<1x1x4096xi32>
    tpu.vector_store %arg3[%swap3A_239, %swap3A_240, %swap3A_241], %swap3A_244 {strides = array<i32>} : memref<1x1x4096xi32, #tpu.memory_space<vmem>>, vector<1x1x4096xi32>,
    %iota3A_245 = tpu.iota {dimensions = array<i32: 0>} : vector<2176x1xi32>
    %convert_element_type3A_246 = arith.sitofp %iota3A_245 : vector<2176x1xi32> to vector<2176x1xf32>
    %jit3A_247 = arith.constant -1.000000e+00 : f32
    %broadcast_in_dim3A_248 = vector.broadcast %jit3A_247 : f32 to vector<1x4096xf32>
    %select_n3A_249 = arith.select %lt3A_224, %add3A_225, %broadcast_in_dim3A_248 : vector<1x4096xi1>, vector<1x4096xf32>
    %broadcast_in_dim3A_250 = arith.constant 0.000000e+00 : f32
    %broadcast_in_dim3A_251 = vector.broadcast %broadcast_in_dim3A_250 : f32 to vector<2176x1xf32>
    %broadcast_in_dim3A_252 = arith.constant 0.000000e+00 : f32
    %broadcast_in_dim3A_253 = vector.broadcast %broadcast_in_dim3A_252 : f32 to vector<2176x1xf32>
    %slice3A_254 = vector.extract_strided_slice %select_n3A_249 {offsets = [0, 0], sizes = [1, 512], strides = [1, 1]} : vector<1x4096xf32> to vector<1x512xf32>
    %iota3A_255 = tpu.iota {dimensions = array<i32: 0>} : vector<512x1xi32>
    %add3A_256 = arith.constant 0 : i32
    %add3A_257 = vector.broadcast %add3A_256 : i32 to vector<512x1xi32>
    %add3A_258 = arith.addi %iota3A_255, %add3A_257 : vector<512x1xi32>
    %mul3A_259 = arith.constant 4096 : i32
    %mul3A_260 = arith.muli %arg0, %mul3A_259 : i32
    %add3A_261 = vector.broadcast %mul3A_260 : i32 to vector<512x1xi32>
    %add3A_262 = arith.addi %add3A_258, %add3A_261 : vector<512x1xi32>
    %shift_right_arithmetic3A = arith.constant 7 : i32
    %shift_right_arithmetic3A_263 = vector.broadcast %shift_right_arithmetic3A : i32 to vector<512x1xi32>
    %shift_right_arithmetic3A_264 = arith.shrsi %add3A_262, %shift_right_arithmetic3A_263 : vector<512x1xi32>
    %convert_element_type3A_265 = arith.sitofp %shift_right_arithmetic3A_264 : vector<512x1xi32> to vector<512x1xbf16>
    %and3A_266 = arith.constant 127 : i32
    %and3A_267 = vector.broadcast %and3A_266 : i32 to vector<512x1xi32>
    %and3A_268 = arith.andi %add3A_262, %and3A_267 : vector<512x1xi32>
    %convert_element_type3A_269 = arith.sitofp %and3A_268 : vector<512x1xi32> to vector<512x1xbf16>
    %eq3A_270 = vector.broadcast %convert_element_type3A_246 : vector<2176x1xf32> to vector<2176x512xf32>
    %eq3A_271 = vector.broadcast %slice3A_254 : vector<1x512xf32> to vector<2176x512xf32>
    %eq3A_272 = arith.cmpf oeq, %eq3A_270, %eq3A_271 : vector<2176x512xf32>
    %convert_element_type3A_273 = arith.extui %eq3A_272 : vector<2176x512xi1> to vector<2176x512xi32>
    %convert_element_type3A_274 = arith.sitofp %convert_element_type3A_273 : vector<2176x512xi32> to vector<2176x512xf32>
    %convert_element_type3A_275 = arith.truncf %convert_element_type3A_274 : vector<2176x512xf32> to vector<2176x512xbf16>
    %dot_general3A_276 = arith.constant dense<0.000000e+00> : vector<2176x1xf32>
    %dot_general3A_277 = tpu.matmul %convert_element_type3A_275, %convert_element_type3A_265, %dot_general3A_276 {dimension_numbers = #tpu.dot_dimension_numbers<[1], [0], [0], [1], [0, 0, 1, 1], [], []>, transpose_lhs_hint = false} : vector<2176x512xbf16>, vector<512x1xbf16>, vector<2176x1xf32> -> vector<2176x1xf32>
    %add3A_278 = arith.addf %broadcast_in_dim3A_251, %dot_general3A_277 : vector<2176x1xf32>
    %dot_general3A_279 = arith.constant dense<0.000000e+00> : vector<2176x1xf32>
    %dot_general3A_280 = tpu.matmul %convert_element_type3A_275, %convert_element_type3A_269, %dot_general3A_279 {dimension_numbers = #tpu.dot_dimension_numbers<[1], [0], [0], [1], [0, 0, 1, 1], [], []>, transpose_lhs_hint = false} : vector<2176x512xbf16>, vector<512x1xbf16>, vector<2176x1xf32> -> vector<2176x1xf32>
    %add3A_281 = arith.addf %broadcast_in_dim3A_253, %dot_general3A_280 : vector<2176x1xf32>
    %slice3A_282 = vector.extract_strided_slice %select_n3A_249 {offsets = [0, 512], sizes = [1, 512], strides = [1, 1]} : vector<1x4096xf32> to vector<1x512xf32>
    %iota3A_283 = tpu.iota {dimensions = array<i32: 0>} : vector<512x1xi32>
    %add3A_284 = arith.constant 512 : i32
    %add3A_285 = vector.broadcast %add3A_284 : i32 to vector<512x1xi32>
    %add3A_286 = arith.addi %iota3A_283, %add3A_285 : vector<512x1xi32>
    %mul3A_287 = arith.constant 4096 : i32
    %mul3A_288 = arith.muli %arg0, %mul3A_287 : i32
    %add3A_289 = vector.broadcast %mul3A_288 : i32 to vector<512x1xi32>
    %add3A_290 = arith.addi %add3A_286, %add3A_289 : vector<512x1xi32>
    %shift_right_arithmetic3A_291 = arith.constant 7 : i32
    %shift_right_arithmetic3A_292 = vector.broadcast %shift_right_arithmetic3A_291 : i32 to vector<512x1xi32>
    %shift_right_arithmetic3A_293 = arith.shrsi %add3A_290, %shift_right_arithmetic3A_292 : vector<512x1xi32>
    %convert_element_type3A_294 = arith.sitofp %shift_right_arithmetic3A_293 : vector<512x1xi32> to vector<512x1xbf16>
    %and3A_295 = arith.constant 127 : i32
    %and3A_296 = vector.broadcast %and3A_295 : i32 to vector<512x1xi32>
    %and3A_297 = arith.andi %add3A_290, %and3A_296 : vector<512x1xi32>
    %convert_element_type3A_298 = arith.sitofp %and3A_297 : vector<512x1xi32> to vector<512x1xbf16>
    %eq3A_299 = vector.broadcast %convert_element_type3A_246 : vector<2176x1xf32> to vector<2176x512xf32>
    %eq3A_300 = vector.broadcast %slice3A_282 : vector<1x512xf32> to vector<2176x512xf32>
    %eq3A_301 = arith.cmpf oeq, %eq3A_299, %eq3A_300 : vector<2176x512xf32>
    %convert_element_type3A_302 = arith.extui %eq3A_301 : vector<2176x512xi1> to vector<2176x512xi32>
    %convert_element_type3A_303 = arith.sitofp %convert_element_type3A_302 : vector<2176x512xi32> to vector<2176x512xf32>
    %convert_element_type3A_304 = arith.truncf %convert_element_type3A_303 : vector<2176x512xf32> to vector<2176x512xbf16>
    %dot_general3A_305 = arith.constant dense<0.000000e+00> : vector<2176x1xf32>
    %dot_general3A_306 = tpu.matmul %convert_element_type3A_304, %convert_element_type3A_294, %dot_general3A_305 {dimension_numbers = #tpu.dot_dimension_numbers<[1], [0], [0], [1], [0, 0, 1, 1], [], []>, transpose_lhs_hint = false} : vector<2176x512xbf16>, vector<512x1xbf16>, vector<2176x1xf32> -> vector<2176x1xf32>
    %add3A_307 = arith.addf %add3A_278, %dot_general3A_306 : vector<2176x1xf32>
    %dot_general3A_308 = arith.constant dense<0.000000e+00> : vector<2176x1xf32>
    %dot_general3A_309 = tpu.matmul %convert_element_type3A_304, %convert_element_type3A_298, %dot_general3A_308 {dimension_numbers = #tpu.dot_dimension_numbers<[1], [0], [0], [1], [0, 0, 1, 1], [], []>, transpose_lhs_hint = false} : vector<2176x512xbf16>, vector<512x1xbf16>, vector<2176x1xf32> -> vector<2176x1xf32>
    %add3A_310 = arith.addf %add3A_281, %dot_general3A_309 : vector<2176x1xf32>
    %slice3A_311 = vector.extract_strided_slice %select_n3A_249 {offsets = [0, 1024], sizes = [1, 512], strides = [1, 1]} : vector<1x4096xf32> to vector<1x512xf32>
    %iota3A_312 = tpu.iota {dimensions = array<i32: 0>} : vector<512x1xi32>
    %add3A_313 = arith.constant 1024 : i32
    %add3A_314 = vector.broadcast %add3A_313 : i32 to vector<512x1xi32>
    %add3A_315 = arith.addi %iota3A_312, %add3A_314 : vector<512x1xi32>
    %mul3A_316 = arith.constant 4096 : i32
    %mul3A_317 = arith.muli %arg0, %mul3A_316 : i32
    %add3A_318 = vector.broadcast %mul3A_317 : i32 to vector<512x1xi32>
    %add3A_319 = arith.addi %add3A_315, %add3A_318 : vector<512x1xi32>
    %shift_right_arithmetic3A_320 = arith.constant 7 : i32
    %shift_right_arithmetic3A_321 = vector.broadcast %shift_right_arithmetic3A_320 : i32 to vector<512x1xi32>
    %shift_right_arithmetic3A_322 = arith.shrsi %add3A_319, %shift_right_arithmetic3A_321 : vector<512x1xi32>
    %convert_element_type3A_323 = arith.sitofp %shift_right_arithmetic3A_322 : vector<512x1xi32> to vector<512x1xbf16>
    %and3A_324 = arith.constant 127 : i32
    %and3A_325 = vector.broadcast %and3A_324 : i32 to vector<512x1xi32>
    %and3A_326 = arith.andi %add3A_319, %and3A_325 : vector<512x1xi32>
    %convert_element_type3A_327 = arith.sitofp %and3A_326 : vector<512x1xi32> to vector<512x1xbf16>
    %eq3A_328 = vector.broadcast %convert_element_type3A_246 : vector<2176x1xf32> to vector<2176x512xf32>
    %eq3A_329 = vector.broadcast %slice3A_311 : vector<1x512xf32> to vector<2176x512xf32>
    %eq3A_330 = arith.cmpf oeq, %eq3A_328, %eq3A_329 : vector<2176x512xf32>
    %convert_element_type3A_331 = arith.extui %eq3A_330 : vector<2176x512xi1> to vector<2176x512xi32>
    %convert_element_type3A_332 = arith.sitofp %convert_element_type3A_331 : vector<2176x512xi32> to vector<2176x512xf32>
    %convert_element_type3A_333 = arith.truncf %convert_element_type3A_332 : vector<2176x512xf32> to vector<2176x512xbf16>
    %dot_general3A_334 = arith.constant dense<0.000000e+00> : vector<2176x1xf32>
    %dot_general3A_335 = tpu.matmul %convert_element_type3A_333, %convert_element_type3A_323, %dot_general3A_334 {dimension_numbers = #tpu.dot_dimension_numbers<[1], [0], [0], [1], [0, 0, 1, 1], [], []>, transpose_lhs_hint = false} : vector<2176x512xbf16>, vector<512x1xbf16>, vector<2176x1xf32> -> vector<2176x1xf32>
    %add3A_336 = arith.addf %add3A_307, %dot_general3A_335 : vector<2176x1xf32>
    %dot_general3A_337 = arith.constant dense<0.000000e+00> : vector<2176x1xf32>
    %dot_general3A_338 = tpu.matmul %convert_element_type3A_333, %convert_element_type3A_327, %dot_general3A_337 {dimension_numbers = #tpu.dot_dimension_numbers<[1], [0], [0], [1], [0, 0, 1, 1], [], []>, transpose_lhs_hint = false} : vector<2176x512xbf16>, vector<512x1xbf16>, vector<2176x1xf32> -> vector<2176x1xf32>
    %add3A_339 = arith.addf %add3A_310, %dot_general3A_338 : vector<2176x1xf32>
    %slice3A_340 = vector.extract_strided_slice %select_n3A_249 {offsets = [0, 1536], sizes = [1, 512], strides = [1, 1]} : vector<1x4096xf32> to vector<1x512xf32>
    %iota3A_341 = tpu.iota {dimensions = array<i32: 0>} : vector<512x1xi32>
    %add3A_342 = arith.constant 1536 : i32
    %add3A_343 = vector.broadcast %add3A_342 : i32 to vector<512x1xi32>
    %add3A_344 = arith.addi %iota3A_341, %add3A_343 : vector<512x1xi32>
    %mul3A_345 = arith.constant 4096 : i32
    %mul3A_346 = arith.muli %arg0, %mul3A_345 : i32
    %add3A_347 = vector.broadcast %mul3A_346 : i32 to vector<512x1xi32>
    %add3A_348 = arith.addi %add3A_344, %add3A_347 : vector<512x1xi32>
    %shift_right_arithmetic3A_349 = arith.constant 7 : i32
    %shift_right_arithmetic3A_350 = vector.broadcast %shift_right_arithmetic3A_349 : i32 to vector<512x1xi32>
    %shift_right_arithmetic3A_351 = arith.shrsi %add3A_348, %shift_right_arithmetic3A_350 : vector<512x1xi32>
    %convert_element_type3A_352 = arith.sitofp %shift_right_arithmetic3A_351 : vector<512x1xi32> to vector<512x1xbf16>
    %and3A_353 = arith.constant 127 : i32
    %and3A_354 = vector.broadcast %and3A_353 : i32 to vector<512x1xi32>
    %and3A_355 = arith.andi %add3A_348, %and3A_354 : vector<512x1xi32>
    %convert_element_type3A_356 = arith.sitofp %and3A_355 : vector<512x1xi32> to vector<512x1xbf16>
    %eq3A_357 = vector.broadcast %convert_element_type3A_246 : vector<2176x1xf32> to vector<2176x512xf32>
    %eq3A_358 = vector.broadcast %slice3A_340 : vector<1x512xf32> to vector<2176x512xf32>
    %eq3A_359 = arith.cmpf oeq, %eq3A_357, %eq3A_358 : vector<2176x512xf32>
    %convert_element_type3A_360 = arith.extui %eq3A_359 : vector<2176x512xi1> to vector<2176x512xi32>
    %convert_element_type3A_361 = arith.sitofp %convert_element_type3A_360 : vector<2176x512xi32> to vector<2176x512xf32>
    %convert_element_type3A_362 = arith.truncf %convert_element_type3A_361 : vector<2176x512xf32> to vector<2176x512xbf16>
    %dot_general3A_363 = arith.constant dense<0.000000e+00> : vector<2176x1xf32>
    %dot_general3A_364 = tpu.matmul %convert_element_type3A_362, %convert_element_type3A_352, %dot_general3A_363 {dimension_numbers = #tpu.dot_dimension_numbers<[1], [0], [0], [1], [0, 0, 1, 1], [], []>, transpose_lhs_hint = false} : vector<2176x512xbf16>, vector<512x1xbf16>, vector<2176x1xf32> -> vector<2176x1xf32>
    %add3A_365 = arith.addf %add3A_336, %dot_general3A_364 : vector<2176x1xf32>
    %dot_general3A_366 = arith.constant dense<0.000000e+00> : vector<2176x1xf32>
    %dot_general3A_367 = tpu.matmul %convert_element_type3A_362, %convert_element_type3A_356, %dot_general3A_366 {dimension_numbers = #tpu.dot_dimension_numbers<[1], [0], [0], [1], [0, 0, 1, 1], [], []>, transpose_lhs_hint = false} : vector<2176x512xbf16>, vector<512x1xbf16>, vector<2176x1xf32> -> vector<2176x1xf32>
    %add3A_368 = arith.addf %add3A_339, %dot_general3A_367 : vector<2176x1xf32>
    %slice3A_369 = vector.extract_strided_slice %select_n3A_249 {offsets = [0, 2048], sizes = [1, 512], strides = [1, 1]} : vector<1x4096xf32> to vector<1x512xf32>
    %iota3A_370 = tpu.iota {dimensions = array<i32: 0>} : vector<512x1xi32>
    %add3A_371 = arith.constant 2048 : i32
    %add3A_372 = vector.broadcast %add3A_371 : i32 to vector<512x1xi32>
    %add3A_373 = arith.addi %iota3A_370, %add3A_372 : vector<512x1xi32>
    %mul3A_374 = arith.constant 4096 : i32
    %mul3A_375 = arith.muli %arg0, %mul3A_374 : i32
    %add3A_376 = vector.broadcast %mul3A_375 : i32 to vector<512x1xi32>
    %add3A_377 = arith.addi %add3A_373, %add3A_376 : vector<512x1xi32>
    %shift_right_arithmetic3A_378 = arith.constant 7 : i32
    %shift_right_arithmetic3A_379 = vector.broadcast %shift_right_arithmetic3A_378 : i32 to vector<512x1xi32>
    %shift_right_arithmetic3A_380 = arith.shrsi %add3A_377, %shift_right_arithmetic3A_379 : vector<512x1xi32>
    %convert_element_type3A_381 = arith.sitofp %shift_right_arithmetic3A_380 : vector<512x1xi32> to vector<512x1xbf16>
    %and3A_382 = arith.constant 127 : i32
    %and3A_383 = vector.broadcast %and3A_382 : i32 to vector<512x1xi32>
    %and3A_384 = arith.andi %add3A_377, %and3A_383 : vector<512x1xi32>
    %convert_element_type3A_385 = arith.sitofp %and3A_384 : vector<512x1xi32> to vector<512x1xbf16>
    %eq3A_386 = vector.broadcast %convert_element_type3A_246 : vector<2176x1xf32> to vector<2176x512xf32>
    %eq3A_387 = vector.broadcast %slice3A_369 : vector<1x512xf32> to vector<2176x512xf32>
    %eq3A_388 = arith.cmpf oeq, %eq3A_386, %eq3A_387 : vector<2176x512xf32>
    %convert_element_type3A_389 = arith.extui %eq3A_388 : vector<2176x512xi1> to vector<2176x512xi32>
    %convert_element_type3A_390 = arith.sitofp %convert_element_type3A_389 : vector<2176x512xi32> to vector<2176x512xf32>
    %convert_element_type3A_391 = arith.truncf %convert_element_type3A_390 : vector<2176x512xf32> to vector<2176x512xbf16>
    %dot_general3A_392 = arith.constant dense<0.000000e+00> : vector<2176x1xf32>
    %dot_general3A_393 = tpu.matmul %convert_element_type3A_391, %convert_element_type3A_381, %dot_general3A_392 {dimension_numbers = #tpu.dot_dimension_numbers<[1], [0], [0], [1], [0, 0, 1, 1], [], []>, transpose_lhs_hint = false} : vector<2176x512xbf16>, vector<512x1xbf16>, vector<2176x1xf32> -> vector<2176x1xf32>
    %add3A_394 = arith.addf %add3A_365, %dot_general3A_393 : vector<2176x1xf32>
    %dot_general3A_395 = arith.constant dense<0.000000e+00> : vector<2176x1xf32>
    %dot_general3A_396 = tpu.matmul %convert_element_type3A_391, %convert_element_type3A_385, %dot_general3A_395 {dimension_numbers = #tpu.dot_dimension_numbers<[1], [0], [0], [1], [0, 0, 1, 1], [], []>, transpose_lhs_hint = false} : vector<2176x512xbf16>, vector<512x1xbf16>, vector<2176x1xf32> -> vector<2176x1xf32>
    %add3A_397 = arith.addf %add3A_368, %dot_general3A_396 : vector<2176x1xf32>
    %slice3A_398 = vector.extract_strided_slice %select_n3A_249 {offsets = [0, 2560], sizes = [1, 512], strides = [1, 1]} : vector<1x4096xf32> to vector<1x512xf32>
    %iota3A_399 = tpu.iota {dimensions = array<i32: 0>} : vector<512x1xi32>
    %add3A_400 = arith.constant 2560 : i32
    %add3A_401 = vector.broadcast %add3A_400 : i32 to vector<512x1xi32>
    %add3A_402 = arith.addi %iota3A_399, %add3A_401 : vector<512x1xi32>
    %mul3A_403 = arith.constant 4096 : i32
    %mul3A_404 = arith.muli %arg0, %mul3A_403 : i32
    %add3A_405 = vector.broadcast %mul3A_404 : i32 to vector<512x1xi32>
    %add3A_406 = arith.addi %add3A_402, %add3A_405 : vector<512x1xi32>
    %shift_right_arithmetic3A_407 = arith.constant 7 : i32
    %shift_right_arithmetic3A_408 = vector.broadcast %shift_right_arithmetic3A_407 : i32 to vector<512x1xi32>
    %shift_right_arithmetic3A_409 = arith.shrsi %add3A_406, %shift_right_arithmetic3A_408 : vector<512x1xi32>
    %convert_element_type3A_410 = arith.sitofp %shift_right_arithmetic3A_409 : vector<512x1xi32> to vector<512x1xbf16>
    %and3A_411 = arith.constant 127 : i32
    %and3A_412 = vector.broadcast %and3A_411 : i32 to vector<512x1xi32>
    %and3A_413 = arith.andi %add3A_406, %and3A_412 : vector<512x1xi32>
    %convert_element_type3A_414 = arith.sitofp %and3A_413 : vector<512x1xi32> to vector<512x1xbf16>
    %eq3A_415 = vector.broadcast %convert_element_type3A_246 : vector<2176x1xf32> to vector<2176x512xf32>
    %eq3A_416 = vector.broadcast %slice3A_398 : vector<1x512xf32> to vector<2176x512xf32>
    %eq3A_417 = arith.cmpf oeq, %eq3A_415, %eq3A_416 : vector<2176x512xf32>
    %convert_element_type3A_418 = arith.extui %eq3A_417 : vector<2176x512xi1> to vector<2176x512xi32>
    %convert_element_type3A_419 = arith.sitofp %convert_element_type3A_418 : vector<2176x512xi32> to vector<2176x512xf32>
    %convert_element_type3A_420 = arith.truncf %convert_element_type3A_419 : vector<2176x512xf32> to vector<2176x512xbf16>
    %dot_general3A_421 = arith.constant dense<0.000000e+00> : vector<2176x1xf32>
    %dot_general3A_422 = tpu.matmul %convert_element_type3A_420, %convert_element_type3A_410, %dot_general3A_421 {dimension_numbers = #tpu.dot_dimension_numbers<[1], [0], [0], [1], [0, 0, 1, 1], [], []>, transpose_lhs_hint = false} : vector<2176x512xbf16>, vector<512x1xbf16>, vector<2176x1xf32> -> vector<2176x1xf32>
    %add3A_423 = arith.addf %add3A_394, %dot_general3A_422 : vector<2176x1xf32>
    %dot_general3A_424 = arith.constant dense<0.000000e+00> : vector<2176x1xf32>
    %dot_general3A_425 = tpu.matmul %convert_element_type3A_420, %convert_element_type3A_414, %dot_general3A_424 {dimension_numbers = #tpu.dot_dimension_numbers<[1], [0], [0], [1], [0, 0, 1, 1], [], []>, transpose_lhs_hint = false} : vector<2176x512xbf16>, vector<512x1xbf16>, vector<2176x1xf32> -> vector<2176x1xf32>
    %add3A_426 = arith.addf %add3A_397, %dot_general3A_425 : vector<2176x1xf32>
    %slice3A_427 = vector.extract_strided_slice %select_n3A_249 {offsets = [0, 3072], sizes = [1, 512], strides = [1, 1]} : vector<1x4096xf32> to vector<1x512xf32>
    %iota3A_428 = tpu.iota {dimensions = array<i32: 0>} : vector<512x1xi32>
    %add3A_429 = arith.constant 3072 : i32
    %add3A_430 = vector.broadcast %add3A_429 : i32 to vector<512x1xi32>
    %add3A_431 = arith.addi %iota3A_428, %add3A_430 : vector<512x1xi32>
    %mul3A_432 = arith.constant 4096 : i32
    %mul3A_433 = arith.muli %arg0, %mul3A_432 : i32
    %add3A_434 = vector.broadcast %mul3A_433 : i32 to vector<512x1xi32>
    %add3A_435 = arith.addi %add3A_431, %add3A_434 : vector<512x1xi32>
    %shift_right_arithmetic3A_436 = arith.constant 7 : i32
    %shift_right_arithmetic3A_437 = vector.broadcast %shift_right_arithmetic3A_436 : i32 to vector<512x1xi32>
    %shift_right_arithmetic3A_438 = arith.shrsi %add3A_435, %shift_right_arithmetic3A_437 : vector<512x1xi32>
    %convert_element_type3A_439 = arith.sitofp %shift_right_arithmetic3A_438 : vector<512x1xi32> to vector<512x1xbf16>
    %and3A_440 = arith.constant 127 : i32
    %and3A_441 = vector.broadcast %and3A_440 : i32 to vector<512x1xi32>
    %and3A_442 = arith.andi %add3A_435, %and3A_441 : vector<512x1xi32>
    %convert_element_type3A_443 = arith.sitofp %and3A_442 : vector<512x1xi32> to vector<512x1xbf16>
    %eq3A_444 = vector.broadcast %convert_element_type3A_246 : vector<2176x1xf32> to vector<2176x512xf32>
    %eq3A_445 = vector.broadcast %slice3A_427 : vector<1x512xf32> to vector<2176x512xf32>
    %eq3A_446 = arith.cmpf oeq, %eq3A_444, %eq3A_445 : vector<2176x512xf32>
    %convert_element_type3A_447 = arith.extui %eq3A_446 : vector<2176x512xi1> to vector<2176x512xi32>
    %convert_element_type3A_448 = arith.sitofp %convert_element_type3A_447 : vector<2176x512xi32> to vector<2176x512xf32>
    %convert_element_type3A_449 = arith.truncf %convert_element_type3A_448 : vector<2176x512xf32> to vector<2176x512xbf16>
    %dot_general3A_450 = arith.constant dense<0.000000e+00> : vector<2176x1xf32>
    %dot_general3A_451 = tpu.matmul %convert_element_type3A_449, %convert_element_type3A_439, %dot_general3A_450 {dimension_numbers = #tpu.dot_dimension_numbers<[1], [0], [0], [1], [0, 0, 1, 1], [], []>, transpose_lhs_hint = false} : vector<2176x512xbf16>, vector<512x1xbf16>, vector<2176x1xf32> -> vector<2176x1xf32>
    %add3A_452 = arith.addf %add3A_423, %dot_general3A_451 : vector<2176x1xf32>
    %dot_general3A_453 = arith.constant dense<0.000000e+00> : vector<2176x1xf32>
    %dot_general3A_454 = tpu.matmul %convert_element_type3A_449, %convert_element_type3A_443, %dot_general3A_453 {dimension_numbers = #tpu.dot_dimension_numbers<[1], [0], [0], [1], [0, 0, 1, 1], [], []>, transpose_lhs_hint = false} : vector<2176x512xbf16>, vector<512x1xbf16>, vector<2176x1xf32> -> vector<2176x1xf32>
    %add3A_455 = arith.addf %add3A_426, %dot_general3A_454 : vector<2176x1xf32>
    %slice3A_456 = vector.extract_strided_slice %select_n3A_249 {offsets = [0, 3584], sizes = [1, 512], strides = [1, 1]} : vector<1x4096xf32> to vector<1x512xf32>
    %iota3A_457 = tpu.iota {dimensions = array<i32: 0>} : vector<512x1xi32>
    %add3A_458 = arith.constant 3584 : i32
    %add3A_459 = vector.broadcast %add3A_458 : i32 to vector<512x1xi32>
    %add3A_460 = arith.addi %iota3A_457, %add3A_459 : vector<512x1xi32>
    %mul3A_461 = arith.constant 4096 : i32
    %mul3A_462 = arith.muli %arg0, %mul3A_461 : i32
    %add3A_463 = vector.broadcast %mul3A_462 : i32 to vector<512x1xi32>
    %add3A_464 = arith.addi %add3A_460, %add3A_463 : vector<512x1xi32>
    %shift_right_arithmetic3A_465 = arith.constant 7 : i32
    %shift_right_arithmetic3A_466 = vector.broadcast %shift_right_arithmetic3A_465 : i32 to vector<512x1xi32>
    %shift_right_arithmetic3A_467 = arith.shrsi %add3A_464, %shift_right_arithmetic3A_466 : vector<512x1xi32>
    %convert_element_type3A_468 = arith.sitofp %shift_right_arithmetic3A_467 : vector<512x1xi32> to vector<512x1xbf16>
    %and3A_469 = arith.constant 127 : i32
    %and3A_470 = vector.broadcast %and3A_469 : i32 to vector<512x1xi32>
    %and3A_471 = arith.andi %add3A_464, %and3A_470 : vector<512x1xi32>
    %convert_element_type3A_472 = arith.sitofp %and3A_471 : vector<512x1xi32> to vector<512x1xbf16>
    %eq3A_473 = vector.broadcast %convert_element_type3A_246 : vector<2176x1xf32> to vector<2176x512xf32>
    %eq3A_474 = vector.broadcast %slice3A_456 : vector<1x512xf32> to vector<2176x512xf32>
    %eq3A_475 = arith.cmpf oeq, %eq3A_473, %eq3A_474 : vector<2176x512xf32>
    %convert_element_type3A_476 = arith.extui %eq3A_475 : vector<2176x512xi1> to vector<2176x512xi32>
    %convert_element_type3A_477 = arith.sitofp %convert_element_type3A_476 : vector<2176x512xi32> to vector<2176x512xf32>
    %convert_element_type3A_478 = arith.truncf %convert_element_type3A_477 : vector<2176x512xf32> to vector<2176x512xbf16>
    %dot_general3A_479 = arith.constant dense<0.000000e+00> : vector<2176x1xf32>
    %dot_general3A_480 = tpu.matmul %convert_element_type3A_478, %convert_element_type3A_468, %dot_general3A_479 {dimension_numbers = #tpu.dot_dimension_numbers<[1], [0], [0], [1], [0, 0, 1, 1], [], []>, transpose_lhs_hint = false} : vector<2176x512xbf16>, vector<512x1xbf16>, vector<2176x1xf32> -> vector<2176x1xf32>
    %add3A_481 = arith.addf %add3A_452, %dot_general3A_480 : vector<2176x1xf32>
    %dot_general3A_482 = arith.constant dense<0.000000e+00> : vector<2176x1xf32>
    %dot_general3A_483 = tpu.matmul %convert_element_type3A_478, %convert_element_type3A_472, %dot_general3A_482 {dimension_numbers = #tpu.dot_dimension_numbers<[1], [0], [0], [1], [0, 0, 1, 1], [], []>, transpose_lhs_hint = false} : vector<2176x512xbf16>, vector<512x1xbf16>, vector<2176x1xf32> -> vector<2176x1xf32>
    %add3A_484 = arith.addf %add3A_455, %dot_general3A_483 : vector<2176x1xf32>
    %mul3A_485 = arith.constant 1.280000e+02 : f32
    %mul3A_486 = vector.broadcast %mul3A_485 : f32 to vector<2176x1xf32>
    %mul3A_487 = arith.mulf %mul3A_486, %add3A_481 : vector<2176x1xf32>
    %add3A_488 = arith.addf %mul3A_487, %add3A_484 : vector<2176x1xf32>
    %convert_element_type3A_489 = arith.fptosi %add3A_488 : vector<2176x1xf32> to vector<2176x1xi32>
    %swap3A_490 = arith.constant 0 : index
    %swap3A_491 = arith.constant 0 : index
    %swap3A_492 = arith.constant 0 : index
    %swap3A_493 = vector.load %arg5[%swap3A_490, %swap3A_491, %swap3A_492] : memref<1x2176x1xi32, #tpu.memory_space<vmem>>, vector<1x2176x1xi32>
    %swap3A_494 = vector.shape_cast %swap3A_493 : vector<1x2176x1xi32> to vector<2176x1xi32>
    %swap3A_495 = vector.shape_cast %convert_element_type3A_489 : vector<2176x1xi32> to vector<1x2176x1xi32>
    tpu.vector_store %arg5[%swap3A_490, %swap3A_491, %swap3A_492], %swap3A_495 {strides = array<i32>} : memref<1x2176x1xi32, #tpu.memory_space<vmem>>, vector<1x2176x1xi32>,
    return
  }
  func.func @transform_0(%arg0: i32) -> (i32, i32, i32) {
    %c0_i32 = arith.constant 0 : i32
    %c0_i32_0 = arith.constant 0 : i32
    %c0_i32_1 = arith.constant 0 : i32
    return %arg0, %c0_i32, %c0_i32_0 : i32, i32, i32
  }
  func.func @transform_1(%arg0: i32) -> (i32, i32, i32) {
    %c0_i32 = arith.constant 0 : i32
    %c0_i32_0 = arith.constant 0 : i32
    %c0_i32_1 = arith.constant 0 : i32
    return %arg0, %c0_i32, %c0_i32_0 : i32, i32, i32
  }
  func.func @transform_2(%arg0: i32) -> (i32, i32, i32) {
    %c0_i32 = arith.constant 0 : i32
    %c0_i32_0 = arith.constant 0 : i32
    %c0_i32_1 = arith.constant 0 : i32
    return %arg0, %c0_i32, %c0_i32_0 : i32, i32, i32
  }
  func.func @transform_3(%arg0: i32) -> (i32, i32, i32) {
    %c0_i32 = arith.constant 0 : i32
    %c0_i32_0 = arith.constant 0 : i32
    %c0_i32_1 = arith.constant 0 : i32
    return %arg0, %c0_i32, %c0_i32_0 : i32, i32, i32
  }
  func.func @transform_4(%arg0: i32) -> (i32, i32, i32) {
    %c0_i32 = arith.constant 0 : i32
    %c0_i32_0 = arith.constant 0 : i32
    %c0_i32_1 = arith.constant 0 : i32
    return %arg0, %c0_i32, %c0_i32_0 : i32, i32, i32
  }
}

module attributes {stable_mosaic.version = 14 : i64} {
  func.func @_block_body(%arg0: i32, %arg1: memref<256x768xf32, #tpu.memory_space<vmem>>, %arg2: memref<768x768xbf16, #tpu.memory_space<vmem>>, %arg3: memref<768x768xbf16, #tpu.memory_space<vmem>>, %arg4: memref<1x768xf32, #tpu.memory_space<vmem>>, %arg5: memref<1x768xf32, #tpu.memory_space<vmem>>, %arg6: memref<768x3072xbf16, #tpu.memory_space<vmem>>, %arg7: memref<768x3072xbf16, #tpu.memory_space<vmem>>, %arg8: memref<3072x768xbf16, #tpu.memory_space<vmem>>, %arg9: memref<256x768xf32, #tpu.memory_space<vmem>>, %arg10: memref<768x768xbf16, #tpu.memory_space<vmem>>) attributes {dimension_semantics = [#tpu.dimension_semantics<arbitrary>], iteration_bounds = array<i64: 34>, scalar_prefetch = 0 : i64, scratch_operands = 1 : i64, tpu.core_type = #tpu.core_type<tc>, window_params = [{transform_indices = @transform_0, window_bounds = array<i64: 256, 768>}, {pipeline_mode = #tpu.pipeline_mode<synchronous>, transform_indices = @transform_1, window_bounds = array<i64: 768, 768>}, {pipeline_mode = #tpu.pipeline_mode<synchronous>, transform_indices = @transform_2, window_bounds = array<i64: 768, 768>}, {pipeline_mode = #tpu.pipeline_mode<synchronous>, transform_indices = @transform_3, window_bounds = array<i64: 1, 768>}, {pipeline_mode = #tpu.pipeline_mode<synchronous>, transform_indices = @transform_4, window_bounds = array<i64: 1, 768>}, {pipeline_mode = #tpu.pipeline_mode<synchronous>, transform_indices = @transform_5, window_bounds = array<i64: 768, 3072>}, {pipeline_mode = #tpu.pipeline_mode<synchronous>, transform_indices = @transform_6, window_bounds = array<i64: 768, 3072>}, {pipeline_mode = #tpu.pipeline_mode<synchronous>, transform_indices = @transform_7, window_bounds = array<i64: 3072, 768>}, {transform_indices = @transform_8, window_bounds = array<i64: 256, 768>}]} {
    %eq3A = arith.constant 0 : i32
    %eq3A_0 = arith.cmpi eq, %arg0, %eq3A : i32
    %convert_element_type3A = arith.extui %eq3A_0 : i1 to i32
    %cond3A = arith.constant 0 : i32
    %cond3A_1 = arith.cmpi ne, %convert_element_type3A, %cond3A : i32
    scf.if %cond3A_1 {
      %get3A_67 = arith.constant 0 : index
      %get3A_68 = arith.constant 0 : index
      %get3A_69 = vector.load %arg2[%get3A_67, %get3A_68] : memref<768x768xbf16, #tpu.memory_space<vmem>>, vector<768x768xbf16>
      %get3A_70 = arith.constant 0 : index
      %get3A_71 = arith.constant 0 : index
      %get3A_72 = vector.load %arg3[%get3A_70, %get3A_71] : memref<768x768xbf16, #tpu.memory_space<vmem>>, vector<768x768xbf16>
      %dot_general3A_73 = arith.constant dense<0.000000e+00> : vector<768x768xf32>
      %dot_general3A_74 = tpu.matmul %get3A_69, %get3A_72, %dot_general3A_73 {dimension_numbers = #tpu.dot_dimension_numbers<[1], [0], [0], [1], [0, 0, 1, 1], [], []>, transpose_lhs_hint = false} : vector<768x768xbf16>, vector<768x768xbf16>, vector<768x768xf32> -> vector<768x768xf32>
      %convert_element_type3A_75 = arith.truncf %dot_general3A_74 : vector<768x768xf32> to vector<768x768xbf16>
      %swap3A_76 = arith.constant 0 : index
      %swap3A_77 = arith.constant 0 : index
      %swap3A_78 = vector.load %arg10[%swap3A_76, %swap3A_77] : memref<768x768xbf16, #tpu.memory_space<vmem>>, vector<768x768xbf16>
      tpu.vector_store %arg10[%swap3A_76, %swap3A_77], %convert_element_type3A_75 {strides = array<i32>} : memref<768x768xbf16, #tpu.memory_space<vmem>>, vector<768x768xbf16>,
    } else {
    }
    %get3A = arith.constant 0 : index
    %get3A_2 = arith.constant 0 : index
    %get3A_3 = vector.load %arg1[%get3A, %get3A_2] : memref<256x768xf32, #tpu.memory_space<vmem>>, vector<256x768xf32>
    %mul3A = arith.mulf %get3A_3, %get3A_3 : vector<256x768xf32>
    %reduce_sum3A = arith.constant dense<0.000000e+00> : vector<256xf32>
    %reduce_sum3A_4 = vector.multi_reduction <add>, %mul3A, %reduce_sum3A [1] : vector<256x768xf32> to vector<256xf32>
    %broadcast_in_dim3A = vector.shape_cast %reduce_sum3A_4 : vector<256xf32> to vector<256x1xf32>
    %div3A = arith.constant 7.680000e+02 : f32
    %div3A_5 = vector.broadcast %div3A : f32 to vector<256x1xf32>
    %div3A_6 = arith.divf %broadcast_in_dim3A, %div3A_5 : vector<256x1xf32>
    %add3A = arith.constant 9.99999974E-6 : f32
    %add3A_7 = vector.broadcast %add3A : f32 to vector<256x1xf32>
    %add3A_8 = arith.addf %div3A_6, %add3A_7 : vector<256x1xf32>
    %rsqrt3A = math.rsqrt %add3A_8 : vector<256x1xf32>
    %mul3A_9 = vector.broadcast %rsqrt3A : vector<256x1xf32> to vector<256x768xf32>
    %mul3A_10 = arith.mulf %get3A_3, %mul3A_9 : vector<256x768xf32>
    %get3A_11 = arith.constant 0 : index
    %get3A_12 = arith.constant 0 : index
    %get3A_13 = vector.load %arg4[%get3A_11, %get3A_12] : memref<1x768xf32, #tpu.memory_space<vmem>>, vector<1x768xf32>
    %mul3A_14 = vector.broadcast %get3A_13 : vector<1x768xf32> to vector<256x768xf32>
    %mul3A_15 = arith.mulf %mul3A_10, %mul3A_14 : vector<256x768xf32>
    %convert_element_type3A_16 = arith.truncf %mul3A_15 : vector<256x768xf32> to vector<256x768xbf16>
    %get3A_17 = arith.constant 0 : index
    %get3A_18 = arith.constant 0 : index
    %get3A_19 = vector.load %arg10[%get3A_17, %get3A_18] : memref<768x768xbf16, #tpu.memory_space<vmem>>, vector<768x768xbf16>
    %dot_general3A = arith.constant dense<0.000000e+00> : vector<256x768xf32>
    %dot_general3A_20 = tpu.matmul %convert_element_type3A_16, %get3A_19, %dot_general3A {dimension_numbers = #tpu.dot_dimension_numbers<[1], [0], [0], [1], [0, 0, 1, 1], [], []>, transpose_lhs_hint = false} : vector<256x768xbf16>, vector<768x768xbf16>, vector<256x768xf32> -> vector<256x768xf32>
    %add3A_21 = arith.addf %get3A_3, %dot_general3A_20 : vector<256x768xf32>
    %mul3A_22 = arith.mulf %add3A_21, %add3A_21 : vector<256x768xf32>
    %reduce_sum3A_23 = arith.constant dense<0.000000e+00> : vector<256xf32>
    %reduce_sum3A_24 = vector.multi_reduction <add>, %mul3A_22, %reduce_sum3A_23 [1] : vector<256x768xf32> to vector<256xf32>
    %broadcast_in_dim3A_25 = vector.shape_cast %reduce_sum3A_24 : vector<256xf32> to vector<256x1xf32>
    %div3A_26 = arith.constant 7.680000e+02 : f32
    %div3A_27 = vector.broadcast %div3A_26 : f32 to vector<256x1xf32>
    %div3A_28 = arith.divf %broadcast_in_dim3A_25, %div3A_27 : vector<256x1xf32>
    %add3A_29 = arith.constant 9.99999974E-6 : f32
    %add3A_30 = vector.broadcast %add3A_29 : f32 to vector<256x1xf32>
    %add3A_31 = arith.addf %div3A_28, %add3A_30 : vector<256x1xf32>
    %rsqrt3A_32 = math.rsqrt %add3A_31 : vector<256x1xf32>
    %mul3A_33 = vector.broadcast %rsqrt3A_32 : vector<256x1xf32> to vector<256x768xf32>
    %mul3A_34 = arith.mulf %add3A_21, %mul3A_33 : vector<256x768xf32>
    %get3A_35 = arith.constant 0 : index
    %get3A_36 = arith.constant 0 : index
    %get3A_37 = vector.load %arg5[%get3A_35, %get3A_36] : memref<1x768xf32, #tpu.memory_space<vmem>>, vector<1x768xf32>
    %mul3A_38 = vector.broadcast %get3A_37 : vector<1x768xf32> to vector<256x768xf32>
    %mul3A_39 = arith.mulf %mul3A_34, %mul3A_38 : vector<256x768xf32>
    %convert_element_type3A_40 = arith.truncf %mul3A_39 : vector<256x768xf32> to vector<256x768xbf16>
    %get3A_41 = arith.constant 0 : index
    %get3A_42 = arith.constant 0 : index
    %get3A_43 = vector.load %arg6[%get3A_41, %get3A_42] : memref<768x3072xbf16, #tpu.memory_space<vmem>>, vector<768x3072xbf16>
    %dot_general3A_44 = arith.constant dense<0.000000e+00> : vector<256x3072xf32>
    %dot_general3A_45 = tpu.matmul %convert_element_type3A_40, %get3A_43, %dot_general3A_44 {dimension_numbers = #tpu.dot_dimension_numbers<[1], [0], [0], [1], [0, 0, 1, 1], [], []>, transpose_lhs_hint = false} : vector<256x768xbf16>, vector<768x3072xbf16>, vector<256x3072xf32> -> vector<256x3072xf32>
    %get3A_46 = arith.constant 0 : index
    %get3A_47 = arith.constant 0 : index
    %get3A_48 = vector.load %arg7[%get3A_46, %get3A_47] : memref<768x3072xbf16, #tpu.memory_space<vmem>>, vector<768x3072xbf16>
    %dot_general3A_49 = arith.constant dense<0.000000e+00> : vector<256x3072xf32>
    %dot_general3A_50 = tpu.matmul %convert_element_type3A_40, %get3A_48, %dot_general3A_49 {dimension_numbers = #tpu.dot_dimension_numbers<[1], [0], [0], [1], [0, 0, 1, 1], [], []>, transpose_lhs_hint = false} : vector<256x768xbf16>, vector<768x3072xbf16>, vector<256x3072xf32> -> vector<256x3072xf32>
    %logistic3A = arith.negf %dot_general3A_45 : vector<256x3072xf32>
    %logistic3A_51 = math.exp %logistic3A : vector<256x3072xf32>
    %logistic3A_52 = arith.constant 1.000000e+00 : f32
    %logistic3A_53 = vector.broadcast %logistic3A_52 : f32 to vector<256x3072xf32>
    %logistic3A_54 = arith.addf %logistic3A_53, %logistic3A_51 : vector<256x3072xf32>
    %logistic3A_55 = arith.divf %logistic3A_53, %logistic3A_54 : vector<256x3072xf32>
    %mul3A_56 = arith.mulf %dot_general3A_45, %logistic3A_55 : vector<256x3072xf32>
    %mul3A_57 = arith.mulf %mul3A_56, %dot_general3A_50 : vector<256x3072xf32>
    %convert_element_type3A_58 = arith.truncf %mul3A_57 : vector<256x3072xf32> to vector<256x3072xbf16>
    %get3A_59 = arith.constant 0 : index
    %get3A_60 = arith.constant 0 : index
    %get3A_61 = vector.load %arg8[%get3A_59, %get3A_60] : memref<3072x768xbf16, #tpu.memory_space<vmem>>, vector<3072x768xbf16>
    %dot_general3A_62 = arith.constant dense<0.000000e+00> : vector<256x768xf32>
    %dot_general3A_63 = tpu.matmul %convert_element_type3A_58, %get3A_61, %dot_general3A_62 {dimension_numbers = #tpu.dot_dimension_numbers<[1], [0], [0], [1], [0, 0, 1, 1], [], []>, transpose_lhs_hint = false} : vector<256x3072xbf16>, vector<3072x768xbf16>, vector<256x768xf32> -> vector<256x768xf32>
    %add3A_64 = arith.addf %add3A_21, %dot_general3A_63 : vector<256x768xf32>
    %swap3A = arith.constant 0 : index
    %swap3A_65 = arith.constant 0 : index
    %swap3A_66 = vector.load %arg9[%swap3A, %swap3A_65] : memref<256x768xf32, #tpu.memory_space<vmem>>, vector<256x768xf32>
    tpu.vector_store %arg9[%swap3A, %swap3A_65], %add3A_64 {strides = array<i32>} : memref<256x768xf32, #tpu.memory_space<vmem>>, vector<256x768xf32>,
    return
  }
  func.func @transform_0(%arg0: i32) -> (i32, i32) {
    %c0_i32 = arith.constant 0 : i32
    %c0_i32_0 = arith.constant 0 : i32
    return %arg0, %c0_i32 : i32, i32
  }
  func.func @transform_1(%arg0: i32) -> (i32, i32) {
    %c0_i32 = arith.constant 0 : i32
    %c0_i32_0 = arith.constant 0 : i32
    %c0_i32_1 = arith.constant 0 : i32
    return %c0_i32, %c0_i32_0 : i32, i32
  }
  func.func @transform_2(%arg0: i32) -> (i32, i32) {
    %c0_i32 = arith.constant 0 : i32
    %c0_i32_0 = arith.constant 0 : i32
    %c0_i32_1 = arith.constant 0 : i32
    return %c0_i32, %c0_i32_0 : i32, i32
  }
  func.func @transform_3(%arg0: i32) -> (i32, i32) {
    %c0_i32 = arith.constant 0 : i32
    %c0_i32_0 = arith.constant 0 : i32
    %c0_i32_1 = arith.constant 0 : i32
    return %c0_i32, %c0_i32_0 : i32, i32
  }
  func.func @transform_4(%arg0: i32) -> (i32, i32) {
    %c0_i32 = arith.constant 0 : i32
    %c0_i32_0 = arith.constant 0 : i32
    %c0_i32_1 = arith.constant 0 : i32
    return %c0_i32, %c0_i32_0 : i32, i32
  }
  func.func @transform_5(%arg0: i32) -> (i32, i32) {
    %c0_i32 = arith.constant 0 : i32
    %c0_i32_0 = arith.constant 0 : i32
    %c0_i32_1 = arith.constant 0 : i32
    return %c0_i32, %c0_i32_0 : i32, i32
  }
  func.func @transform_6(%arg0: i32) -> (i32, i32) {
    %c0_i32 = arith.constant 0 : i32
    %c0_i32_0 = arith.constant 0 : i32
    %c0_i32_1 = arith.constant 0 : i32
    return %c0_i32, %c0_i32_0 : i32, i32
  }
  func.func @transform_7(%arg0: i32) -> (i32, i32) {
    %c0_i32 = arith.constant 0 : i32
    %c0_i32_0 = arith.constant 0 : i32
    %c0_i32_1 = arith.constant 0 : i32
    return %c0_i32, %c0_i32_0 : i32, i32
  }
  func.func @transform_8(%arg0: i32) -> (i32, i32) {
    %c0_i32 = arith.constant 0 : i32
    %c0_i32_0 = arith.constant 0 : i32
    return %arg0, %c0_i32 : i32, i32
  }
}

module attributes {stable_mosaic.version = 14 : i64} {
  func.func @_blend_body(%arg0: i32, %arg1: memref<1024x768xf32, #tpu.memory_space<vmem>>, %arg2: memref<1024x768xf32, #tpu.memory_space<vmem>>, %arg3: memref<1024x1xf32, #tpu.memory_space<vmem>>, %arg4: memref<1024x768xf32, #tpu.memory_space<vmem>>) attributes {dimension_semantics = [#tpu.dimension_semantics<arbitrary>], iteration_bounds = array<i64: 16>, scalar_prefetch = 0 : i64, scratch_operands = 0 : i64, tpu.core_type = #tpu.core_type<tc>, window_params = [{transform_indices = @transform_0, window_bounds = array<i64: 1024, 768>}, {transform_indices = @transform_1, window_bounds = array<i64: 1024, 768>}, {transform_indices = @transform_2, window_bounds = array<i64: 1024, 1>}, {transform_indices = @transform_3, window_bounds = array<i64: 1024, 768>}]} {
    %get3A = arith.constant 0 : index
    %get3A_0 = arith.constant 0 : index
    %get3A_1 = vector.load %arg1[%get3A, %get3A_0] : memref<1024x768xf32, #tpu.memory_space<vmem>>, vector<1024x768xf32>
    %get3A_2 = arith.constant 0 : index
    %get3A_3 = arith.constant 0 : index
    %get3A_4 = vector.load %arg3[%get3A_2, %get3A_3] : memref<1024x1xf32, #tpu.memory_space<vmem>>, vector<1024x1xf32>
    %get3A_5 = arith.constant 0 : index
    %get3A_6 = arith.constant 0 : index
    %get3A_7 = vector.load %arg2[%get3A_5, %get3A_6] : memref<1024x768xf32, #tpu.memory_space<vmem>>, vector<1024x768xf32>
    %sub3A = arith.subf %get3A_7, %get3A_1 : vector<1024x768xf32>
    %mul3A = vector.broadcast %get3A_4 : vector<1024x1xf32> to vector<1024x768xf32>
    %mul3A_8 = arith.mulf %mul3A, %sub3A : vector<1024x768xf32>
    %add3A = arith.addf %get3A_1, %mul3A_8 : vector<1024x768xf32>
    %swap3A = arith.constant 0 : index
    %swap3A_9 = arith.constant 0 : index
    %swap3A_10 = vector.load %arg4[%swap3A, %swap3A_9] : memref<1024x768xf32, #tpu.memory_space<vmem>>, vector<1024x768xf32>
    tpu.vector_store %arg4[%swap3A, %swap3A_9], %add3A {strides = array<i32>} : memref<1024x768xf32, #tpu.memory_space<vmem>>, vector<1024x768xf32>,
    return
  }
  func.func @transform_0(%arg0: i32) -> (i32, i32) {
    %c0_i32 = arith.constant 0 : i32
    %c0_i32_0 = arith.constant 0 : i32
    return %arg0, %c0_i32 : i32, i32
  }
  func.func @transform_1(%arg0: i32) -> (i32, i32) {
    %c0_i32 = arith.constant 0 : i32
    %c0_i32_0 = arith.constant 0 : i32
    return %arg0, %c0_i32 : i32, i32
  }
  func.func @transform_2(%arg0: i32) -> (i32, i32) {
    %c0_i32 = arith.constant 0 : i32
    %c0_i32_0 = arith.constant 0 : i32
    return %arg0, %c0_i32 : i32, i32
  }
  func.func @transform_3(%arg0: i32) -> (i32, i32) {
    %c0_i32 = arith.constant 0 : i32
    %c0_i32_0 = arith.constant 0 : i32
    return %arg0, %c0_i32 : i32, i32
  }
}

</mosaic_0001>

<sc_bundles>
// kernel: kernel.11.cloned.1.call-start
scs
__scs_entry_jumppad:
0x0: {  	(pc) =	sbr.rel $0x88, $3  }
0x1: {  	(tag) =	ssettag $0x0;
	lr =	simm.s32 $0x1  }
0x2: {  	[smem:$0x3F97] =	sst lr;
	_ =	strace $0xD0000000  }
0x3: {  	_ = 	snop  }
0x4: {  	_ = 	snop  }
0x5: {  	_ = 	snop  }
0x6: {  	_ = 	snop  }
0x7: {  	_ = 	snop  }
__scs_overlays_trampoline_lowered:
0x8: {  	[smem:$0x3FA6] =	sst s0  }
0x9: {  	[smem:$0x3FA7] =	sst s1  }
0xa: {  	[smem:$0x3FA8] =	sst s2  }
0xb: {  	[smem:$0x3FA9] =	sst s3  }
0xc: {  	[smem:$0x3FAA] =	sst s4  }
0xd: {  	[smem:$0x3FAB] =	sst s5  }
0xe: {  	[smem:$0x3FAC] =	sst s6  }
0xf: {  	[smem:$0x3FAD] =	sst s7  }
0x10: {  	[smem:$0x3FAE] =	sst s8  }
0x11: {  	[smem:$0x3FAF] =	sst s9;
	s0 =	simm.s32 @!p0 $0x0  }
0x12: {  	s1 =	sld [smem:$0x3F95];
	s0 =	simm.s32 @p0 $0x1  }
0x13: {  	[smem:$0x3FB0] =	sst s0;
	s0 =	simm.s32 @!p1 $0x0  }
0x14: {  	s2 =	sld [smem:$0x3F94];
	s0 =	simm.s32 @p1 $0x1  }
0x15: {  	[smem:$0x3FB1] =	sst s0;
	s0 =	simm.s32 @!p2 $0x0  }
0x16: {  	s3 =	sld [smem:$0x3FDB];
	s0 =	simm.s32 @p2 $0x1  }
0x17: {  	s4 =	simm.s32 $0x1BF5;
	[smem:$0x3FB3] =	sst s0  }
0x18: {  	s0 =	sld [smem:$0x3F96];
	_ =	swait.ge [sflag:s4], $0x0  }
0x19: {  	s7 =	sld [smem:$0x3F97]  }
0x1a: {  	s8 =	sadd.s32 $0xFFFFE003, lr  }
0x1b: {  	s9 =	sadd.s32 $0xFFFFFEF7, lr;
	s5 =	simm.s32 $0xFFFFFFFF;
	p2 =	slt.u32 s8, $0xFFFFF086  }
0x1c: {  	p1 =	slt.u32 s9, $0xF7A;
	s5 =	simm.s32 @!p2 $0x0  }
0x1d: {  	s5 =	simm.s32 @p1 $0x1;
	p0 =	seq.s32 s7, s2  }
0x1e: {  	s7 =	smul.u32 @!p0 $0xF7A, s2;
	p2 =	seq.s32 @!p0 s5, $0x0  }
0x1f: {  	s9 =	smul.u32 $0xF7A, s1;
	s8 =	simm.s32 @!p0 $0x1BF5;
	p2 =	por !p2, p0  }
0x20: {  	[sflag:s8] =	ssyncset.s32 @!p0 $0xFFFFF086;
	s6 =	sadd.s32 @!p0 s3, s7;
	s7 =	simm.s32 @!p0 $0x108  }
0x21: {  	s3 =	sadd.s32 s3, s9;
	s6 =	sadd.s32 @!p0 $0x88, s6;
	s7 =	simm.s32 @p2 $0x1082  }
0x22: {  	[simem:s7], [sflag:s8] =	dma.local @!p0 [hbm:s6], $0xF7A  }
0x23: {  	s9 =	sor.u32 $0xD0000000, s2;
	s6 =	simm.s32 $0x108;
	_ =	swait.ge @!p0 [sflag:s8], $0x0  }
0x24: {  	s3 =	sadd.s32 $0x88, s3;
	s6 =	simm.s32 @!p1 $0x1082;
	[sflag:s4] =	ssyncset.s32 $0xFFFFF086  }
0x25: {  	[simem:s6], [sflag:s4] =	dma.local [hbm:s3], $0xF7A  }
0x26: {  	[smem:$0x3F97] =	sst s1;
	(tag) =	ssettag s2;
	_ =	strace s9  }
0x27: {  	s1 =	sld [smem:$0x3FA7]  }
0x28: {  	s2 =	sld [smem:$0x3FA8]  }
0x29: {  	s4 =	sld [smem:$0x3FAA]  }
0x2a: {  	p0 =	seq.s32 s5, $0x0;
	s5 =	sld [smem:$0x3FAB]  }
0x2b: {  	s6 =	sld [smem:$0x3FAC]  }
0x2c: {  	s7 =	sld [smem:$0x3FAD]  }
0x2d: {  	s3 =	simm.s32 $0x108;
	s8 =	sld [smem:$0x3FAE]  }
0x2e: {  	s3 =	simm.s32 @!p0 $0x1082;
	s9 =	sld [smem:$0x3FAF]  }
0x2f: {  	lr =	sadd.s32 s0, s3;
	s0 =	sld [smem:$0x3FA6]  }
0x30: {  	s3 =	sld [smem:$0x3FA9]  }
0x31: {  	[smem:$0x3FB2] =	sst s10  }
0x32: {  	s10 =	sld [smem:$0x3FB0];
	_ =	sdelay $0x3  }
0x33: {  	p0 =	seq.s32 s10, $0x1;
	s10 =	sld [smem:$0x3FB2];
	_ =	sdelay $0x3  }
0x34: {  	[smem:$0x3FB2] =	sst s10  }
0x35: {  	s10 =	sld [smem:$0x3FB1];
	_ =	sdelay $0x3  }
0x36: {  	p1 =	seq.s32 s10, $0x1;
	s10 =	sld [smem:$0x3FB2];
	_ =	sdelay $0x3  }
0x37: {  	[smem:$0x3FB2] =	sst s10  }
0x38: {  	s10 =	sld [smem:$0x3FB3]  }
0x39: {  	_ = 	snop;
	(pc) =	sbr.ind lr, $3  }
0x3a: {  	_ = 	snop  }
0x3b: {  	_ = 	snop  }
0x3c: {  	p2 =	seq.s32 s10, $0x1;
	s10 =	sld [smem:$0x3FB2]  }
0x3d: {  	_ =	shalt  }
0x3e: {  	_ =	shalt  }
0x3f: {  	_ =	shalt  }
0x40: {  	_ =	shalt  }
0x41: {  	_ =	shalt  }
0x42: {  	_ =	shalt  }
0x43: {  	_ =	shalt  }
0x44: {  	_ =	shalt  }
0x45: {  	_ =	shalt  }
0x46: {  	_ =	shalt  }
0x47: {  	_ =	shalt  }
0x48: {  	_ =	shalt  }
0x49: {  	_ =	shalt  }
0x4a: {  	_ =	shalt  }
0x4b: {  	_ =	shalt  }
0x4c: {  	_ =	shalt  }
0x4d: {  	_ =	shalt  }
0x4e: {  	_ =	shalt  }
0x4f: {  	_ =	shalt  }
0x50: {  	_ =	shalt  }
0x51: {  	_ =	shalt  }
0x52: {  	_ =	shalt  }
0x53: {  	_ =	shalt  }
0x54: {  	_ =	shalt  }
0x55: {  	_ =	shalt  }
0x56: {  	_ =	shalt  }
0x57: {  	_ =	shalt  }
0x58: {  	_ =	shalt  }
0x59: {  	_ =	shalt  }
0x5a: {  	_ =	shalt  }
0x5b: {  	_ =	shalt  }
0x5c: {  	_ =	shalt  }
0x5d: {  	_ =	shalt  }
0x5e: {  	_ =	shalt  }
0x5f: {  	_ =	shalt  }
0x60: {  	_ =	shalt  }
0x61: {  	_ =	shalt  }
0x62: {  	_ =	shalt  }
0x63: {  	_ =	shalt  }
0x64: {  	_ =	shalt  }
0x65: {  	_ =	shalt  }
0x66: {  	_ =	shalt  }
0x67: {  	_ =	shalt  }
0x68: {  	_ =	shalt  }
0x69: {  	_ =	shalt  }
0x6a: {  	_ =	shalt  }
0x6b: {  	_ =	shalt  }
0x6c: {  	_ =	shalt  }
0x6d: {  	_ =	shalt  }
0x6e: {  	_ =	shalt  }
0x6f: {  	_ =	shalt  }
0x70: {  	_ =	shalt  }
0x71: {  	_ =	shalt  }
0x72: {  	_ =	shalt  }
0x73: {  	_ =	shalt  }
0x74: {  	_ =	shalt  }
0x75: {  	_ =	shalt  }
0x76: {  	_ =	shalt  }
0x77: {  	_ =	shalt  }
0x78: {  	_ =	shalt  }
0x79: {  	_ =	shalt  }
0x7a: {  	_ =	shalt  }
0x7b: {  	_ =	shalt  }
0x7c: {  	_ =	shalt  }
0x7d: {  	_ =	shalt  }
0x7e: {  	_ =	shalt  }
0x7f: {  	_ =	shalt  }
0x80: {  	_ =	shalt  }
0x81: {  	_ =	shalt  }
0x82: {  	_ =	shalt  }
0x83: {  	_ =	shalt  }
0x84: {  	_ =	shalt  }
0x85: {  	_ =	shalt  }
0x86: {  	_ =	shalt  }
0x87: {  	_ =	shalt  }
.Lfunc_end0:
.L_simem_size_0:
called_computation.1_lowered:
.L_overlay_start_0:
0x88: {  	s2 =	sld [smem:$0x3FD9]  }
0x89: {  	s3 =	sld [smem:$0x3FFE];
	_ =	sdelay $0x1  }
0x8a: {  	s1 =	srdreg.scid  }
0x8b: {  	s0 =	sand.u32 $0x1, s1  }
0x8c: {  	s17 =	sshll.u32 s0, $0xA;
	s2 =	sadd.s32 s3, s2  }
0x8d: {  	s2 =	sadd.s32 s2, s17  }
0x8e: {  	[smem:$0x3FBE] =	sst s2  }
0x8f: {  	_ = 	snop  }
0x90: {  	s2 =	sld [smem:$0x3FD0];
	(tm) =	ssettm $0x1  }
0x91: {  	s18 =	sld [smem:$0x3FFB];
	_ =	sdelay $0x3  }
0x92: {  	_ =	strace s18  }
0x93: {  	s3 =	sld [smem:$0x3FFC];
	_ =	sdelay $0x3  }
0x94: {  	_ =	strace s3  }
0x95: {  	s3 =	sld [smem:$0x3FFD];
	_ =	sdelay $0x3  }
0x96: {  	_ =	strace s3  }
0x97: {  	_ =	strace $0x8FFFFFFF  }
0x98: {  	s19 =	sld [smem:$0x3FDB];
	_ =	sdelay $0x1  }
0x99: {  	s4 =	simm.s32 $_scs_section_size  }
0x9a: {  	s5 =	simm.s32 $_size__tile_overlayer_lowered;
	s6 =	simm.s32 $_tile_overlayer_lowered  }
0x9b: {  	s22 =	simm.s32 $0x1BFF;
	s21 =	sshll.u32 s6, $0x1;
	s3 =	sadd.s32 s4, s19  }
0x9c: {  	s7 =	simm.s32 $0x0;
	s20 =	sshll.u32 s5, $0x1;
	s5 =	sadd.s32 s21, s3  }
0x9d: {  	[timem:s7], [sflag:s22] =	dma.local [hbm:s5], s20  }
0x9e: {  	_ =	swait.ge [sflag:s22], s20  }
0x9f: {  	s4 =	ssub.s32 $0x0, s20;
	[sflag:s22] =	ssyncset.done $0x0  }
0xa0: {  	[sflag:s22] =	ssyncadd.s32 s4;
	_ =	sdelay $0x1  }
0xa1: {  	s23 =	simm.s32 $0x1B8B  }
0xa2: {  	_ =	swait.ge [sflag:s23], $0x1  }
0xa3: {  	[sflag:s23] =	ssyncset.done $0x0  }
0xa4: {  	s25 =	simm.s32 $0x1B8E;
	s24 =	sld [smem:$0x3FFE];
	[sflag:s23] =	ssyncadd.s32 $0xFFFFFFFF  }
0xa5: {  	s26 =	simm.s32 $execute0_lowered;
	[smem:$0x3FD2] =	sst s25  }
0xa6: {  	s5 =	sshll.u32 s26, $0x1;
	_ =	strace $0x80000049;
	[dreg:$0x1] =	wrdreg $0xFFFFFFFF  }
0xa7: {  	s28 =	simm.s32 $_size_execute0_lowered;
	s3 =	sadd.s32 s3, s5;
	[dreg:$0x0] =	wrdreg $0x0  }
0xa8: {  	s5 =	sshll.u32 s28, $0x1;
	[dreg:$0x2] =	wrdreg s3  }
0xa9: {  	[dreg:$0x3] =	wrdreg s5  }
0xaa: {  	[dreg:$0x4] =	wrdreg $0xC0  }
0xab: {  	_ =	task [dreg:s7], $0x5FFFF  }
0xac: {  	[dreg:$0x1] =	wrdreg $0xFFFFFFFF  }
0xad: {  	[dreg:$0x0] =	wrdreg $0x60  }
0xae: {  	[dreg:$0x2] =	wrdreg s24  }
0xaf: {  	[dreg:$0x3] =	wrdreg s2  }
0xb0: {  	[dreg:$0x4] =	wrdreg $0x9  }
0xb1: {  	_ =	task.clear_ibuf [dreg:s7], $0x5FFFF;
	_ =	strace $0x90000049  }
0xb2: {  	s29 =	simm.s32 $0x9;
	_ =	strace $0x8000004B  }
0xb3: {  	_ =	swait.ge [sflag:s29], $0x1  }
0xb4: {  	[sflag:s29] =	ssyncadd.s32 $0xFFFFFFFF  }
0xb5: {  	_ =	strace $0x9000004B  }
0xb6: {  	_ =	sfence  }
0xb7: {  	s30 =	sld [smem:$0x0];
	_ =	sdelay $0x2  }
0xb8: {  	s31 =	sshll.u32 s1, $0xD;
	s1 =	sshrl.u32 s1, $0x2  }
0xb9: {  	s3 =	sand.u32 $0x4000, s31;
	s1 =	sadd.s32 s1, s30  }
0xba: {  	s0 =	sor.u32 s3, s0;
	s1 =	sshll.u32 s1, $0x11  }
0xbb: {  	s0 =	sor.u32 s1, s0  }
0xbc: {  	s0 =	sadd.s32 $0x8F2B, s0  }
0xbd: {  	[sflag:s0] =	ssyncadd.remote.s32 $0x1  }
0xbe: {  	_ =	sfence.sel $0xFFFF  }
0xbf: {  	[dreg:$0x0] =	wrdreg $0xFFFFFFFF;
	(pc) =	sbr.abs _section_cstart, $3  }
0xc0: {  	[dreg:$0x1] =	wrdreg $0xFFFFFFFF  }
0xc1: {  	_ =	task.clear_ibuf [dreg:s7], $0x2FFFF;
	_ =	strace $0x9FFFFFFF  }
0xc2: {  	(tm) =	ssettm $0x7FFFFFFF  }
0xc3: {  	_ =	shalt  }
tec
execute0_lowered:
.L_overlay_start_1:
0x0: {  	(tag) =	ssettag $0x1  }
0x1: {  	s0 =	srdreg.scid;
	s1 =	rddreg [dreg:$0x0]  }
0x2: {  	s3 =	stileid.u32;
	s2 =	rddreg [dreg:$0x1]  }
0x3: {  	s16 =	simm.s32 $0x200;
	s8 =	simm.s32 $0xC200;
	s0 =	sand.u32 $0x1, s0  }
0x4: {  	s10 =	simm.s32 $0x2;
	s4 =	sshll.u32 s3, $0x7;
	s5 =	sshll.u32 s0, $0x6  }
0x5: {  	s11 =	simm.s32 $0x3;
	s3 =	simm.s32 $0x0;
	s4 =	sor.u32 s5, s4  }
0x6: {  	[smem:$0x7FF] =	sst s3;
	s5 =	smul.u32 $0x300, s4;
	s6 =	sadd.s32 s4, s1  }
0x7: {  	s1 =	sadd.s32 $0x3600, s1;
	s4 =	smul.u32 $0x1800, s4;
	s6 =	sadd.s32 $0x2600, s6  }
0x8: {  	_ =	strace $0x8000004A;
	s7 =	sadd.s32 s1, s5;
	[dreg:$0x3] =	wrdreg s6  }
0x9: {  	s4 =	sshrl.u32 s4, $0x3;
	s5 =	sadd.s32 $0x1800, s7;
	[dreg:$0xb] =	wrdreg s7  }
0xa: {  	s26 =	sadd.s32 $0x3000, s7;
	s1 =	sadd.s32 s1, s4;
	[dreg:$0x4] =	wrdreg s5  }
0xb: {  	s0 =	ssub.s32 $0x2, s0;
	[dreg:$0x5] =	wrdreg s26;
	s4 =	sadd.s32 $0x4800, s1  }
0xc: {  	s28 =	sshrl.u32 s0, $0x1;
	s29 =	sadd.s32 $0x6000, s1;
	[dreg:$0x6] =	wrdreg s4  }
0xd: {  	s0 =	ssub.s32 s0, s28;
	s30 =	sadd.s32 $0x7800, s1;
	[dreg:$0x7] =	wrdreg s29  }
0xe: {  	v2 =	vlaneseq.u32;
	s6 =	sadd.s32 $0x200, s2;
	s31 =	sadd.s32 $0x9000, s1;
	[dreg:$0x8] =	wrdreg s30  }
0xf: {  	vm0 =	vmmov $0xffff;
	v1 =	vshrl.u32 v2, $0x3;
	s7 =	smax.u32 s0, $0x1;
	s1 =	sadd.s32 $0xA800, s1;
	[dreg:$0x9] =	wrdreg s31  }
0x10: {  	v0 =	vand.u32 $0x7, v2;
	v2 =	vor.u32 $0x8, v2;
	v1 =	vmul.u32 $0x8, v1;
	s5 =	sadd.s32 $0x100, s2;
	[dreg:$0xa] =	wrdreg s1;
	s4 =	simm.s32 $0x1  }
.LBB2_1:
0x11: {  	s12 =	rddreg [dreg:$0x3];
	s23 =	simm.s32 $0x4  }
0x12: {  	[tilespmem:s3], [sflag:$0x4] =	stream.linear.gather [hbm4b:s12+s3], $0x200, $0x38;
	[tilespmem:$0x18200] =	vst v63  }
0x13: {  	_ =	swait.ge [sflag:s23], $0x200  }
0x14: {  	[sflag:s23] =	ssyncset.done $0x0  }
0x15: {  	[sflag:s23] =	ssyncadd.s32 $0xFFFFFE00  }
0x16: {  	v3 =	vld [tilespmem:$0x0];
	_ =	sdelay $0x4  }
0x17: {  	v4 =	vshrl.u32 v3, $0x3  }
0x18: {  	v4 =	vmul.u32 $0x30, v4  }
0x19: {  	v3 =	vand.u32 $0x7, v3  }
0x1a: {  	v3 =	vor.u32 v3, v4  }
0x1b: {  	v4 =	vperm.xlane v3, v0;
	_ =	sdelay $0x1  }
0x1c: {  	v4 =	vadd.s32 v1, v4;
	_ =	sdelay $0x3  }
0x1d: {  	v3 =	vperm.xlane v3, v2  }
0x1e: {  	[tilespmem:s16], [sflag:$0x1] =	stream.indirect_vreg.gather [hbm4b:s2+s3], $0x80, v4, vm0, $0xb8;
	[tilespmem:$0x18200] =	vst v63  }
0x1f: {  	s0 =	simm.s32 $0xA00;
	v3 =	vadd.s32 v1, v3  }
0x20: {  	[tilespmem:s0], [sflag:$0x1] =	stream.indirect_vreg.gather [hbm4b:s5+s3], $0x80, v4, vm0, $0xb8;
	[tilespmem:$0x18200] =	vst v63  }
0x21: {  	s24 =	simm.s32 $0x1200  }
0x22: {  	[tilespmem:s24], [sflag:$0x1] =	stream.indirect_vreg.gather [hbm4b:s6+s3], $0x80, v4, vm0, $0xb8;
	[tilespmem:$0x18200] =	vst v63  }
0x23: {  	s25 =	simm.s32 $0x1A00  }
0x24: {  	[tilespmem:s25], [sflag:$0x1] =	stream.indirect_vreg.gather [hbm4b:s2+s3], $0x80, v3, vm0, $0xb8;
	[tilespmem:$0x18200] =	vst v63  }
0x25: {  	s26 =	simm.s32 $0x2200  }
0x26: {  	[tilespmem:s26], [sflag:$0x1] =	stream.indirect_vreg.gather [hbm4b:s5+s3], $0x80, v3, vm0, $0xb8;
	[tilespmem:$0x18200] =	vst v63  }
0x27: {  	s28 =	simm.s32 $0x2A00  }
0x28: {  	[tilespmem:s28], [sflag:$0x1] =	stream.indirect_vreg.gather [hbm4b:s6+s3], $0x80, v3, vm0, $0xb8;
	[tilespmem:$0x18200] =	vst v63  }
0x29: {  	v3 =	vld [tilespmem:$0x10];
	_ =	sdelay $0x4  }
0x2a: {  	v33 =	vshrl.u32 v3, $0x3  }
0x2b: {  	v4 =	vmul.u32 $0x30, v33  }
0x2c: {  	v3 =	vand.u32 $0x7, v3  }
0x2d: {  	v3 =	vor.u32 v3, v4  }
0x2e: {  	v4 =	vperm.xlane v3, v0;
	_ =	sdelay $0x1  }
0x2f: {  	v4 =	vadd.s32 v1, v4;
	_ =	sdelay $0x3  }
0x30: {  	s29 =	simm.s32 $0x3200;
	v3 =	vperm.xlane v3, v2  }
0x31: {  	[tilespmem:s29], [sflag:$0x1] =	stream.indirect_vreg.gather [hbm4b:s2+s3], $0x80, v4, vm0, $0xb8;
	[tilespmem:$0x18200] =	vst v63  }
0x32: {  	s30 =	simm.s32 $0x3A00;
	v3 =	vadd.s32 v1, v3  }
0x33: {  	[tilespmem:s30], [sflag:$0x1] =	stream.indirect_vreg.gather [hbm4b:s5+s3], $0x80, v4, vm0, $0xb8;
	[tilespmem:$0x18200] =	vst v63  }
0x34: {  	s31 =	simm.s32 $0x4200  }
0x35: {  	[tilespmem:s31], [sflag:$0x1] =	stream.indirect_vreg.gather [hbm4b:s6+s3], $0x80, v4, vm0, $0xb8;
	[tilespmem:$0x18200] =	vst v63  }
0x36: {  	s1 =	simm.s32 $0x4A00  }
0x37: {  	[tilespmem:s1], [sflag:$0x1] =	stream.indirect_vreg.gather [hbm4b:s2+s3], $0x80, v3, vm0, $0xb8;
	[tilespmem:$0x18200] =	vst v63  }
0x38: {  	s9 =	simm.s32 $0x5200  }
0x39: {  	[tilespmem:s9], [sflag:$0x1] =	stream.indirect_vreg.gather [hbm4b:s5+s3], $0x80, v3, vm0, $0xb8;
	[tilespmem:$0x18200] =	vst v63  }
0x3a: {  	s12 =	simm.s32 $0x5A00  }
0x3b: {  	[tilespmem:s12], [sflag:$0x1] =	stream.indirect_vreg.gather [hbm4b:s6+s3], $0x80, v3, vm0, $0xb8;
	[tilespmem:$0x18200] =	vst v63  }
0x3c: {  	v3 =	vld [tilespmem:$0x20];
	_ =	sdelay $0x4  }
0x3d: {  	v34 =	vshrl.u32 v3, $0x3  }
0x3e: {  	v4 =	vmul.u32 $0x30, v34  }
0x3f: {  	v3 =	vand.u32 $0x7, v3  }
0x40: {  	v3 =	vor.u32 v3, v4  }
0x41: {  	v4 =	vperm.xlane v3, v0;
	_ =	sdelay $0x1  }
0x42: {  	v4 =	vadd.s32 v1, v4;
	_ =	sdelay $0x3  }
0x43: {  	s15 =	simm.s32 $0x6200;
	v3 =	vperm.xlane v3, v2  }
0x44: {  	[tilespmem:s15], [sflag:$0x1] =	stream.indirect_vreg.gather [hbm4b:s2+s3], $0x80, v4, vm0, $0xb8;
	[tilespmem:$0x18200] =	vst v63  }
0x45: {  	s17 =	simm.s32 $0x6A00;
	v3 =	vadd.s32 v1, v3  }
0x46: {  	[tilespmem:s17], [sflag:$0x1] =	stream.indirect_vreg.gather [hbm4b:s5+s3], $0x80, v4, vm0, $0xb8;
	[tilespmem:$0x18200] =	vst v63  }
0x47: {  	s18 =	simm.s32 $0x7200  }
0x48: {  	[tilespmem:s18], [sflag:$0x1] =	stream.indirect_vreg.gather [hbm4b:s6+s3], $0x80, v4, vm0, $0xb8;
	[tilespmem:$0x18200] =	vst v63  }
0x49: {  	s19 =	simm.s32 $0x7A00  }
0x4a: {  	[tilespmem:s19], [sflag:$0x1] =	stream.indirect_vreg.gather [hbm4b:s2+s3], $0x80, v3, vm0, $0xb8;
	[tilespmem:$0x18200] =	vst v63  }
0x4b: {  	s20 =	simm.s32 $0x8200  }
0x4c: {  	[tilespmem:s20], [sflag:$0x1] =	stream.indirect_vreg.gather [hbm4b:s5+s3], $0x80, v3, vm0, $0xb8;
	[tilespmem:$0x18200] =	vst v63  }
0x4d: {  	s21 =	simm.s32 $0x8A00  }
0x4e: {  	[tilespmem:s21], [sflag:$0x1] =	stream.indirect_vreg.gather [hbm4b:s6+s3], $0x80, v3, vm0, $0xb8;
	[tilespmem:$0x18200] =	vst v63  }
0x4f: {  	v3 =	vld [tilespmem:$0x30];
	_ =	sdelay $0x4  }
0x50: {  	v35 =	vshrl.u32 v3, $0x3  }
0x51: {  	v4 =	vmul.u32 $0x30, v35  }
0x52: {  	v3 =	vand.u32 $0x7, v3  }
0x53: {  	v3 =	vor.u32 v3, v4  }
0x54: {  	v4 =	vperm.xlane v3, v0;
	_ =	sdelay $0x1  }
0x55: {  	v4 =	vadd.s32 v1, v4;
	_ =	sdelay $0x3  }
0x56: {  	s22 =	simm.s32 $0x9200;
	v3 =	vperm.xlane v3, v2  }
0x57: {  	[tilespmem:s22], [sflag:$0x1] =	stream.indirect_vreg.gather [hbm4b:s2+s3], $0x80, v4, vm0, $0xb8;
	[tilespmem:$0x18200] =	vst v63  }
0x58: {  	s23 =	simm.s32 $0x9A00;
	v3 =	vadd.s32 v1, v3  }
0x59: {  	[tilespmem:s23], [sflag:$0x1] =	stream.indirect_vreg.gather [hbm4b:s5+s3], $0x80, v4, vm0, $0xb8;
	[tilespmem:$0x18200] =	vst v63  }
0x5a: {  	s24 =	simm.s32 $0xA200  }
0x5b: {  	[tilespmem:s24], [sflag:$0x1] =	stream.indirect_vreg.gather [hbm4b:s6+s3], $0x80, v4, vm0, $0xb8;
	[tilespmem:$0x18200] =	vst v63  }
0x5c: {  	s28 =	simm.s32 $0xAA00  }
0x5d: {  	[tilespmem:s28], [sflag:$0x1] =	stream.indirect_vreg.gather [hbm4b:s2+s3], $0x80, v3, vm0, $0xb8;
	[tilespmem:$0x18200] =	vst v63  }
0x5e: {  	s29 =	simm.s32 $0xB200  }
0x5f: {  	[tilespmem:s29], [sflag:$0x1] =	stream.indirect_vreg.gather [hbm4b:s5+s3], $0x80, v3, vm0, $0xb8;
	[tilespmem:$0x18200] =	vst v63  }
0x60: {  	s1 =	simm.s32 $0xBA00  }
0x61: {  	[tilespmem:s1], [sflag:$0x1] =	stream.indirect_vreg.gather [hbm4b:s6+s3], $0x80, v3, vm0, $0xb8;
	[tilespmem:$0x18200] =	vst v63  }
0x62: {  	_ =	swait.ge [sflag:s4], $0xC000  }
0x63: {  	[sflag:s4] =	ssyncset.done $0x0  }
0x64: {  	s9 =	rddreg [dreg:$0xb];
	[sflag:s4] =	ssyncadd.s32 $0xFFFF4000  }
0x65: {  	[hbm4b:s9+s3] =	stream.linear.scatter [tilespmem:s16], [sflag:$0x2], $0xC000, $0x38;
	[tilespmem:$0x18200] =	vst v63  }
0x66: {  	v3 =	vld [tilespmem:$0x40];
	_ =	sdelay $0x4  }
0x67: {  	v36 =	vshrl.u32 v3, $0x3  }
0x68: {  	v4 =	vmul.u32 $0x30, v36  }
0x69: {  	v3 =	vand.u32 $0x7, v3  }
0x6a: {  	v3 =	vor.u32 v3, v4  }
0x6b: {  	v4 =	vperm.xlane v3, v0;
	_ =	sdelay $0x1  }
0x6c: {  	v4 =	vadd.s32 v1, v4;
	_ =	sdelay $0x3  }
0x6d: {  	v3 =	vperm.xlane v3, v2  }
0x6e: {  	[tilespmem:s8], [sflag:$0x1] =	stream.indirect_vreg.gather [hbm4b:s2+s3], $0x80, v4, vm0, $0xb8;
	[tilespmem:$0x18200] =	vst v63  }
0x6f: {  	s17 =	simm.s32 $0xCA00;
	v3 =	vadd.s32 v1, v3  }
0x70: {  	[tilespmem:s17], [sflag:$0x1] =	stream.indirect_vreg.gather [hbm4b:s5+s3], $0x80, v4, vm0, $0xb8;
	[tilespmem:$0x18200] =	vst v63  }
0x71: {  	s18 =	simm.s32 $0xD200  }
0x72: {  	[tilespmem:s18], [sflag:$0x1] =	stream.indirect_vreg.gather [hbm4b:s6+s3], $0x80, v4, vm0, $0xb8;
	[tilespmem:$0x18200] =	vst v63  }
0x73: {  	s19 =	simm.s32 $0xDA00  }
0x74: {  	[tilespmem:s19], [sflag:$0x1] =	stream.indirect_vreg.gather [hbm4b:s2+s3], $0x80, v3, vm0, $0xb8;
	[tilespmem:$0x18200] =	vst v63  }
0x75: {  	s20 =	simm.s32 $0xE200  }
0x76: {  	[tilespmem:s20], [sflag:$0x1] =	stream.indirect_vreg.gather [hbm4b:s5+s3], $0x80, v3, vm0, $0xb8;
	[tilespmem:$0x18200] =	vst v63  }
0x77: {  	s21 =	simm.s32 $0xEA00  }
0x78: {  	[tilespmem:s21], [sflag:$0x1] =	stream.indirect_vreg.gather [hbm4b:s6+s3], $0x80, v3, vm0, $0xb8;
	[tilespmem:$0x18200] =	vst v63  }
0x79: {  	v3 =	vld [tilespmem:$0x50];
	_ =	sdelay $0x4  }
0x7a: {  	v37 =	vshrl.u32 v3, $0x3  }
0x7b: {  	v4 =	vmul.u32 $0x30, v37  }
0x7c: {  	v3 =	vand.u32 $0x7, v3  }
0x7d: {  	v3 =	vor.u32 v3, v4  }
0x7e: {  	v4 =	vperm.xlane v3, v0;
	_ =	sdelay $0x1  }
0x7f: {  	v4 =	vadd.s32 v1, v4;
	_ =	sdelay $0x3  }
0x80: {  	s22 =	simm.s32 $0xF200;
	v3 =	vperm.xlane v3, v2  }
0x81: {  	[tilespmem:s22], [sflag:$0x1] =	stream.indirect_vreg.gather [hbm4b:s2+s3], $0x80, v4, vm0, $0xb8;
	[tilespmem:$0x18200] =	vst v63  }
0x82: {  	s23 =	simm.s32 $0xFA00;
	v3 =	vadd.s32 v1, v3  }
0x83: {  	[tilespmem:s23], [sflag:$0x1] =	stream.indirect_vreg.gather [hbm4b:s5+s3], $0x80, v4, vm0, $0xb8;
	[tilespmem:$0x18200] =	vst v63  }
0x84: {  	s24 =	simm.s32 $0x10200  }
0x85: {  	[tilespmem:s24], [sflag:$0x1] =	stream.indirect_vreg.gather [hbm4b:s6+s3], $0x80, v4, vm0, $0xb8;
	[tilespmem:$0x18200] =	vst v63  }
0x86: {  	s28 =	simm.s32 $0x10A00  }
0x87: {  	[tilespmem:s28], [sflag:$0x1] =	stream.indirect_vreg.gather [hbm4b:s2+s3], $0x80, v3, vm0, $0xb8;
	[tilespmem:$0x18200] =	vst v63  }
0x88: {  	s29 =	simm.s32 $0x11200  }
0x89: {  	[tilespmem:s29], [sflag:$0x1] =	stream.indirect_vreg.gather [hbm4b:s5+s3], $0x80, v3, vm0, $0xb8;
	[tilespmem:$0x18200] =	vst v63  }
0x8a: {  	s0 =	simm.s32 $0x11A00  }
0x8b: {  	[tilespmem:s0], [sflag:$0x1] =	stream.indirect_vreg.gather [hbm4b:s6+s3], $0x80, v3, vm0, $0xb8;
	[tilespmem:$0x18200] =	vst v63  }
0x8c: {  	v3 =	vld [tilespmem:$0x60];
	_ =	sdelay $0x4  }
0x8d: {  	v38 =	vshrl.u32 v3, $0x3  }
0x8e: {  	v4 =	vmul.u32 $0x30, v38  }
0x8f: {  	v3 =	vand.u32 $0x7, v3  }
0x90: {  	v3 =	vor.u32 v3, v4  }
0x91: {  	v4 =	vperm.xlane v3, v0;
	_ =	sdelay $0x1  }
0x92: {  	v4 =	vadd.s32 v1, v4;
	_ =	sdelay $0x3  }
0x93: {  	s1 =	simm.s32 $0x12200;
	v3 =	vperm.xlane v3, v2  }
0x94: {  	[tilespmem:s1], [sflag:$0x1] =	stream.indirect_vreg.gather [hbm4b:s2+s3], $0x80, v4, vm0, $0xb8;
	[tilespmem:$0x18200] =	vst v63  }
0x95: {  	s9 =	simm.s32 $0x12A00;
	v3 =	vadd.s32 v1, v3  }
0x96: {  	[tilespmem:s9], [sflag:$0x1] =	stream.indirect_vreg.gather [hbm4b:s5+s3], $0x80, v4, vm0, $0xb8;
	[tilespmem:$0x18200] =	vst v63  }
0x97: {  	s17 =	simm.s32 $0x13200  }
0x98: {  	[tilespmem:s17], [sflag:$0x1] =	stream.indirect_vreg.gather [hbm4b:s6+s3], $0x80, v4, vm0, $0xb8;
	[tilespmem:$0x18200] =	vst v63  }
0x99: {  	s20 =	simm.s32 $0x13A00  }
0x9a: {  	[tilespmem:s20], [sflag:$0x1] =	stream.indirect_vreg.gather [hbm4b:s2+s3], $0x80, v3, vm0, $0xb8;
	[tilespmem:$0x18200] =	vst v63  }
0x9b: {  	s21 =	simm.s32 $0x14200  }
0x9c: {  	[tilespmem:s21], [sflag:$0x1] =	stream.indirect_vreg.gather [hbm4b:s5+s3], $0x80, v3, vm0, $0xb8;
	[tilespmem:$0x18200] =	vst v63  }
0x9d: {  	s22 =	simm.s32 $0x14A00  }
0x9e: {  	[tilespmem:s22], [sflag:$0x1] =	stream.indirect_vreg.gather [hbm4b:s6+s3], $0x80, v3, vm0, $0xb8;
	[tilespmem:$0x18200] =	vst v63  }
0x9f: {  	v3 =	vld [tilespmem:$0x70];
	_ =	sdelay $0x4  }
0xa0: {  	v39 =	vshrl.u32 v3, $0x3  }
0xa1: {  	v4 =	vmul.u32 $0x30, v39  }
0xa2: {  	v3 =	vand.u32 $0x7, v3  }
0xa3: {  	v3 =	vor.u32 v3, v4  }
0xa4: {  	v4 =	vperm.xlane v3, v0;
	_ =	sdelay $0x1  }
0xa5: {  	v4 =	vadd.s32 v1, v4;
	_ =	sdelay $0x3  }
0xa6: {  	s23 =	simm.s32 $0x15200;
	v3 =	vperm.xlane v3, v2  }
0xa7: {  	[tilespmem:s23], [sflag:$0x1] =	stream.indirect_vreg.gather [hbm4b:s2+s3], $0x80, v4, vm0, $0xb8;
	[tilespmem:$0x18200] =	vst v63  }
0xa8: {  	s24 =	simm.s32 $0x15A00;
	v3 =	vadd.s32 v1, v3  }
0xa9: {  	[tilespmem:s24], [sflag:$0x1] =	stream.indirect_vreg.gather [hbm4b:s5+s3], $0x80, v4, vm0, $0xb8;
	[tilespmem:$0x18200] =	vst v63  }
0xaa: {  	s28 =	simm.s32 $0x16200  }
0xab: {  	[tilespmem:s28], [sflag:$0x1] =	stream.indirect_vreg.gather [hbm4b:s6+s3], $0x80, v4, vm0, $0xb8;
	[tilespmem:$0x18200] =	vst v63  }
0xac: {  	s29 =	simm.s32 $0x16A00  }
0xad: {  	[tilespmem:s29], [sflag:$0x1] =	stream.indirect_vreg.gather [hbm4b:s2+s3], $0x80, v3, vm0, $0xb8;
	[tilespmem:$0x18200] =	vst v63  }
0xae: {  	s0 =	simm.s32 $0x17200  }
0xaf: {  	[tilespmem:s0], [sflag:$0x1] =	stream.indirect_vreg.gather [hbm4b:s5+s3], $0x80, v3, vm0, $0xb8;
	[tilespmem:$0x18200] =	vst v63  }
0xb0: {  	s1 =	simm.s32 $0x17A00  }
0xb1: {  	[tilespmem:s1], [sflag:$0x1] =	stream.indirect_vreg.gather [hbm4b:s6+s3], $0x80, v3, vm0, $0xb8;
	[tilespmem:$0x18200] =	vst v63  }
0xb2: {  	_ =	swait.ge [sflag:s4], $0xC000  }
0xb3: {  	[sflag:s4] =	ssyncset.done $0x0  }
0xb4: {  	s9 =	rddreg [dreg:$0x4];
	[sflag:s4] =	ssyncadd.s32 $0xFFFF4000  }
0xb5: {  	[hbm4b:s9+s3] =	stream.linear.scatter [tilespmem:s8], [sflag:$0x3], $0xC000, $0x38;
	[tilespmem:$0x18200] =	vst v63  }
0xb6: {  	_ =	swait.ge [sflag:s10], $0xC000  }
0xb7: {  	[sflag:s10] =	ssyncset.done $0x0  }
0xb8: {  	[sflag:s10] =	ssyncadd.s32 $0xFFFF4000  }
0xb9: {  	v3 =	vld [tilespmem:$0x80];
	_ =	sdelay $0x4  }
0xba: {  	v40 =	vshrl.u32 v3, $0x3  }
0xbb: {  	v4 =	vmul.u32 $0x30, v40  }
0xbc: {  	v3 =	vand.u32 $0x7, v3  }
0xbd: {  	v3 =	vor.u32 v3, v4  }
0xbe: {  	v4 =	vperm.xlane v3, v0;
	_ =	sdelay $0x1  }
0xbf: {  	v4 =	vadd.s32 v1, v4;
	_ =	sdelay $0x3  }
0xc0: {  	v3 =	vperm.xlane v3, v2  }
0xc1: {  	[tilespmem:s16], [sflag:$0x1] =	stream.indirect_vreg.gather [hbm4b:s2+s3], $0x80, v4, vm0, $0xb8;
	[tilespmem:$0x18200] =	vst v63  }
0xc2: {  	s0 =	simm.s32 $0xA00;
	v3 =	vadd.s32 v1, v3  }
0xc3: {  	[tilespmem:s0], [sflag:$0x1] =	stream.indirect_vreg.gather [hbm4b:s5+s3], $0x80, v4, vm0, $0xb8;
	[tilespmem:$0x18200] =	vst v63  }
0xc4: {  	s1 =	simm.s32 $0x1200  }
0xc5: {  	[tilespmem:s1], [sflag:$0x1] =	stream.indirect_vreg.gather [hbm4b:s6+s3], $0x80, v4, vm0, $0xb8;
	[tilespmem:$0x18200] =	vst v63  }
0xc6: {  	s9 =	simm.s32 $0x1A00  }
0xc7: {  	[tilespmem:s9], [sflag:$0x1] =	stream.indirect_vreg.gather [hbm4b:s2+s3], $0x80, v3, vm0, $0xb8;
	[tilespmem:$0x18200] =	vst v63  }
0xc8: {  	s20 =	simm.s32 $0x2200  }
0xc9: {  	[tilespmem:s20], [sflag:$0x1] =	stream.indirect_vreg.gather [hbm4b:s5+s3], $0x80, v3, vm0, $0xb8;
	[tilespmem:$0x18200] =	vst v63  }
0xca: {  	s13 =	simm.s32 $0x2A00  }
0xcb: {  	[tilespmem:s13], [sflag:$0x1] =	stream.indirect_vreg.gather [hbm4b:s6+s3], $0x80, v3, vm0, $0xb8;
	[tilespmem:$0x18200] =	vst v63  }
0xcc: {  	v3 =	vld [tilespmem:$0x90];
	_ =	sdelay $0x4  }
0xcd: {  	v41 =	vshrl.u32 v3, $0x3  }
0xce: {  	v4 =	vmul.u32 $0x30, v41  }
0xcf: {  	v3 =	vand.u32 $0x7, v3  }
0xd0: {  	v3 =	vor.u32 v3, v4  }
0xd1: {  	v4 =	vperm.xlane v3, v0;
	_ =	sdelay $0x1  }
0xd2: {  	v4 =	vadd.s32 v1, v4;
	_ =	sdelay $0x3  }
0xd3: {  	s14 =	simm.s32 $0x3200;
	v3 =	vperm.xlane v3, v2  }
0xd4: {  	[tilespmem:s14], [sflag:$0x1] =	stream.indirect_vreg.gather [hbm4b:s2+s3], $0x80, v4, vm0, $0xb8;
	[tilespmem:$0x18200] =	vst v63  }
0xd5: {  	s21 =	simm.s32 $0x3A00;
	v3 =	vadd.s32 v1, v3  }
0xd6: {  	[tilespmem:s21], [sflag:$0x1] =	stream.indirect_vreg.gather [hbm4b:s5+s3], $0x80, v4, vm0, $0xb8;
	[tilespmem:$0x18200] =	vst v63  }
0xd7: {  	s22 =	simm.s32 $0x4200  }
0xd8: {  	[tilespmem:s22], [sflag:$0x1] =	stream.indirect_vreg.gather [hbm4b:s6+s3], $0x80, v4, vm0, $0xb8;
	[tilespmem:$0x18200] =	vst v63  }
0xd9: {  	s23 =	simm.s32 $0x4A00  }
0xda: {  	[tilespmem:s23], [sflag:$0x1] =	stream.indirect_vreg.gather [hbm4b:s2+s3], $0x80, v3, vm0, $0xb8;
	[tilespmem:$0x18200] =	vst v63  }
0xdb: {  	s24 =	simm.s32 $0x5200  }
0xdc: {  	[tilespmem:s24], [sflag:$0x1] =	stream.indirect_vreg.gather [hbm4b:s5+s3], $0x80, v3, vm0, $0xb8;
	[tilespmem:$0x18200] =	vst v63  }
0xdd: {  	s25 =	simm.s32 $0x5A00  }
0xde: {  	[tilespmem:s25], [sflag:$0x1] =	stream.indirect_vreg.gather [hbm4b:s6+s3], $0x80, v3, vm0, $0xb8;
	[tilespmem:$0x18200] =	vst v63  }
0xdf: {  	v3 =	vld [tilespmem:$0xA0];
	_ =	sdelay $0x4  }
0xe0: {  	v42 =	vshrl.u32 v3, $0x3  }
0xe1: {  	v4 =	vmul.u32 $0x30, v42  }
0xe2: {  	v3 =	vand.u32 $0x7, v3  }
0xe3: {  	v3 =	vor.u32 v3, v4  }
0xe4: {  	v4 =	vperm.xlane v3, v0;
	_ =	sdelay $0x1  }
0xe5: {  	v4 =	vadd.s32 v1, v4;
	_ =	sdelay $0x3  }
0xe6: {  	s26 =	simm.s32 $0x6200;
	v3 =	vperm.xlane v3, v2  }
0xe7: {  	[tilespmem:s26], [sflag:$0x1] =	stream.indirect_vreg.gather [hbm4b:s2+s3], $0x80, v4, vm0, $0xb8;
	[tilespmem:$0x18200] =	vst v63  }
0xe8: {  	s25 =	simm.s32 $0x6A00;
	v3 =	vadd.s32 v1, v3  }
0xe9: {  	[tilespmem:s25], [sflag:$0x1] =	stream.indirect_vreg.gather [hbm4b:s5+s3], $0x80, v4, vm0, $0xb8;
	[tilespmem:$0x18200] =	vst v63  }
0xea: {  	s26 =	simm.s32 $0x7200  }
0xeb: {  	[tilespmem:s26], [sflag:$0x1] =	stream.indirect_vreg.gather [hbm4b:s6+s3], $0x80, v4, vm0, $0xb8;
	[tilespmem:$0x18200] =	vst v63  }
0xec: {  	s28 =	simm.s32 $0x7A00  }
0xed: {  	[tilespmem:s28], [sflag:$0x1] =	stream.indirect_vreg.gather [hbm4b:s2+s3], $0x80, v3, vm0, $0xb8;
	[tilespmem:$0x18200] =	vst v63  }
0xee: {  	s29 =	simm.s32 $0x8200  }
0xef: {  	[tilespmem:s29], [sflag:$0x1] =	stream.indirect_vreg.gather [hbm4b:s5+s3], $0x80, v3, vm0, $0xb8;
	[tilespmem:$0x18200] =	vst v63  }
0xf0: {  	s30 =	simm.s32 $0x8A00  }
0xf1: {  	[tilespmem:s30], [sflag:$0x1] =	stream.indirect_vreg.gather [hbm4b:s6+s3], $0x80, v3, vm0, $0xb8;
	[tilespmem:$0x18200] =	vst v63  }
0xf2: {  	v3 =	vld [tilespmem:$0xB0];
	_ =	sdelay $0x4  }
0xf3: {  	v43 =	vshrl.u32 v3, $0x3  }
0xf4: {  	v4 =	vmul.u32 $0x30, v43  }
0xf5: {  	v3 =	vand.u32 $0x7, v3  }
0xf6: {  	v3 =	vor.u32 v3, v4  }
0xf7: {  	v4 =	vperm.xlane v3, v0;
	_ =	sdelay $0x1  }
0xf8: {  	v4 =	vadd.s32 v1, v4;
	_ =	sdelay $0x3  }
0xf9: {  	s31 =	simm.s32 $0x9200;
	v3 =	vperm.xlane v3, v2  }
0xfa: {  	[tilespmem:s31], [sflag:$0x1] =	stream.indirect_vreg.gather [hbm4b:s2+s3], $0x80, v4, vm0, $0xb8;
	[tilespmem:$0x18200] =	vst v63  }
0xfb: {  	s30 =	simm.s32 $0x9A00;
	v3 =	vadd.s32 v1, v3  }
0xfc: {  	[tilespmem:s30], [sflag:$0x1] =	stream.indirect_vreg.gather [hbm4b:s5+s3], $0x80, v4, vm0, $0xb8;
	[tilespmem:$0x18200] =	vst v63  }
0xfd: {  	s31 =	simm.s32 $0xA200  }
0xfe: {  	[tilespmem:s31], [sflag:$0x1] =	stream.indirect_vreg.gather [hbm4b:s6+s3], $0x80, v4, vm0, $0xb8;
	[tilespmem:$0x18200] =	vst v63  }
0xff: {  	s13 =	simm.s32 $0xAA00  }
0x100: {  	[tilespmem:s13], [sflag:$0x1] =	stream.indirect_vreg.gather [hbm4b:s2+s3], $0x80, v3, vm0, $0xb8;
	[tilespmem:$0x18200] =	vst v63  }
0x101: {  	s14 =	simm.s32 $0xB200  }
0x102: {  	[tilespmem:s14], [sflag:$0x1] =	stream.indirect_vreg.gather [hbm4b:s5+s3], $0x80, v3, vm0, $0xb8;
	[tilespmem:$0x18200] =	vst v63  }
0x103: {  	s15 =	simm.s32 $0xBA00  }
0x104: {  	[tilespmem:s15], [sflag:$0x1] =	stream.indirect_vreg.gather [hbm4b:s6+s3], $0x80, v3, vm0, $0xb8;
	[tilespmem:$0x18200] =	vst v63  }
0x105: {  	_ =	swait.ge [sflag:s4], $0xC000  }
0x106: {  	[sflag:s4] =	ssyncset.done $0x0  }
0x107: {  	s15 =	rddreg [dreg:$0x5];
	[sflag:s4] =	ssyncadd.s32 $0xFFFF4000  }
0x108: {  	[hbm4b:s15+s3] =	stream.linear.scatter [tilespmem:s16], [sflag:$0x2], $0xC000, $0x38;
	[tilespmem:$0x18200] =	vst v63  }
0x109: {  	_ =	swait.ge [sflag:s11], $0xC000  }
0x10a: {  	[sflag:s11] =	ssyncset.done $0x0  }
0x10b: {  	[sflag:s11] =	ssyncadd.s32 $0xFFFF4000  }
0x10c: {  	v3 =	vld [tilespmem:$0xC0];
	_ =	sdelay $0x4  }
0x10d: {  	v44 =	vshrl.u32 v3, $0x3  }
0x10e: {  	v4 =	vmul.u32 $0x30, v44  }
0x10f: {  	v3 =	vand.u32 $0x7, v3  }
0x110: {  	v3 =	vor.u32 v3, v4  }
0x111: {  	v4 =	vperm.xlane v3, v0;
	_ =	sdelay $0x1  }
0x112: {  	v4 =	vadd.s32 v1, v4;
	_ =	sdelay $0x3  }
0x113: {  	v3 =	vperm.xlane v3, v2  }
0x114: {  	[tilespmem:s8], [sflag:$0x1] =	stream.indirect_vreg.gather [hbm4b:s2+s3], $0x80, v4, vm0, $0xb8;
	[tilespmem:$0x18200] =	vst v63  }
0x115: {  	s15 =	simm.s32 $0xCA00;
	v3 =	vadd.s32 v1, v3  }
0x116: {  	[tilespmem:s15], [sflag:$0x1] =	stream.indirect_vreg.gather [hbm4b:s5+s3], $0x80, v4, vm0, $0xb8;
	[tilespmem:$0x18200] =	vst v63  }
0x117: {  	s12 =	simm.s32 $0xD200  }
0x118: {  	[tilespmem:s12], [sflag:$0x1] =	stream.indirect_vreg.gather [hbm4b:s6+s3], $0x80, v4, vm0, $0xb8;
	[tilespmem:$0x18200] =	vst v63  }
0x119: {  	s12 =	simm.s32 $0xDA00  }
0x11a: {  	[tilespmem:s12], [sflag:$0x1] =	stream.indirect_vreg.gather [hbm4b:s2+s3], $0x80, v3, vm0, $0xb8;
	[tilespmem:$0x18200] =	vst v63  }
0x11b: {  	s12 =	simm.s32 $0xE200  }
0x11c: {  	[tilespmem:s12], [sflag:$0x1] =	stream.indirect_vreg.gather [hbm4b:s5+s3], $0x80, v3, vm0, $0xb8;
	[tilespmem:$0x18200] =	vst v63  }
0x11d: {  	s18 =	simm.s32 $0xEA00  }
0x11e: {  	[tilespmem:s18], [sflag:$0x1] =	stream.indirect_vreg.gather [hbm4b:s6+s3], $0x80, v3, vm0, $0xb8;
	[tilespmem:$0x18200] =	vst v63  }
0x11f: {  	v3 =	vld [tilespmem:$0xD0];
	_ =	sdelay $0x4  }
0x120: {  	v45 =	vshrl.u32 v3, $0x3  }
0x121: {  	v4 =	vmul.u32 $0x30, v45  }
0x122: {  	v3 =	vand.u32 $0x7, v3  }
0x123: {  	v3 =	vor.u32 v3, v4  }
0x124: {  	v4 =	vperm.xlane v3, v0;
	_ =	sdelay $0x1  }
0x125: {  	v4 =	vadd.s32 v1, v4;
	_ =	sdelay $0x3  }
0x126: {  	s19 =	simm.s32 $0xF200;
	v3 =	vperm.xlane v3, v2  }
0x127: {  	[tilespmem:s19], [sflag:$0x1] =	stream.indirect_vreg.gather [hbm4b:s2+s3], $0x80, v4, vm0, $0xb8;
	[tilespmem:$0x18200] =	vst v63  }
0x128: {  	v3 =	vadd.s32 v1, v3;
	s19 =	simm.s32 $0xFA00  }
0x129: {  	[tilespmem:s19], [sflag:$0x1] =	stream.indirect_vreg.gather [hbm4b:s5+s3], $0x80, v4, vm0, $0xb8;
	[tilespmem:$0x18200] =	vst v63  }
0x12a: {  	s18 =	simm.s32 $0x10200  }
0x12b: {  	[tilespmem:s18], [sflag:$0x1] =	stream.indirect_vreg.gather [hbm4b:s6+s3], $0x80, v4, vm0, $0xb8;
	[tilespmem:$0x18200] =	vst v63  }
0x12c: {  	s19 =	simm.s32 $0x10A00  }
0x12d: {  	[tilespmem:s19], [sflag:$0x1] =	stream.indirect_vreg.gather [hbm4b:s2+s3], $0x80, v3, vm0, $0xb8;
	[tilespmem:$0x18200] =	vst v63  }
0x12e: {  	s18 =	simm.s32 $0x11200  }
0x12f: {  	[tilespmem:s18], [sflag:$0x1] =	stream.indirect_vreg.gather [hbm4b:s5+s3], $0x80, v3, vm0, $0xb8;
	[tilespmem:$0x18200] =	vst v63  }
0x130: {  	s19 =	simm.s32 $0x11A00  }
0x131: {  	[tilespmem:s19], [sflag:$0x1] =	stream.indirect_vreg.gather [hbm4b:s6+s3], $0x80, v3, vm0, $0xb8;
	[tilespmem:$0x18200] =	vst v63  }
0x132: {  	v3 =	vld [tilespmem:$0xE0];
	_ =	sdelay $0x4  }
0x133: {  	v46 =	vshrl.u32 v3, $0x3  }
0x134: {  	v4 =	vmul.u32 $0x30, v46  }
0x135: {  	v3 =	vand.u32 $0x7, v3  }
0x136: {  	v3 =	vor.u32 v3, v4  }
0x137: {  	v4 =	vperm.xlane v3, v0;
	_ =	sdelay $0x1  }
0x138: {  	v4 =	vadd.s32 v1, v4;
	_ =	sdelay $0x3  }
0x139: {  	s18 =	simm.s32 $0x12200;
	v3 =	vperm.xlane v3, v2  }
0x13a: {  	[tilespmem:s18], [sflag:$0x1] =	stream.indirect_vreg.gather [hbm4b:s2+s3], $0x80, v4, vm0, $0xb8;
	[tilespmem:$0x18200] =	vst v63  }
0x13b: {  	s19 =	simm.s32 $0x12A00;
	v3 =	vadd.s32 v1, v3  }
0x13c: {  	[tilespmem:s19], [sflag:$0x1] =	stream.indirect_vreg.gather [hbm4b:s5+s3], $0x80, v4, vm0, $0xb8;
	[tilespmem:$0x18200] =	vst v63  }
0x13d: {  	s18 =	simm.s32 $0x13200  }
0x13e: {  	[tilespmem:s18], [sflag:$0x1] =	stream.indirect_vreg.gather [hbm4b:s6+s3], $0x80, v4, vm0, $0xb8;
	[tilespmem:$0x18200] =	vst v63  }
0x13f: {  	s19 =	simm.s32 $0x13A00  }
0x140: {  	[tilespmem:s19], [sflag:$0x1] =	stream.indirect_vreg.gather [hbm4b:s2+s3], $0x80, v3, vm0, $0xb8;
	[tilespmem:$0x18200] =	vst v63  }
0x141: {  	s18 =	simm.s32 $0x14200  }
0x142: {  	[tilespmem:s18], [sflag:$0x1] =	stream.indirect_vreg.gather [hbm4b:s5+s3], $0x80, v3, vm0, $0xb8;
	[tilespmem:$0x18200] =	vst v63  }
0x143: {  	s19 =	simm.s32 $0x14A00  }
0x144: {  	[tilespmem:s19], [sflag:$0x1] =	stream.indirect_vreg.gather [hbm4b:s6+s3], $0x80, v3, vm0, $0xb8;
	[tilespmem:$0x18200] =	vst v63  }
0x145: {  	v3 =	vld [tilespmem:$0xF0];
	_ =	sdelay $0x4  }
0x146: {  	v47 =	vshrl.u32 v3, $0x3  }
0x147: {  	v4 =	vmul.u32 $0x30, v47  }
0x148: {  	v3 =	vand.u32 $0x7, v3  }
0x149: {  	v3 =	vor.u32 v3, v4  }
0x14a: {  	v4 =	vperm.xlane v3, v0;
	_ =	sdelay $0x1  }
0x14b: {  	v4 =	vadd.s32 v1, v4;
	_ =	sdelay $0x3  }
0x14c: {  	s18 =	simm.s32 $0x15200;
	v3 =	vperm.xlane v3, v2  }
0x14d: {  	[tilespmem:s18], [sflag:$0x1] =	stream.indirect_vreg.gather [hbm4b:s2+s3], $0x80, v4, vm0, $0xb8;
	[tilespmem:$0x18200] =	vst v63  }
0x14e: {  	s19 =	simm.s32 $0x15A00;
	v3 =	vadd.s32 v1, v3  }
0x14f: {  	[tilespmem:s19], [sflag:$0x1] =	stream.indirect_vreg.gather [hbm4b:s5+s3], $0x80, v4, vm0, $0xb8;
	[tilespmem:$0x18200] =	vst v63  }
0x150: {  	s18 =	simm.s32 $0x16200  }
0x151: {  	[tilespmem:s18], [sflag:$0x1] =	stream.indirect_vreg.gather [hbm4b:s6+s3], $0x80, v4, vm0, $0xb8;
	[tilespmem:$0x18200] =	vst v63  }
0x152: {  	s19 =	simm.s32 $0x16A00  }
0x153: {  	[tilespmem:s19], [sflag:$0x1] =	stream.indirect_vreg.gather [hbm4b:s2+s3], $0x80, v3, vm0, $0xb8;
	[tilespmem:$0x18200] =	vst v63  }
0x154: {  	s18 =	simm.s32 $0x17200  }
0x155: {  	[tilespmem:s18], [sflag:$0x1] =	stream.indirect_vreg.gather [hbm4b:s5+s3], $0x80, v3, vm0, $0xb8;
	[tilespmem:$0x18200] =	vst v63  }
0x156: {  	s17 =	simm.s32 $0x17A00  }
0x157: {  	[tilespmem:s17], [sflag:$0x1] =	stream.indirect_vreg.gather [hbm4b:s6+s3], $0x80, v3, vm0, $0xb8;
	[tilespmem:$0x18200] =	vst v63  }
0x158: {  	_ =	swait.ge [sflag:s4], $0xC000  }
0x159: {  	[sflag:s4] =	ssyncset.done $0x0  }
0x15a: {  	s19 =	rddreg [dreg:$0x6];
	[sflag:s4] =	ssyncadd.s32 $0xFFFF4000  }
0x15b: {  	[hbm4b:s19+s3] =	stream.linear.scatter [tilespmem:s8], [sflag:$0x3], $0xC000, $0x38;
	[tilespmem:$0x18200] =	vst v63  }
0x15c: {  	_ =	swait.ge [sflag:s10], $0xC000  }
0x15d: {  	[sflag:s10] =	ssyncset.done $0x0  }
0x15e: {  	[sflag:s10] =	ssyncadd.s32 $0xFFFF4000  }
0x15f: {  	v3 =	vld [tilespmem:$0x100];
	_ =	sdelay $0x4  }
0x160: {  	v48 =	vshrl.u32 v3, $0x3  }
0x161: {  	v4 =	vmul.u32 $0x30, v48  }
0x162: {  	v3 =	vand.u32 $0x7, v3  }
0x163: {  	v3 =	vor.u32 v3, v4  }
0x164: {  	v4 =	vperm.xlane v3, v0;
	_ =	sdelay $0x1  }
0x165: {  	v4 =	vadd.s32 v1, v4;
	_ =	sdelay $0x3  }
0x166: {  	v3 =	vperm.xlane v3, v2  }
0x167: {  	[tilespmem:s16], [sflag:$0x1] =	stream.indirect_vreg.gather [hbm4b:s2+s3], $0x80, v4, vm0, $0xb8;
	[tilespmem:$0x18200] =	vst v63  }
0x168: {  	v3 =	vadd.s32 v1, v3  }
0x169: {  	[tilespmem:s0], [sflag:$0x1] =	stream.indirect_vreg.gather [hbm4b:s5+s3], $0x80, v4, vm0, $0xb8;
	[tilespmem:$0x18200] =	vst v63  }
0x16a: {  	_ = 	snop  }
0x16b: {  	[tilespmem:s1], [sflag:$0x1] =	stream.indirect_vreg.gather [hbm4b:s6+s3], $0x80, v4, vm0, $0xb8;
	[tilespmem:$0x18200] =	vst v63  }
0x16c: {  	_ = 	snop  }
0x16d: {  	[tilespmem:s9], [sflag:$0x1] =	stream.indirect_vreg.gather [hbm4b:s2+s3], $0x80, v3, vm0, $0xb8;
	[tilespmem:$0x18200] =	vst v63  }
0x16e: {  	_ = 	snop  }
0x16f: {  	[tilespmem:s20], [sflag:$0x1] =	stream.indirect_vreg.gather [hbm4b:s5+s3], $0x80, v3, vm0, $0xb8;
	[tilespmem:$0x18200] =	vst v63  }
0x170: {  	s20 =	simm.s32 $0x2A00  }
0x171: {  	[tilespmem:s20], [sflag:$0x1] =	stream.indirect_vreg.gather [hbm4b:s6+s3], $0x80, v3, vm0, $0xb8;
	[tilespmem:$0x18200] =	vst v63  }
0x172: {  	v3 =	vld [tilespmem:$0x110];
	_ =	sdelay $0x4  }
0x173: {  	v49 =	vshrl.u32 v3, $0x3  }
0x174: {  	v4 =	vmul.u32 $0x30, v49  }
0x175: {  	v3 =	vand.u32 $0x7, v3  }
0x176: {  	v3 =	vor.u32 v3, v4  }
0x177: {  	v4 =	vperm.xlane v3, v0;
	_ =	sdelay $0x1  }
0x178: {  	v4 =	vadd.s32 v1, v4;
	_ =	sdelay $0x3  }
0x179: {  	s18 =	simm.s32 $0x3200;
	v3 =	vperm.xlane v3, v2  }
0x17a: {  	[tilespmem:s18], [sflag:$0x1] =	stream.indirect_vreg.gather [hbm4b:s2+s3], $0x80, v4, vm0, $0xb8;
	[tilespmem:$0x18200] =	vst v63  }
0x17b: {  	v3 =	vadd.s32 v1, v3  }
0x17c: {  	[tilespmem:s21], [sflag:$0x1] =	stream.indirect_vreg.gather [hbm4b:s5+s3], $0x80, v4, vm0, $0xb8;
	[tilespmem:$0x18200] =	vst v63  }
0x17d: {  	_ = 	snop  }
0x17e: {  	[tilespmem:s22], [sflag:$0x1] =	stream.indirect_vreg.gather [hbm4b:s6+s3], $0x80, v4, vm0, $0xb8;
	[tilespmem:$0x18200] =	vst v63  }
0x17f: {  	_ = 	snop  }
0x180: {  	[tilespmem:s23], [sflag:$0x1] =	stream.indirect_vreg.gather [hbm4b:s2+s3], $0x80, v3, vm0, $0xb8;
	[tilespmem:$0x18200] =	vst v63  }
0x181: {  	_ = 	snop  }
0x182: {  	[tilespmem:s24], [sflag:$0x1] =	stream.indirect_vreg.gather [hbm4b:s5+s3], $0x80, v3, vm0, $0xb8;
	[tilespmem:$0x18200] =	vst v63  }
0x183: {  	s19 =	simm.s32 $0x5A00  }
0x184: {  	[tilespmem:s19], [sflag:$0x1] =	stream.indirect_vreg.gather [hbm4b:s6+s3], $0x80, v3, vm0, $0xb8;
	[tilespmem:$0x18200] =	vst v63  }
0x185: {  	v3 =	vld [tilespmem:$0x120];
	_ =	sdelay $0x4  }
0x186: {  	v50 =	vshrl.u32 v3, $0x3  }
0x187: {  	v4 =	vmul.u32 $0x30, v50  }
0x188: {  	v3 =	vand.u32 $0x7, v3  }
0x189: {  	v3 =	vor.u32 v3, v4  }
0x18a: {  	v4 =	vperm.xlane v3, v0;
	_ =	sdelay $0x1  }
0x18b: {  	v4 =	vadd.s32 v1, v4;
	_ =	sdelay $0x3  }
0x18c: {  	s24 =	simm.s32 $0x6200;
	v3 =	vperm.xlane v3, v2  }
0x18d: {  	[tilespmem:s24], [sflag:$0x1] =	stream.indirect_vreg.gather [hbm4b:s2+s3], $0x80, v4, vm0, $0xb8;
	[tilespmem:$0x18200] =	vst v63  }
0x18e: {  	v3 =	vadd.s32 v1, v3  }
0x18f: {  	[tilespmem:s25], [sflag:$0x1] =	stream.indirect_vreg.gather [hbm4b:s5+s3], $0x80, v4, vm0, $0xb8;
	[tilespmem:$0x18200] =	vst v63  }
0x190: {  	_ = 	snop  }
0x191: {  	[tilespmem:s26], [sflag:$0x1] =	stream.indirect_vreg.gather [hbm4b:s6+s3], $0x80, v4, vm0, $0xb8;
	[tilespmem:$0x18200] =	vst v63  }
0x192: {  	_ = 	snop  }
0x193: {  	[tilespmem:s28], [sflag:$0x1] =	stream.indirect_vreg.gather [hbm4b:s2+s3], $0x80, v3, vm0, $0xb8;
	[tilespmem:$0x18200] =	vst v63  }
0x194: {  	_ = 	snop  }
0x195: {  	[tilespmem:s29], [sflag:$0x1] =	stream.indirect_vreg.gather [hbm4b:s5+s3], $0x80, v3, vm0, $0xb8;
	[tilespmem:$0x18200] =	vst v63  }
0x196: {  	s29 =	simm.s32 $0x8A00  }
0x197: {  	[tilespmem:s29], [sflag:$0x1] =	stream.indirect_vreg.gather [hbm4b:s6+s3], $0x80, v3, vm0, $0xb8;
	[tilespmem:$0x18200] =	vst v63  }
0x198: {  	v3 =	vld [tilespmem:$0x130];
	_ =	sdelay $0x4  }
0x199: {  	v51 =	vshrl.u32 v3, $0x3  }
0x19a: {  	v4 =	vmul.u32 $0x30, v51  }
0x19b: {  	v3 =	vand.u32 $0x7, v3  }
0x19c: {  	v3 =	vor.u32 v3, v4  }
0x19d: {  	v4 =	vperm.xlane v3, v0;
	_ =	sdelay $0x1  }
0x19e: {  	v4 =	vadd.s32 v1, v4;
	_ =	sdelay $0x3  }
0x19f: {  	s18 =	simm.s32 $0x9200;
	v3 =	vperm.xlane v3, v2  }
0x1a0: {  	[tilespmem:s18], [sflag:$0x1] =	stream.indirect_vreg.gather [hbm4b:s2+s3], $0x80, v4, vm0, $0xb8;
	[tilespmem:$0x18200] =	vst v63  }
0x1a1: {  	v3 =	vadd.s32 v1, v3  }
0x1a2: {  	[tilespmem:s30], [sflag:$0x1] =	stream.indirect_vreg.gather [hbm4b:s5+s3], $0x80, v4, vm0, $0xb8;
	[tilespmem:$0x18200] =	vst v63  }
0x1a3: {  	_ = 	snop  }
0x1a4: {  	[tilespmem:s31], [sflag:$0x1] =	stream.indirect_vreg.gather [hbm4b:s6+s3], $0x80, v4, vm0, $0xb8;
	[tilespmem:$0x18200] =	vst v63  }
0x1a5: {  	_ = 	snop  }
0x1a6: {  	[tilespmem:s13], [sflag:$0x1] =	stream.indirect_vreg.gather [hbm4b:s2+s3], $0x80, v3, vm0, $0xb8;
	[tilespmem:$0x18200] =	vst v63  }
0x1a7: {  	_ = 	snop  }
0x1a8: {  	[tilespmem:s14], [sflag:$0x1] =	stream.indirect_vreg.gather [hbm4b:s5+s3], $0x80, v3, vm0, $0xb8;
	[tilespmem:$0x18200] =	vst v63  }
0x1a9: {  	s19 =	simm.s32 $0xBA00  }
0x1aa: {  	[tilespmem:s19], [sflag:$0x1] =	stream.indirect_vreg.gather [hbm4b:s6+s3], $0x80, v3, vm0, $0xb8;
	[tilespmem:$0x18200] =	vst v63  }
0x1ab: {  	_ =	swait.ge [sflag:s4], $0xC000  }
0x1ac: {  	[sflag:s4] =	ssyncset.done $0x0  }
0x1ad: {  	s31 =	rddreg [dreg:$0x7];
	[sflag:s4] =	ssyncadd.s32 $0xFFFF4000  }
0x1ae: {  	[hbm4b:s31+s3] =	stream.linear.scatter [tilespmem:s16], [sflag:$0x2], $0xC000, $0x38;
	[tilespmem:$0x18200] =	vst v63  }
0x1af: {  	_ =	swait.ge [sflag:s11], $0xC000  }
0x1b0: {  	[sflag:s11] =	ssyncset.done $0x0  }
0x1b1: {  	[sflag:s11] =	ssyncadd.s32 $0xFFFF4000  }
0x1b2: {  	v3 =	vld [tilespmem:$0x140];
	_ =	sdelay $0x4  }
0x1b3: {  	v52 =	vshrl.u32 v3, $0x3  }
0x1b4: {  	v4 =	vmul.u32 $0x30, v52  }
0x1b5: {  	v3 =	vand.u32 $0x7, v3  }
0x1b6: {  	v3 =	vor.u32 v3, v4  }
0x1b7: {  	v4 =	vperm.xlane v3, v0;
	_ =	sdelay $0x1  }
0x1b8: {  	v4 =	vadd.s32 v1, v4;
	_ =	sdelay $0x3  }
0x1b9: {  	v3 =	vperm.xlane v3, v2  }
0x1ba: {  	[tilespmem:s8], [sflag:$0x1] =	stream.indirect_vreg.gather [hbm4b:s2+s3], $0x80, v4, vm0, $0xb8;
	[tilespmem:$0x18200] =	vst v63  }
0x1bb: {  	s15 =	simm.s32 $0xCA00;
	v3 =	vadd.s32 v1, v3  }
0x1bc: {  	[tilespmem:s15], [sflag:$0x1] =	stream.indirect_vreg.gather [hbm4b:s5+s3], $0x80, v4, vm0, $0xb8;
	[tilespmem:$0x18200] =	vst v63  }
0x1bd: {  	s15 =	simm.s32 $0xD200  }
0x1be: {  	[tilespmem:s15], [sflag:$0x1] =	stream.indirect_vreg.gather [hbm4b:s6+s3], $0x80, v4, vm0, $0xb8;
	[tilespmem:$0x18200] =	vst v63  }
0x1bf: {  	s18 =	simm.s32 $0xDA00  }
0x1c0: {  	[tilespmem:s18], [sflag:$0x1] =	stream.indirect_vreg.gather [hbm4b:s2+s3], $0x80, v3, vm0, $0xb8;
	[tilespmem:$0x18200] =	vst v63  }
0x1c1: {  	s19 =	simm.s32 $0xE200  }
0x1c2: {  	[tilespmem:s19], [sflag:$0x1] =	stream.indirect_vreg.gather [hbm4b:s5+s3], $0x80, v3, vm0, $0xb8;
	[tilespmem:$0x18200] =	vst v63  }
0x1c3: {  	s12 =	simm.s32 $0xEA00  }
0x1c4: {  	[tilespmem:s12], [sflag:$0x1] =	stream.indirect_vreg.gather [hbm4b:s6+s3], $0x80, v3, vm0, $0xb8;
	[tilespmem:$0x18200] =	vst v63  }
0x1c5: {  	v3 =	vld [tilespmem:$0x150];
	_ =	sdelay $0x4  }
0x1c6: {  	v53 =	vshrl.u32 v3, $0x3  }
0x1c7: {  	v4 =	vmul.u32 $0x30, v53  }
0x1c8: {  	v3 =	vand.u32 $0x7, v3  }
0x1c9: {  	v3 =	vor.u32 v3, v4  }
0x1ca: {  	v4 =	vperm.xlane v3, v0;
	_ =	sdelay $0x1  }
0x1cb: {  	v4 =	vadd.s32 v1, v4;
	_ =	sdelay $0x3  }
0x1cc: {  	s12 =	simm.s32 $0xF200;
	v3 =	vperm.xlane v3, v2  }
0x1cd: {  	[tilespmem:s12], [sflag:$0x1] =	stream.indirect_vreg.gather [hbm4b:s2+s3], $0x80, v4, vm0, $0xb8;
	[tilespmem:$0x18200] =	vst v63  }
0x1ce: {  	v3 =	vadd.s32 v1, v3;
	s12 =	simm.s32 $0xFA00  }
0x1cf: {  	[tilespmem:s12], [sflag:$0x1] =	stream.indirect_vreg.gather [hbm4b:s5+s3], $0x80, v4, vm0, $0xb8;
	[tilespmem:$0x18200] =	vst v63  }
0x1d0: {  	s12 =	simm.s32 $0x10200  }
0x1d1: {  	[tilespmem:s12], [sflag:$0x1] =	stream.indirect_vreg.gather [hbm4b:s6+s3], $0x80, v4, vm0, $0xb8;
	[tilespmem:$0x18200] =	vst v63  }
0x1d2: {  	s12 =	simm.s32 $0x10A00  }
0x1d3: {  	[tilespmem:s12], [sflag:$0x1] =	stream.indirect_vreg.gather [hbm4b:s2+s3], $0x80, v3, vm0, $0xb8;
	[tilespmem:$0x18200] =	vst v63  }
0x1d4: {  	s12 =	simm.s32 $0x11200  }
0x1d5: {  	[tilespmem:s12], [sflag:$0x1] =	stream.indirect_vreg.gather [hbm4b:s5+s3], $0x80, v3, vm0, $0xb8;
	[tilespmem:$0x18200] =	vst v63  }
0x1d6: {  	s12 =	simm.s32 $0x11A00  }
0x1d7: {  	[tilespmem:s12], [sflag:$0x1] =	stream.indirect_vreg.gather [hbm4b:s6+s3], $0x80, v3, vm0, $0xb8;
	[tilespmem:$0x18200] =	vst v63  }
0x1d8: {  	v3 =	vld [tilespmem:$0x160];
	_ =	sdelay $0x4  }
0x1d9: {  	v54 =	vshrl.u32 v3, $0x3  }
0x1da: {  	v4 =	vmul.u32 $0x30, v54  }
0x1db: {  	v3 =	vand.u32 $0x7, v3  }
0x1dc: {  	v3 =	vor.u32 v3, v4  }
0x1dd: {  	v4 =	vperm.xlane v3, v0;
	_ =	sdelay $0x1  }
0x1de: {  	v4 =	vadd.s32 v1, v4;
	_ =	sdelay $0x3  }
0x1df: {  	s12 =	simm.s32 $0x12200;
	v3 =	vperm.xlane v3, v2  }
0x1e0: {  	[tilespmem:s12], [sflag:$0x1] =	stream.indirect_vreg.gather [hbm4b:s2+s3], $0x80, v4, vm0, $0xb8;
	[tilespmem:$0x18200] =	vst v63  }
0x1e1: {  	v3 =	vadd.s32 v1, v3;
	s12 =	simm.s32 $0x12A00  }
0x1e2: {  	[tilespmem:s12], [sflag:$0x1] =	stream.indirect_vreg.gather [hbm4b:s5+s3], $0x80, v4, vm0, $0xb8;
	[tilespmem:$0x18200] =	vst v63  }
0x1e3: {  	s12 =	simm.s32 $0x13200  }
0x1e4: {  	[tilespmem:s12], [sflag:$0x1] =	stream.indirect_vreg.gather [hbm4b:s6+s3], $0x80, v4, vm0, $0xb8;
	[tilespmem:$0x18200] =	vst v63  }
0x1e5: {  	s12 =	simm.s32 $0x13A00  }
0x1e6: {  	[tilespmem:s12], [sflag:$0x1] =	stream.indirect_vreg.gather [hbm4b:s2+s3], $0x80, v3, vm0, $0xb8;
	[tilespmem:$0x18200] =	vst v63  }
0x1e7: {  	s12 =	simm.s32 $0x14200  }
0x1e8: {  	[tilespmem:s12], [sflag:$0x1] =	stream.indirect_vreg.gather [hbm4b:s5+s3], $0x80, v3, vm0, $0xb8;
	[tilespmem:$0x18200] =	vst v63  }
0x1e9: {  	s12 =	simm.s32 $0x14A00  }
0x1ea: {  	[tilespmem:s12], [sflag:$0x1] =	stream.indirect_vreg.gather [hbm4b:s6+s3], $0x80, v3, vm0, $0xb8;
	[tilespmem:$0x18200] =	vst v63  }
0x1eb: {  	v3 =	vld [tilespmem:$0x170];
	_ =	sdelay $0x4  }
0x1ec: {  	v55 =	vshrl.u32 v3, $0x3  }
0x1ed: {  	v4 =	vmul.u32 $0x30, v55  }
0x1ee: {  	v3 =	vand.u32 $0x7, v3  }
0x1ef: {  	v3 =	vor.u32 v3, v4  }
0x1f0: {  	v4 =	vperm.xlane v3, v0;
	_ =	sdelay $0x1  }
0x1f1: {  	v4 =	vadd.s32 v1, v4;
	_ =	sdelay $0x3  }
0x1f2: {  	s12 =	simm.s32 $0x15200;
	v3 =	vperm.xlane v3, v2  }
0x1f3: {  	[tilespmem:s12], [sflag:$0x1] =	stream.indirect_vreg.gather [hbm4b:s2+s3], $0x80, v4, vm0, $0xb8;
	[tilespmem:$0x18200] =	vst v63  }
0x1f4: {  	v3 =	vadd.s32 v1, v3;
	s12 =	simm.s32 $0x15A00  }
0x1f5: {  	[tilespmem:s12], [sflag:$0x1] =	stream.indirect_vreg.gather [hbm4b:s5+s3], $0x80, v4, vm0, $0xb8;
	[tilespmem:$0x18200] =	vst v63  }
0x1f6: {  	s12 =	simm.s32 $0x16200  }
0x1f7: {  	[tilespmem:s12], [sflag:$0x1] =	stream.indirect_vreg.gather [hbm4b:s6+s3], $0x80, v4, vm0, $0xb8;
	[tilespmem:$0x18200] =	vst v63  }
0x1f8: {  	s12 =	simm.s32 $0x16A00  }
0x1f9: {  	[tilespmem:s12], [sflag:$0x1] =	stream.indirect_vreg.gather [hbm4b:s2+s3], $0x80, v3, vm0, $0xb8;
	[tilespmem:$0x18200] =	vst v63  }
0x1fa: {  	s12 =	simm.s32 $0x17200  }
0x1fb: {  	[tilespmem:s12], [sflag:$0x1] =	stream.indirect_vreg.gather [hbm4b:s5+s3], $0x80, v3, vm0, $0xb8;
	[tilespmem:$0x18200] =	vst v63  }
0x1fc: {  	s12 =	simm.s32 $0x17A00  }
0x1fd: {  	[tilespmem:s12], [sflag:$0x1] =	stream.indirect_vreg.gather [hbm4b:s6+s3], $0x80, v3, vm0, $0xb8;
	[tilespmem:$0x18200] =	vst v63  }
0x1fe: {  	_ =	swait.ge [sflag:s4], $0xC000  }
0x1ff: {  	[sflag:s4] =	ssyncset.done $0x0  }
0x200: {  	s12 =	rddreg [dreg:$0x8];
	[sflag:s4] =	ssyncadd.s32 $0xFFFF4000  }
0x201: {  	[hbm4b:s12+s3] =	stream.linear.scatter [tilespmem:s8], [sflag:$0x3], $0xC000, $0x38;
	[tilespmem:$0x18200] =	vst v63  }
0x202: {  	_ =	swait.ge [sflag:s10], $0xC000  }
0x203: {  	[sflag:s10] =	ssyncset.done $0x0  }
0x204: {  	[sflag:s10] =	ssyncadd.s32 $0xFFFF4000  }
0x205: {  	v3 =	vld [tilespmem:$0x180];
	_ =	sdelay $0x4  }
0x206: {  	v56 =	vshrl.u32 v3, $0x3  }
0x207: {  	v4 =	vmul.u32 $0x30, v56  }
0x208: {  	v3 =	vand.u32 $0x7, v3  }
0x209: {  	v3 =	vor.u32 v3, v4  }
0x20a: {  	v4 =	vperm.xlane v3, v0;
	_ =	sdelay $0x1  }
0x20b: {  	v4 =	vadd.s32 v1, v4;
	_ =	sdelay $0x3  }
0x20c: {  	v3 =	vperm.xlane v3, v2  }
0x20d: {  	[tilespmem:s16], [sflag:$0x1] =	stream.indirect_vreg.gather [hbm4b:s2+s3], $0x80, v4, vm0, $0xb8;
	[tilespmem:$0x18200] =	vst v63  }
0x20e: {  	s0 =	simm.s32 $0xA00;
	v3 =	vadd.s32 v1, v3  }
0x20f: {  	[tilespmem:s0], [sflag:$0x1] =	stream.indirect_vreg.gather [hbm4b:s5+s3], $0x80, v4, vm0, $0xb8;
	[tilespmem:$0x18200] =	vst v63  }
0x210: {  	s1 =	simm.s32 $0x1200  }
0x211: {  	[tilespmem:s1], [sflag:$0x1] =	stream.indirect_vreg.gather [hbm4b:s6+s3], $0x80, v4, vm0, $0xb8;
	[tilespmem:$0x18200] =	vst v63  }
0x212: {  	s9 =	simm.s32 $0x1A00  }
0x213: {  	[tilespmem:s9], [sflag:$0x1] =	stream.indirect_vreg.gather [hbm4b:s2+s3], $0x80, v3, vm0, $0xb8;
	[tilespmem:$0x18200] =	vst v63  }
0x214: {  	s17 =	simm.s32 $0x2200  }
0x215: {  	[tilespmem:s17], [sflag:$0x1] =	stream.indirect_vreg.gather [hbm4b:s5+s3], $0x80, v3, vm0, $0xb8;
	[tilespmem:$0x18200] =	vst v63  }
0x216: {  	s12 =	simm.s32 $0x2A00  }
0x217: {  	[tilespmem:s12], [sflag:$0x1] =	stream.indirect_vreg.gather [hbm4b:s6+s3], $0x80, v3, vm0, $0xb8;
	[tilespmem:$0x18200] =	vst v63  }
0x218: {  	v3 =	vld [tilespmem:$0x190];
	_ =	sdelay $0x4  }
0x219: {  	v57 =	vshrl.u32 v3, $0x3  }
0x21a: {  	v4 =	vmul.u32 $0x30, v57  }
0x21b: {  	v3 =	vand.u32 $0x7, v3  }
0x21c: {  	v3 =	vor.u32 v3, v4  }
0x21d: {  	v4 =	vperm.xlane v3, v0;
	_ =	sdelay $0x1  }
0x21e: {  	v4 =	vadd.s32 v1, v4;
	_ =	sdelay $0x3  }
0x21f: {  	s17 =	simm.s32 $0x3200;
	v3 =	vperm.xlane v3, v2  }
0x220: {  	[tilespmem:s17], [sflag:$0x1] =	stream.indirect_vreg.gather [hbm4b:s2+s3], $0x80, v4, vm0, $0xb8;
	[tilespmem:$0x18200] =	vst v63  }
0x221: {  	s20 =	simm.s32 $0x3A00;
	v3 =	vadd.s32 v1, v3  }
0x222: {  	[tilespmem:s20], [sflag:$0x1] =	stream.indirect_vreg.gather [hbm4b:s5+s3], $0x80, v4, vm0, $0xb8;
	[tilespmem:$0x18200] =	vst v63  }
0x223: {  	s21 =	simm.s32 $0x4200  }
0x224: {  	[tilespmem:s21], [sflag:$0x1] =	stream.indirect_vreg.gather [hbm4b:s6+s3], $0x80, v4, vm0, $0xb8;
	[tilespmem:$0x18200] =	vst v63  }
0x225: {  	s22 =	simm.s32 $0x4A00  }
0x226: {  	[tilespmem:s22], [sflag:$0x1] =	stream.indirect_vreg.gather [hbm4b:s2+s3], $0x80, v3, vm0, $0xb8;
	[tilespmem:$0x18200] =	vst v63  }
0x227: {  	s23 =	simm.s32 $0x5200  }
0x228: {  	[tilespmem:s23], [sflag:$0x1] =	stream.indirect_vreg.gather [hbm4b:s5+s3], $0x80, v3, vm0, $0xb8;
	[tilespmem:$0x18200] =	vst v63  }
0x229: {  	s22 =	simm.s32 $0x5A00  }
0x22a: {  	[tilespmem:s22], [sflag:$0x1] =	stream.indirect_vreg.gather [hbm4b:s6+s3], $0x80, v3, vm0, $0xb8;
	[tilespmem:$0x18200] =	vst v63  }
0x22b: {  	v3 =	vld [tilespmem:$0x1A0];
	_ =	sdelay $0x4  }
0x22c: {  	v58 =	vshrl.u32 v3, $0x3  }
0x22d: {  	v4 =	vmul.u32 $0x30, v58  }
0x22e: {  	v3 =	vand.u32 $0x7, v3  }
0x22f: {  	v3 =	vor.u32 v3, v4  }
0x230: {  	v4 =	vperm.xlane v3, v0;
	_ =	sdelay $0x1  }
0x231: {  	v4 =	vadd.s32 v1, v4;
	_ =	sdelay $0x3  }
0x232: {  	s23 =	simm.s32 $0x6200;
	v3 =	vperm.xlane v3, v2  }
0x233: {  	[tilespmem:s23], [sflag:$0x1] =	stream.indirect_vreg.gather [hbm4b:s2+s3], $0x80, v4, vm0, $0xb8;
	[tilespmem:$0x18200] =	vst v63  }
0x234: {  	s24 =	simm.s32 $0x6A00;
	v3 =	vadd.s32 v1, v3  }
0x235: {  	[tilespmem:s24], [sflag:$0x1] =	stream.indirect_vreg.gather [hbm4b:s5+s3], $0x80, v4, vm0, $0xb8;
	[tilespmem:$0x18200] =	vst v63  }
0x236: {  	s25 =	simm.s32 $0x7200  }
0x237: {  	[tilespmem:s25], [sflag:$0x1] =	stream.indirect_vreg.gather [hbm4b:s6+s3], $0x80, v4, vm0, $0xb8;
	[tilespmem:$0x18200] =	vst v63  }
0x238: {  	s26 =	simm.s32 $0x7A00  }
0x239: {  	[tilespmem:s26], [sflag:$0x1] =	stream.indirect_vreg.gather [hbm4b:s2+s3], $0x80, v3, vm0, $0xb8;
	[tilespmem:$0x18200] =	vst v63  }
0x23a: {  	s28 =	simm.s32 $0x8200  }
0x23b: {  	[tilespmem:s28], [sflag:$0x1] =	stream.indirect_vreg.gather [hbm4b:s5+s3], $0x80, v3, vm0, $0xb8;
	[tilespmem:$0x18200] =	vst v63  }
0x23c: {  	s26 =	simm.s32 $0x8A00  }
0x23d: {  	[tilespmem:s26], [sflag:$0x1] =	stream.indirect_vreg.gather [hbm4b:s6+s3], $0x80, v3, vm0, $0xb8;
	[tilespmem:$0x18200] =	vst v63  }
0x23e: {  	v3 =	vld [tilespmem:$0x1B0];
	_ =	sdelay $0x4  }
0x23f: {  	v59 =	vshrl.u32 v3, $0x3  }
0x240: {  	v4 =	vmul.u32 $0x30, v59  }
0x241: {  	v3 =	vand.u32 $0x7, v3  }
0x242: {  	v3 =	vor.u32 v3, v4  }
0x243: {  	v4 =	vperm.xlane v3, v0;
	_ =	sdelay $0x1  }
0x244: {  	v4 =	vadd.s32 v1, v4;
	_ =	sdelay $0x3  }
0x245: {  	s28 =	simm.s32 $0x9200;
	v3 =	vperm.xlane v3, v2  }
0x246: {  	[tilespmem:s28], [sflag:$0x1] =	stream.indirect_vreg.gather [hbm4b:s2+s3], $0x80, v4, vm0, $0xb8;
	[tilespmem:$0x18200] =	vst v63  }
0x247: {  	s29 =	simm.s32 $0x9A00;
	v3 =	vadd.s32 v1, v3  }
0x248: {  	[tilespmem:s29], [sflag:$0x1] =	stream.indirect_vreg.gather [hbm4b:s5+s3], $0x80, v4, vm0, $0xb8;
	[tilespmem:$0x18200] =	vst v63  }
0x249: {  	s30 =	simm.s32 $0xA200  }
0x24a: {  	[tilespmem:s30], [sflag:$0x1] =	stream.indirect_vreg.gather [hbm4b:s6+s3], $0x80, v4, vm0, $0xb8;
	[tilespmem:$0x18200] =	vst v63  }
0x24b: {  	s13 =	simm.s32 $0xAA00  }
0x24c: {  	[tilespmem:s13], [sflag:$0x1] =	stream.indirect_vreg.gather [hbm4b:s2+s3], $0x80, v3, vm0, $0xb8;
	[tilespmem:$0x18200] =	vst v63  }
0x24d: {  	s14 =	simm.s32 $0xB200  }
0x24e: {  	[tilespmem:s14], [sflag:$0x1] =	stream.indirect_vreg.gather [hbm4b:s5+s3], $0x80, v3, vm0, $0xb8;
	[tilespmem:$0x18200] =	vst v63  }
0x24f: {  	s30 =	simm.s32 $0xBA00  }
0x250: {  	[tilespmem:s30], [sflag:$0x1] =	stream.indirect_vreg.gather [hbm4b:s6+s3], $0x80, v3, vm0, $0xb8;
	[tilespmem:$0x18200] =	vst v63  }
0x251: {  	_ =	swait.ge [sflag:s4], $0xC000  }
0x252: {  	[sflag:s4] =	ssyncset.done $0x0  }
0x253: {  	s0 =	rddreg [dreg:$0x9];
	[sflag:s4] =	ssyncadd.s32 $0xFFFF4000  }
0x254: {  	[hbm4b:s0+s3] =	stream.linear.scatter [tilespmem:s16], [sflag:$0x2], $0xC000, $0x38;
	[tilespmem:$0x18200] =	vst v63  }
0x255: {  	_ =	swait.ge [sflag:s11], $0xC000  }
0x256: {  	[sflag:s11] =	ssyncset.done $0x0  }
0x257: {  	[sflag:s11] =	ssyncadd.s32 $0xFFFF4000  }
0x258: {  	v3 =	vld [tilespmem:$0x1C0];
	_ =	sdelay $0x4  }
0x259: {  	v60 =	vshrl.u32 v3, $0x3  }
0x25a: {  	v4 =	vmul.u32 $0x30, v60  }
0x25b: {  	v3 =	vand.u32 $0x7, v3  }
0x25c: {  	v3 =	vor.u32 v3, v4  }
0x25d: {  	v4 =	vperm.xlane v3, v0;
	_ =	sdelay $0x1  }
0x25e: {  	v4 =	vadd.s32 v1, v4;
	_ =	sdelay $0x3  }
0x25f: {  	v3 =	vperm.xlane v3, v2  }
0x260: {  	[tilespmem:s8], [sflag:$0x1] =	stream.indirect_vreg.gather [hbm4b:s2+s3], $0x80, v4, vm0, $0xb8;
	[tilespmem:$0x18200] =	vst v63  }
0x261: {  	s31 =	simm.s32 $0xCA00;
	v3 =	vadd.s32 v1, v3  }
0x262: {  	[tilespmem:s31], [sflag:$0x1] =	stream.indirect_vreg.gather [hbm4b:s5+s3], $0x80, v4, vm0, $0xb8;
	[tilespmem:$0x18200] =	vst v63  }
0x263: {  	s15 =	simm.s32 $0xD200  }
0x264: {  	[tilespmem:s15], [sflag:$0x1] =	stream.indirect_vreg.gather [hbm4b:s6+s3], $0x80, v4, vm0, $0xb8;
	[tilespmem:$0x18200] =	vst v63  }
0x265: {  	s18 =	simm.s32 $0xDA00  }
0x266: {  	[tilespmem:s18], [sflag:$0x1] =	stream.indirect_vreg.gather [hbm4b:s2+s3], $0x80, v3, vm0, $0xb8;
	[tilespmem:$0x18200] =	vst v63  }
0x267: {  	s19 =	simm.s32 $0xE200  }
0x268: {  	[tilespmem:s19], [sflag:$0x1] =	stream.indirect_vreg.gather [hbm4b:s5+s3], $0x80, v3, vm0, $0xb8;
	[tilespmem:$0x18200] =	vst v63  }
0x269: {  	s1 =	simm.s32 $0xEA00  }
0x26a: {  	[tilespmem:s1], [sflag:$0x1] =	stream.indirect_vreg.gather [hbm4b:s6+s3], $0x80, v3, vm0, $0xb8;
	[tilespmem:$0x18200] =	vst v63  }
0x26b: {  	v3 =	vld [tilespmem:$0x1D0];
	_ =	sdelay $0x4  }
0x26c: {  	v61 =	vshrl.u32 v3, $0x3  }
0x26d: {  	v4 =	vmul.u32 $0x30, v61  }
0x26e: {  	v3 =	vand.u32 $0x7, v3  }
0x26f: {  	v3 =	vor.u32 v3, v4  }
0x270: {  	v4 =	vperm.xlane v3, v0;
	_ =	sdelay $0x1  }
0x271: {  	v4 =	vadd.s32 v1, v4;
	_ =	sdelay $0x3  }
0x272: {  	s9 =	simm.s32 $0xF200;
	v3 =	vperm.xlane v3, v2  }
0x273: {  	[tilespmem:s9], [sflag:$0x1] =	stream.indirect_vreg.gather [hbm4b:s2+s3], $0x80, v4, vm0, $0xb8;
	[tilespmem:$0x18200] =	vst v63  }
0x274: {  	s12 =	simm.s32 $0xFA00;
	v3 =	vadd.s32 v1, v3  }
0x275: {  	[tilespmem:s12], [sflag:$0x1] =	stream.indirect_vreg.gather [hbm4b:s5+s3], $0x80, v4, vm0, $0xb8;
	[tilespmem:$0x18200] =	vst v63  }
0x276: {  	s13 =	simm.s32 $0x10200  }
0x277: {  	[tilespmem:s13], [sflag:$0x1] =	stream.indirect_vreg.gather [hbm4b:s6+s3], $0x80, v4, vm0, $0xb8;
	[tilespmem:$0x18200] =	vst v63  }
0x278: {  	s14 =	simm.s32 $0x10A00  }
0x279: {  	[tilespmem:s14], [sflag:$0x1] =	stream.indirect_vreg.gather [hbm4b:s2+s3], $0x80, v3, vm0, $0xb8;
	[tilespmem:$0x18200] =	vst v63  }
0x27a: {  	s15 =	simm.s32 $0x11200  }
0x27b: {  	[tilespmem:s15], [sflag:$0x1] =	stream.indirect_vreg.gather [hbm4b:s5+s3], $0x80, v3, vm0, $0xb8;
	[tilespmem:$0x18200] =	vst v63  }
0x27c: {  	s17 =	simm.s32 $0x11A00  }
0x27d: {  	[tilespmem:s17], [sflag:$0x1] =	stream.indirect_vreg.gather [hbm4b:s6+s3], $0x80, v3, vm0, $0xb8;
	[tilespmem:$0x18200] =	vst v63  }
0x27e: {  	v3 =	vld [tilespmem:$0x1E0];
	_ =	sdelay $0x4  }
0x27f: {  	v62 =	vshrl.u32 v3, $0x3  }
0x280: {  	v4 =	vmul.u32 $0x30, v62  }
0x281: {  	v3 =	vand.u32 $0x7, v3  }
0x282: {  	v3 =	vor.u32 v3, v4  }
0x283: {  	v4 =	vperm.xlane v3, v0;
	_ =	sdelay $0x1  }
0x284: {  	v4 =	vadd.s32 v1, v4;
	_ =	sdelay $0x3  }
0x285: {  	s18 =	simm.s32 $0x12200;
	v3 =	vperm.xlane v3, v2  }
0x286: {  	[tilespmem:s18], [sflag:$0x1] =	stream.indirect_vreg.gather [hbm4b:s2+s3], $0x80, v4, vm0, $0xb8;
	[tilespmem:$0x18200] =	vst v63  }
0x287: {  	s19 =	simm.s32 $0x12A00;
	v3 =	vadd.s32 v1, v3  }
0x288: {  	[tilespmem:s19], [sflag:$0x1] =	stream.indirect_vreg.gather [hbm4b:s5+s3], $0x80, v4, vm0, $0xb8;
	[tilespmem:$0x18200] =	vst v63  }
0x289: {  	s20 =	simm.s32 $0x13200  }
0x28a: {  	[tilespmem:s20], [sflag:$0x1] =	stream.indirect_vreg.gather [hbm4b:s6+s3], $0x80, v4, vm0, $0xb8;
	[tilespmem:$0x18200] =	vst v63  }
0x28b: {  	s21 =	simm.s32 $0x13A00  }
0x28c: {  	[tilespmem:s21], [sflag:$0x1] =	stream.indirect_vreg.gather [hbm4b:s2+s3], $0x80, v3, vm0, $0xb8;
	[tilespmem:$0x18200] =	vst v63  }
0x28d: {  	s22 =	simm.s32 $0x14200  }
0x28e: {  	[tilespmem:s22], [sflag:$0x1] =	stream.indirect_vreg.gather [hbm4b:s5+s3], $0x80, v3, vm0, $0xb8;
	[tilespmem:$0x18200] =	vst v63  }
0x28f: {  	s23 =	simm.s32 $0x14A00  }
0x290: {  	[tilespmem:s23], [sflag:$0x1] =	stream.indirect_vreg.gather [hbm4b:s6+s3], $0x80, v3, vm0, $0xb8;
	[tilespmem:$0x18200] =	vst v63  }
0x291: {  	v3 =	vld [tilespmem:$0x1F0];
	_ =	sdelay $0x4  }
0x292: {  	v63 =	vshrl.u32 v3, $0x3  }
0x293: {  	v4 =	vmul.u32 $0x30, v63  }
0x294: {  	v3 =	vand.u32 $0x7, v3  }
0x295: {  	v3 =	vor.u32 v3, v4  }
0x296: {  	v4 =	vperm.xlane v3, v0;
	_ =	sdelay $0x1  }
0x297: {  	v4 =	vadd.s32 v1, v4;
	_ =	sdelay $0x3  }
0x298: {  	s24 =	simm.s32 $0x15200;
	v3 =	vperm.xlane v3, v2  }
0x299: {  	[tilespmem:s24], [sflag:$0x1] =	stream.indirect_vreg.gather [hbm4b:s2+s3], $0x80, v4, vm0, $0xb8;
	[tilespmem:$0x18200] =	vst v63  }
0x29a: {  	s25 =	simm.s32 $0x15A00;
	v3 =	vadd.s32 v1, v3  }
0x29b: {  	[tilespmem:s25], [sflag:$0x1] =	stream.indirect_vreg.gather [hbm4b:s5+s3], $0x80, v4, vm0, $0xb8;
	[tilespmem:$0x18200] =	vst v63  }
0x29c: {  	s26 =	simm.s32 $0x16200  }
0x29d: {  	[tilespmem:s26], [sflag:$0x1] =	stream.indirect_vreg.gather [hbm4b:s6+s3], $0x80, v4, vm0, $0xb8;
	[tilespmem:$0x18200] =	vst v63  }
0x29e: {  	s28 =	simm.s32 $0x16A00  }
0x29f: {  	[tilespmem:s28], [sflag:$0x1] =	stream.indirect_vreg.gather [hbm4b:s2+s3], $0x80, v3, vm0, $0xb8;
	[tilespmem:$0x18200] =	vst v63  }
0x2a0: {  	s29 =	simm.s32 $0x17200  }
0x2a1: {  	[tilespmem:s29], [sflag:$0x1] =	stream.indirect_vreg.gather [hbm4b:s5+s3], $0x80, v3, vm0, $0xb8;
	[tilespmem:$0x18200] =	vst v63  }
0x2a2: {  	s30 =	simm.s32 $0x17A00  }
0x2a3: {  	[tilespmem:s30], [sflag:$0x1] =	stream.indirect_vreg.gather [hbm4b:s6+s3], $0x80, v3, vm0, $0xb8;
	[tilespmem:$0x18200] =	vst v63  }
0x2a4: {  	_ =	swait.ge [sflag:s4], $0xC000  }
0x2a5: {  	[sflag:s4] =	ssyncset.done $0x0  }
0x2a6: {  	s31 =	rddreg [dreg:$0xa];
	[sflag:s4] =	ssyncadd.s32 $0xFFFF4000  }
0x2a7: {  	[hbm4b:s31+s3] =	stream.linear.scatter [tilespmem:s8], [sflag:$0x3], $0xC000, $0x38;
	[tilespmem:$0x18200] =	vst v63  }
0x2a8: {  	p0 =	sne.s32 s7, $0x1;
	_ =	swait.ge [sflag:s10], $0xC000  }
.Ltmp0:
0x2a9: {  	[sflag:s10] =	ssyncset.done $0x0;
	(pc) =	sbr.rel @p0 .LBB2_1-.Ltmp0, $4  }
0x2aa: {  	[sflag:s10] =	ssyncadd.s32 $0xFFFF4000  }
0x2ab: {  	_ =	swait.ge [sflag:s11], $0xC000  }
0x2ac: {  	[sflag:s11] =	ssyncset.done $0x0  }
0x2ad: {  	s7 =	sadd.s32 $0xFFFFFFFF, s7;
	[sflag:s11] =	ssyncadd.s32 $0xFFFF4000  }
0x2ae: {  	_ =	sfence.sel $0x180000  }
0x2af: {  	[bflag:$0x0] =	sbarrier.arrive $0xFFFF  }
0x2b0: {  	_ =	strace $0x9000004A  }
0x2b1: {  	s0 =	stileid.u32;
	[bflag:$0x2] =	sbarrier.arrive $0xFFFF  }
0x2b2: {  	p0 =	sne.s32 s0, $0x0;
	s0 =	rddreg [dreg:$0x2]  }
0x2b3: {  	s0 =	sadd.s32 @!p0 $0x100000, s0  }
0x2b4: {  	[sflag:s0] =	ssyncadd.tile.s32 @!p0 $0x1;
	_ =	shalt  }
.Lfunc_end2:
_tile_overlayer_lowered:
.L_overlay_start_2:
0x2b5: {  	(tag) =	ssettag $0x2  }
0x2b6: {  	s0 =	rddreg [dreg:$0x0];
	s2 =	stileid.u32  }
0x2b7: {  	s1 =	rddreg [dreg:$0x1];
	p0 =	sne.s32 s2, $0x0  }
0x2b8: {  	s3 =	rddreg [dreg:$0x2];
	[bflag:$0x3] =	sbarrier.arrive $0xFFFF;
	s2 =	simm.s32 @!p0 $0x1C04  }
0x2b9: {  	[timem:s3], [sflag:s2] =	dma.local @!p0 [hbm:s0], s1  }
0x2ba: {  	s0 =	simm.s32 @!p0 $0x4  }
0x2bb: {  	_ =	swait.ge @!p0 [sflag:s0], s1  }
0x2bc: {  	s1 =	ssub.s32 @!p0 $0x0, s1;
	[sflag:s0] =	ssyncset.done @!p0 $0x0  }
0x2bd: {  	[sflag:s0] =	ssyncadd.s32 @!p0 s1  }
0x2be: {  	[bflag:$0x3] =	sbarrier.arrive $0xFFFF  }
0x2bf: {  	_ =	shalt  }

// kernel: kernel.8.cloned.1.call-start
scs
__scs_entry_jumppad:
0x0: {  	(pc) =	sbr.rel $0x88, $3  }
0x1: {  	(tag) =	ssettag $0x0;
	lr =	simm.s32 $0x1  }
0x2: {  	[smem:$0x3F97] =	sst lr;
	_ =	strace $0xD0000000  }
0x3: {  	_ = 	snop  }
0x4: {  	_ = 	snop  }
0x5: {  	_ = 	snop  }
0x6: {  	_ = 	snop  }
0x7: {  	_ = 	snop  }
__scs_overlays_trampoline_lowered:
0x8: {  	[smem:$0x3FA6] =	sst s0  }
0x9: {  	[smem:$0x3FA7] =	sst s1  }
0xa: {  	[smem:$0x3FA8] =	sst s2  }
0xb: {  	[smem:$0x3FA9] =	sst s3  }
0xc: {  	[smem:$0x3FAA] =	sst s4  }
0xd: {  	[smem:$0x3FAB] =	sst s5  }
0xe: {  	[smem:$0x3FAC] =	sst s6  }
0xf: {  	[smem:$0x3FAD] =	sst s7  }
0x10: {  	[smem:$0x3FAE] =	sst s8  }
0x11: {  	[smem:$0x3FAF] =	sst s9;
	s0 =	simm.s32 @!p0 $0x0  }
0x12: {  	s1 =	sld [smem:$0x3F95];
	s0 =	simm.s32 @p0 $0x1  }
0x13: {  	[smem:$0x3FB0] =	sst s0;
	s0 =	simm.s32 @!p1 $0x0  }
0x14: {  	s2 =	sld [smem:$0x3F94];
	s0 =	simm.s32 @p1 $0x1  }
0x15: {  	[smem:$0x3FB1] =	sst s0;
	s0 =	simm.s32 @!p2 $0x0  }
0x16: {  	s3 =	sld [smem:$0x3FDB];
	s0 =	simm.s32 @p2 $0x1  }
0x17: {  	s4 =	simm.s32 $0x1BF5;
	[smem:$0x3FB3] =	sst s0  }
0x18: {  	s0 =	sld [smem:$0x3F96];
	_ =	swait.ge [sflag:s4], $0x0  }
0x19: {  	s7 =	sld [smem:$0x3F97]  }
0x1a: {  	s8 =	sadd.s32 $0xFFFFE003, lr  }
0x1b: {  	s9 =	sadd.s32 $0xFFFFFEF7, lr;
	s5 =	simm.s32 $0xFFFFFFFF;
	p2 =	slt.u32 s8, $0xFFFFF086  }
0x1c: {  	p1 =	slt.u32 s9, $0xF7A;
	s5 =	simm.s32 @!p2 $0x0  }
0x1d: {  	s5 =	simm.s32 @p1 $0x1;
	p0 =	seq.s32 s7, s2  }
0x1e: {  	s7 =	smul.u32 @!p0 $0xF7A, s2;
	p2 =	seq.s32 @!p0 s5, $0x0  }
0x1f: {  	s9 =	smul.u32 $0xF7A, s1;
	s8 =	simm.s32 @!p0 $0x1BF5;
	p2 =	por !p2, p0  }
0x20: {  	[sflag:s8] =	ssyncset.s32 @!p0 $0xFFFFF086;
	s6 =	sadd.s32 @!p0 s3, s7;
	s7 =	simm.s32 @!p0 $0x108  }
0x21: {  	s3 =	sadd.s32 s3, s9;
	s6 =	sadd.s32 @!p0 $0x88, s6;
	s7 =	simm.s32 @p2 $0x1082  }
0x22: {  	[simem:s7], [sflag:s8] =	dma.local @!p0 [hbm:s6], $0xF7A  }
0x23: {  	s9 =	sor.u32 $0xD0000000, s2;
	s6 =	simm.s32 $0x108;
	_ =	swait.ge @!p0 [sflag:s8], $0x0  }
0x24: {  	s3 =	sadd.s32 $0x88, s3;
	s6 =	simm.s32 @!p1 $0x1082;
	[sflag:s4] =	ssyncset.s32 $0xFFFFF086  }
0x25: {  	[simem:s6], [sflag:s4] =	dma.local [hbm:s3], $0xF7A  }
0x26: {  	[smem:$0x3F97] =	sst s1;
	(tag) =	ssettag s2;
	_ =	strace s9  }
0x27: {  	s1 =	sld [smem:$0x3FA7]  }
0x28: {  	s2 =	sld [smem:$0x3FA8]  }
0x29: {  	s4 =	sld [smem:$0x3FAA]  }
0x2a: {  	p0 =	seq.s32 s5, $0x0;
	s5 =	sld [smem:$0x3FAB]  }
0x2b: {  	s6 =	sld [smem:$0x3FAC]  }
0x2c: {  	s7 =	sld [smem:$0x3FAD]  }
0x2d: {  	s3 =	simm.s32 $0x108;
	s8 =	sld [smem:$0x3FAE]  }
0x2e: {  	s3 =	simm.s32 @!p0 $0x1082;
	s9 =	sld [smem:$0x3FAF]  }
0x2f: {  	lr =	sadd.s32 s0, s3;
	s0 =	sld [smem:$0x3FA6]  }
0x30: {  	s3 =	sld [smem:$0x3FA9]  }
0x31: {  	[smem:$0x3FB2] =	sst s10  }
0x32: {  	s10 =	sld [smem:$0x3FB0];
	_ =	sdelay $0x3  }
0x33: {  	p0 =	seq.s32 s10, $0x1;
	s10 =	sld [smem:$0x3FB2];
	_ =	sdelay $0x3  }
0x34: {  	[smem:$0x3FB2] =	sst s10  }
0x35: {  	s10 =	sld [smem:$0x3FB1];
	_ =	sdelay $0x3  }
0x36: {  	p1 =	seq.s32 s10, $0x1;
	s10 =	sld [smem:$0x3FB2];
	_ =	sdelay $0x3  }
0x37: {  	[smem:$0x3FB2] =	sst s10  }
0x38: {  	s10 =	sld [smem:$0x3FB3]  }
0x39: {  	_ = 	snop;
	(pc) =	sbr.ind lr, $3  }
0x3a: {  	_ = 	snop  }
0x3b: {  	_ = 	snop  }
0x3c: {  	p2 =	seq.s32 s10, $0x1;
	s10 =	sld [smem:$0x3FB2]  }
0x3d: {  	_ =	shalt  }
0x3e: {  	_ =	shalt  }
0x3f: {  	_ =	shalt  }
0x40: {  	_ =	shalt  }
0x41: {  	_ =	shalt  }
0x42: {  	_ =	shalt  }
0x43: {  	_ =	shalt  }
0x44: {  	_ =	shalt  }
0x45: {  	_ =	shalt  }
0x46: {  	_ =	shalt  }
0x47: {  	_ =	shalt  }
0x48: {  	_ =	shalt  }
0x49: {  	_ =	shalt  }
0x4a: {  	_ =	shalt  }
0x4b: {  	_ =	shalt  }
0x4c: {  	_ =	shalt  }
0x4d: {  	_ =	shalt  }
0x4e: {  	_ =	shalt  }
0x4f: {  	_ =	shalt  }
0x50: {  	_ =	shalt  }
0x51: {  	_ =	shalt  }
0x52: {  	_ =	shalt  }
0x53: {  	_ =	shalt  }
0x54: {  	_ =	shalt  }
0x55: {  	_ =	shalt  }
0x56: {  	_ =	shalt  }
0x57: {  	_ =	shalt  }
0x58: {  	_ =	shalt  }
0x59: {  	_ =	shalt  }
0x5a: {  	_ =	shalt  }
0x5b: {  	_ =	shalt  }
0x5c: {  	_ =	shalt  }
0x5d: {  	_ =	shalt  }
0x5e: {  	_ =	shalt  }
0x5f: {  	_ =	shalt  }
0x60: {  	_ =	shalt  }
0x61: {  	_ =	shalt  }
0x62: {  	_ =	shalt  }
0x63: {  	_ =	shalt  }
0x64: {  	_ =	shalt  }
0x65: {  	_ =	shalt  }
0x66: {  	_ =	shalt  }
0x67: {  	_ =	shalt  }
0x68: {  	_ =	shalt  }
0x69: {  	_ =	shalt  }
0x6a: {  	_ =	shalt  }
0x6b: {  	_ =	shalt  }
0x6c: {  	_ =	shalt  }
0x6d: {  	_ =	shalt  }
0x6e: {  	_ =	shalt  }
0x6f: {  	_ =	shalt  }
0x70: {  	_ =	shalt  }
0x71: {  	_ =	shalt  }
0x72: {  	_ =	shalt  }
0x73: {  	_ =	shalt  }
0x74: {  	_ =	shalt  }
0x75: {  	_ =	shalt  }
0x76: {  	_ =	shalt  }
0x77: {  	_ =	shalt  }
0x78: {  	_ =	shalt  }
0x79: {  	_ =	shalt  }
0x7a: {  	_ =	shalt  }
0x7b: {  	_ =	shalt  }
0x7c: {  	_ =	shalt  }
0x7d: {  	_ =	shalt  }
0x7e: {  	_ =	shalt  }
0x7f: {  	_ =	shalt  }
0x80: {  	_ =	shalt  }
0x81: {  	_ =	shalt  }
0x82: {  	_ =	shalt  }
0x83: {  	_ =	shalt  }
0x84: {  	_ =	shalt  }
0x85: {  	_ =	shalt  }
0x86: {  	_ =	shalt  }
0x87: {  	_ =	shalt  }
.Lfunc_end0:
.L_simem_size_0:
called_computation_lowered:
.L_overlay_start_0:
0x88: {  	s2 =	sld [smem:$0x3FD9]  }
0x89: {  	s3 =	sld [smem:$0x3FFE];
	_ =	sdelay $0x1  }
0x8a: {  	s1 =	srdreg.scid  }
0x8b: {  	s0 =	sand.u32 $0x1, s1  }
0x8c: {  	s17 =	sshll.u32 s0, $0xA;
	s2 =	sadd.s32 s3, s2  }
0x8d: {  	s2 =	sadd.s32 s2, s17  }
0x8e: {  	[smem:$0x3FBE] =	sst s2  }
0x8f: {  	_ = 	snop  }
0x90: {  	s2 =	sld [smem:$0x3FC9]  }
0x91: {  	s18 =	sld [smem:$0x3FD0];
	(tm) =	ssettm $0x1  }
0x92: {  	s4 =	sld [smem:$0x3FFB];
	_ =	sdelay $0x3  }
0x93: {  	_ =	strace s4  }
0x94: {  	s4 =	sld [smem:$0x3FFC];
	_ =	sdelay $0x3  }
0x95: {  	_ =	strace s4  }
0x96: {  	s4 =	sld [smem:$0x3FFD];
	_ =	sdelay $0x3  }
0x97: {  	_ =	strace s4  }
0x98: {  	_ =	strace $0x8FFFFFFF  }
0x99: {  	s19 =	sld [smem:$0x3FDB];
	_ =	sdelay $0x1  }
0x9a: {  	s5 =	simm.s32 $_scs_section_size  }
0x9b: {  	s6 =	simm.s32 $_size__tile_overlayer_lowered;
	s7 =	simm.s32 $_tile_overlayer_lowered  }
0x9c: {  	s22 =	simm.s32 $0x1BFF;
	s21 =	sshll.u32 s7, $0x1;
	s4 =	sadd.s32 s5, s19  }
0x9d: {  	s8 =	simm.s32 $0x0;
	s20 =	sshll.u32 s6, $0x1;
	s6 =	sadd.s32 s21, s4  }
0x9e: {  	[timem:s8], [sflag:s22] =	dma.local [hbm:s6], s20  }
0x9f: {  	_ =	swait.ge [sflag:s22], s20  }
0xa0: {  	s5 =	ssub.s32 $0x0, s20;
	[sflag:s22] =	ssyncset.done $0x0  }
0xa1: {  	[sflag:s22] =	ssyncadd.s32 s5;
	_ =	sdelay $0x1  }
0xa2: {  	s23 =	simm.s32 $0x1B8B  }
0xa3: {  	_ =	swait.ge [sflag:s23], $0x1  }
0xa4: {  	[sflag:s23] =	ssyncset.done $0x0  }
0xa5: {  	s25 =	simm.s32 $0x1B8E;
	s24 =	sld [smem:$0x3FFE];
	[sflag:s23] =	ssyncadd.s32 $0xFFFFFFFF  }
0xa6: {  	s26 =	simm.s32 $execute0_lowered;
	[smem:$0x3FD2] =	sst s25  }
0xa7: {  	s6 =	sshll.u32 s26, $0x1;
	_ =	strace $0x80000046;
	[dreg:$0x1] =	wrdreg $0xFFFFFFFF  }
0xa8: {  	s28 =	simm.s32 $_size_execute0_lowered;
	s4 =	sadd.s32 s4, s6;
	[dreg:$0x0] =	wrdreg $0x0  }
0xa9: {  	s6 =	sshll.u32 s28, $0x1;
	[dreg:$0x2] =	wrdreg s4  }
0xaa: {  	[dreg:$0x3] =	wrdreg s6  }
0xab: {  	[dreg:$0x4] =	wrdreg $0xC0  }
0xac: {  	_ =	task [dreg:s8], $0x5FFFF  }
0xad: {  	[dreg:$0x1] =	wrdreg $0xFFFFFFFF  }
0xae: {  	[dreg:$0x0] =	wrdreg $0x60  }
0xaf: {  	[dreg:$0x2] =	wrdreg s18  }
0xb0: {  	[dreg:$0x3] =	wrdreg s2  }
0xb1: {  	[dreg:$0x4] =	wrdreg s24  }
0xb2: {  	[dreg:$0x5] =	wrdreg $0x9  }
0xb3: {  	_ =	task.clear_ibuf [dreg:s8], $0x6FFFF;
	_ =	strace $0x90000046  }
0xb4: {  	s29 =	simm.s32 $0x9;
	_ =	strace $0x80000048  }
0xb5: {  	_ =	swait.ge [sflag:s29], $0x1  }
0xb6: {  	[sflag:s29] =	ssyncadd.s32 $0xFFFFFFFF  }
0xb7: {  	_ =	strace $0x90000048  }
0xb8: {  	_ =	sfence  }
0xb9: {  	s30 =	sld [smem:$0x0];
	_ =	sdelay $0x2  }
0xba: {  	s31 =	sshll.u32 s1, $0xD;
	s1 =	sshrl.u32 s1, $0x2  }
0xbb: {  	s3 =	sand.u32 $0x4000, s31;
	s1 =	sadd.s32 s1, s30  }
0xbc: {  	s0 =	sor.u32 s3, s0;
	s1 =	sshll.u32 s1, $0x11  }
0xbd: {  	s0 =	sor.u32 s1, s0  }
0xbe: {  	s0 =	sadd.s32 $0x8F2B, s0  }
0xbf: {  	[sflag:s0] =	ssyncadd.remote.s32 $0x1  }
0xc0: {  	_ =	sfence.sel $0xFFFF  }
0xc1: {  	[dreg:$0x0] =	wrdreg $0xFFFFFFFF;
	(pc) =	sbr.abs _section_cstart, $3  }
0xc2: {  	[dreg:$0x1] =	wrdreg $0xFFFFFFFF  }
0xc3: {  	_ =	task.clear_ibuf [dreg:s8], $0x2FFFF;
	_ =	strace $0x9FFFFFFF  }
0xc4: {  	(tm) =	ssettm $0x7FFFFFFF  }
0xc5: {  	_ =	shalt  }
tec
execute0_lowered:
.L_overlay_start_1:
0x0: {  	(tag) =	ssettag $0x1  }
0x1: {  	s4 =	rddreg [dreg:$0x0]  }
0x2: {  	s0 =	srdreg.scid;
	s2 =	rddreg [dreg:$0x1]  }
0x3: {  	s1 =	stileid.u32;
	s5 =	rddreg [dreg:$0x2]  }
0x4: {  	s3 =	simm.s32 $0x0;
	s28 =	simm.s32 $0x4980;
	s29 =	simm.s32 $0x5180  }
0x5: {  	s30 =	simm.s32 $0x5980;
	s31 =	simm.s32 $0x6180;
	s15 =	simm.s32 $0x7180  }
0x6: {  	s16 =	simm.s32 $0x7980;
	s0 =	sand.u32 $0x1, s0;
	s1 =	sshll.u32 s1, $0x1  }
0x7: {  	s17 =	simm.s32 $0x8180;
	s18 =	simm.s32 $0x8980;
	s1 =	sor.u32 s0, s1  }
0x8: {  	s19 =	simm.s32 $0x9180;
	s20 =	simm.s32 $0x9980;
	s1 =	smul.u32 $0x110, s1  }
0x9: {  	s9 =	simm.s32 $0xA980;
	s8 =	simm.s32 $0xB180;
	s10 =	simm.s32 $0xB980  }
0xa: {  	s11 =	simm.s32 $0xC180;
	s12 =	simm.s32 $0xC980;
	s1 =	sshrl.u32 s1, $0x3  }
0xb: {  	s13 =	simm.s32 $0xD180;
	[smem:$0x7FF] =	sst s3;
	s6 =	smul.u32 $0x300, s1  }
0xc: {  	s14 =	simm.s32 $0xD980;
	_ =	strace $0x80000047;
	s0 =	ssub.s32 $0x2, s0  }
0xd: {  	s22 =	sshrl.u32 s0, $0x1;
	s1 =	sadd.s32 s4, s1;
	s6 =	sadd.s32 s6, s5  }
0xe: {  	s0 =	ssub.s32 s0, s22;
	[dreg:$0x4] =	wrdreg s1;
	s21 =	sadd.s32 $0x3600, s6  }
0xf: {  	s22 =	simm.s32 $0x180;
	s23 =	sadd.s32 $0x4E00, s6;
	[dreg:$0x5] =	wrdreg s21  }
0x10: {  	s4 =	sadd.s32 $0x100, s2;
	s24 =	sadd.s32 $0x6600, s6;
	[dreg:$0x6] =	wrdreg s23  }
0x11: {  	s5 =	sadd.s32 $0x200, s2;
	s25 =	sadd.s32 $0x7E00, s6;
	[dreg:$0x7] =	wrdreg s24  }
0x12: {  	v2 =	vlaneseq.u32;
	s26 =	sadd.s32 $0x9600, s6;
	s6 =	smax.u32 s0, $0x1;
	[dreg:$0x8] =	wrdreg s25  }
0x13: {  	vm0 =	vmmov $0xffff;
	v1 =	vshrl.u32 v2, $0x3;
	s0 =	simm.s32 $0x1;
	[dreg:$0x9] =	wrdreg s26;
	s21 =	simm.s32 $0x2  }
0x14: {  	v0 =	vand.u32 $0x7, v2;
	v2 =	vor.u32 $0x8, v2;
	v1 =	vmul.u32 $0x8, v1;
	s24 =	simm.s32 $0x3180;
	s25 =	simm.s32 $0x3980;
	s26 =	simm.s32 $0x4180  }
.LBB2_1:
0x15: {  	s23 =	rddreg [dreg:$0x4];
	s1 =	simm.s32 $0x4  }
0x16: {  	[tilespmem:s3], [sflag:$0x4] =	stream.linear.gather [hbm4b:s23+s3], $0x110, $0x38;
	[tilespmem:$0x18180] =	vst v63  }
0x17: {  	_ =	swait.ge [sflag:s1], $0x110  }
0x18: {  	[sflag:s1] =	ssyncset.done $0x0  }
0x19: {  	[sflag:s1] =	ssyncadd.s32 $0xFFFFFEF0  }
0x1a: {  	v3 =	vld [tilespmem:$0x0];
	_ =	sdelay $0x4  }
0x1b: {  	v4 =	vshrl.u32 v3, $0x3  }
0x1c: {  	v4 =	vmul.u32 $0x30, v4  }
0x1d: {  	v3 =	vand.u32 $0x7, v3  }
0x1e: {  	v3 =	vor.u32 v3, v4  }
0x1f: {  	v4 =	vperm.xlane v3, v0;
	_ =	sdelay $0x1  }
0x20: {  	v4 =	vadd.s32 v1, v4;
	_ =	sdelay $0x3  }
0x21: {  	v3 =	vperm.xlane v3, v2  }
0x22: {  	[tilespmem:s22], [sflag:$0x1] =	stream.indirect_vreg.gather [hbm4b:s2+s3], $0x80, v4, vm0, $0xb8;
	[tilespmem:$0x18180] =	vst v63  }
0x23: {  	s23 =	simm.s32 $0x980;
	v3 =	vadd.s32 v1, v3  }
0x24: {  	[tilespmem:s23], [sflag:$0x1] =	stream.indirect_vreg.gather [hbm4b:s4+s3], $0x80, v4, vm0, $0xb8;
	[tilespmem:$0x18180] =	vst v63  }
0x25: {  	s7 =	simm.s32 $0x1180  }
0x26: {  	[tilespmem:s7], [sflag:$0x1] =	stream.indirect_vreg.gather [hbm4b:s5+s3], $0x80, v4, vm0, $0xb8;
	[tilespmem:$0x18180] =	vst v63  }
0x27: {  	s23 =	simm.s32 $0x1980  }
0x28: {  	[tilespmem:s23], [sflag:$0x1] =	stream.indirect_vreg.gather [hbm4b:s2+s3], $0x80, v3, vm0, $0xb8;
	[tilespmem:$0x18180] =	vst v63  }
0x29: {  	s7 =	simm.s32 $0x2180  }
0x2a: {  	[tilespmem:s7], [sflag:$0x1] =	stream.indirect_vreg.gather [hbm4b:s4+s3], $0x80, v3, vm0, $0xb8;
	[tilespmem:$0x18180] =	vst v63  }
0x2b: {  	s23 =	simm.s32 $0x2980  }
0x2c: {  	[tilespmem:s23], [sflag:$0x1] =	stream.indirect_vreg.gather [hbm4b:s5+s3], $0x80, v3, vm0, $0xb8;
	[tilespmem:$0x18180] =	vst v63  }
0x2d: {  	v3 =	vld [tilespmem:$0x10];
	_ =	sdelay $0x4  }
0x2e: {  	v48 =	vshrl.u32 v3, $0x3  }
0x2f: {  	v4 =	vmul.u32 $0x30, v48  }
0x30: {  	v3 =	vand.u32 $0x7, v3  }
0x31: {  	v3 =	vor.u32 v3, v4  }
0x32: {  	v4 =	vperm.xlane v3, v0;
	_ =	sdelay $0x1  }
0x33: {  	v4 =	vadd.s32 v1, v4;
	_ =	sdelay $0x3  }
0x34: {  	v3 =	vperm.xlane v3, v2  }
0x35: {  	[tilespmem:s24], [sflag:$0x1] =	stream.indirect_vreg.gather [hbm4b:s2+s3], $0x80, v4, vm0, $0xb8;
	[tilespmem:$0x18180] =	vst v63  }
0x36: {  	v3 =	vadd.s32 v1, v3  }
0x37: {  	[tilespmem:s25], [sflag:$0x1] =	stream.indirect_vreg.gather [hbm4b:s4+s3], $0x80, v4, vm0, $0xb8;
	[tilespmem:$0x18180] =	vst v63  }
0x38: {  	_ = 	snop  }
0x39: {  	[tilespmem:s26], [sflag:$0x1] =	stream.indirect_vreg.gather [hbm4b:s5+s3], $0x80, v4, vm0, $0xb8;
	[tilespmem:$0x18180] =	vst v63  }
0x3a: {  	_ = 	snop  }
0x3b: {  	[tilespmem:s28], [sflag:$0x1] =	stream.indirect_vreg.gather [hbm4b:s2+s3], $0x80, v3, vm0, $0xb8;
	[tilespmem:$0x18180] =	vst v63  }
0x3c: {  	_ = 	snop  }
0x3d: {  	[tilespmem:s29], [sflag:$0x1] =	stream.indirect_vreg.gather [hbm4b:s4+s3], $0x80, v3, vm0, $0xb8;
	[tilespmem:$0x18180] =	vst v63  }
0x3e: {  	_ = 	snop  }
0x3f: {  	[tilespmem:s30], [sflag:$0x1] =	stream.indirect_vreg.gather [hbm4b:s5+s3], $0x80, v3, vm0, $0xb8;
	[tilespmem:$0x18180] =	vst v63  }
0x40: {  	v3 =	vld [tilespmem:$0x20];
	_ =	sdelay $0x4  }
0x41: {  	v49 =	vshrl.u32 v3, $0x3  }
0x42: {  	v4 =	vmul.u32 $0x30, v49  }
0x43: {  	v3 =	vand.u32 $0x7, v3  }
0x44: {  	v3 =	vor.u32 v3, v4  }
0x45: {  	v4 =	vperm.xlane v3, v0;
	_ =	sdelay $0x1  }
0x46: {  	v4 =	vadd.s32 v1, v4;
	_ =	sdelay $0x3  }
0x47: {  	v3 =	vperm.xlane v3, v2  }
0x48: {  	[tilespmem:s31], [sflag:$0x1] =	stream.indirect_vreg.gather [hbm4b:s2+s3], $0x80, v4, vm0, $0xb8;
	[tilespmem:$0x18180] =	vst v63  }
0x49: {  	s1 =	simm.s32 $0x6980;
	v3 =	vadd.s32 v1, v3  }
0x4a: {  	[tilespmem:s1], [sflag:$0x1] =	stream.indirect_vreg.gather [hbm4b:s4+s3], $0x80, v4, vm0, $0xb8;
	[tilespmem:$0x18180] =	vst v63  }
0x4b: {  	_ = 	snop  }
0x4c: {  	[tilespmem:s15], [sflag:$0x1] =	stream.indirect_vreg.gather [hbm4b:s5+s3], $0x80, v4, vm0, $0xb8;
	[tilespmem:$0x18180] =	vst v63  }
0x4d: {  	_ = 	snop  }
0x4e: {  	[tilespmem:s16], [sflag:$0x1] =	stream.indirect_vreg.gather [hbm4b:s2+s3], $0x80, v3, vm0, $0xb8;
	[tilespmem:$0x18180] =	vst v63  }
0x4f: {  	_ = 	snop  }
0x50: {  	[tilespmem:s17], [sflag:$0x1] =	stream.indirect_vreg.gather [hbm4b:s4+s3], $0x80, v3, vm0, $0xb8;
	[tilespmem:$0x18180] =	vst v63  }
0x51: {  	_ = 	snop  }
0x52: {  	[tilespmem:s18], [sflag:$0x1] =	stream.indirect_vreg.gather [hbm4b:s5+s3], $0x80, v3, vm0, $0xb8;
	[tilespmem:$0x18180] =	vst v63  }
0x53: {  	v3 =	vld [tilespmem:$0x30];
	_ =	sdelay $0x4  }
0x54: {  	v50 =	vshrl.u32 v3, $0x3  }
0x55: {  	v4 =	vmul.u32 $0x30, v50  }
0x56: {  	v3 =	vand.u32 $0x7, v3  }
0x57: {  	v3 =	vor.u32 v3, v4  }
0x58: {  	v4 =	vperm.xlane v3, v0;
	_ =	sdelay $0x1  }
0x59: {  	v4 =	vadd.s32 v1, v4;
	_ =	sdelay $0x3  }
0x5a: {  	v3 =	vperm.xlane v3, v2  }
0x5b: {  	[tilespmem:s19], [sflag:$0x1] =	stream.indirect_vreg.gather [hbm4b:s2+s3], $0x80, v4, vm0, $0xb8;
	[tilespmem:$0x18180] =	vst v63  }
0x5c: {  	v3 =	vadd.s32 v1, v3  }
0x5d: {  	[tilespmem:s20], [sflag:$0x1] =	stream.indirect_vreg.gather [hbm4b:s4+s3], $0x80, v4, vm0, $0xb8;
	[tilespmem:$0x18180] =	vst v63  }
0x5e: {  	s7 =	simm.s32 $0xA180  }
0x5f: {  	[tilespmem:s7], [sflag:$0x1] =	stream.indirect_vreg.gather [hbm4b:s5+s3], $0x80, v4, vm0, $0xb8;
	[tilespmem:$0x18180] =	vst v63  }
0x60: {  	_ = 	snop  }
0x61: {  	[tilespmem:s9], [sflag:$0x1] =	stream.indirect_vreg.gather [hbm4b:s2+s3], $0x80, v3, vm0, $0xb8;
	[tilespmem:$0x18180] =	vst v63  }
0x62: {  	_ = 	snop  }
0x63: {  	[tilespmem:s8], [sflag:$0x1] =	stream.indirect_vreg.gather [hbm4b:s4+s3], $0x80, v3, vm0, $0xb8;
	[tilespmem:$0x18180] =	vst v63  }
0x64: {  	_ = 	snop  }
0x65: {  	[tilespmem:s10], [sflag:$0x1] =	stream.indirect_vreg.gather [hbm4b:s5+s3], $0x80, v3, vm0, $0xb8;
	[tilespmem:$0x18180] =	vst v63  }
0x66: {  	_ =	swait.ge [sflag:s0], $0xC000  }
0x67: {  	[sflag:s0] =	ssyncset.done $0x0  }
0x68: {  	s23 =	rddreg [dreg:$0x5];
	[sflag:s0] =	ssyncadd.s32 $0xFFFF4000  }
0x69: {  	[hbm4b:s23+s3] =	stream.linear.scatter [tilespmem:s22], [sflag:$0x2], $0xC000, $0x38;
	[tilespmem:$0x18180] =	vst v63  }
0x6a: {  	v3 =	vld [tilespmem:$0x40];
	_ =	sdelay $0x4  }
0x6b: {  	v51 =	vshrl.u32 v3, $0x3  }
0x6c: {  	v4 =	vmul.u32 $0x30, v51  }
0x6d: {  	v3 =	vand.u32 $0x7, v3  }
0x6e: {  	v3 =	vor.u32 v3, v4  }
0x6f: {  	v4 =	vperm.xlane v3, v0;
	_ =	sdelay $0x1  }
0x70: {  	v4 =	vadd.s32 v1, v4;
	_ =	sdelay $0x3  }
0x71: {  	v3 =	vperm.xlane v3, v2  }
0x72: {  	[tilespmem:s11], [sflag:$0x1] =	stream.indirect_vreg.gather [hbm4b:s2+s3], $0x80, v4, vm0, $0xb8;
	[tilespmem:$0x18180] =	vst v63  }
0x73: {  	v3 =	vadd.s32 v1, v3  }
0x74: {  	[tilespmem:s12], [sflag:$0x1] =	stream.indirect_vreg.gather [hbm4b:s4+s3], $0x80, v4, vm0, $0xb8;
	[tilespmem:$0x18180] =	vst v63  }
0x75: {  	_ = 	snop  }
0x76: {  	[tilespmem:s13], [sflag:$0x1] =	stream.indirect_vreg.gather [hbm4b:s5+s3], $0x80, v4, vm0, $0xb8;
	[tilespmem:$0x18180] =	vst v63  }
0x77: {  	_ = 	snop  }
0x78: {  	[tilespmem:s14], [sflag:$0x1] =	stream.indirect_vreg.gather [hbm4b:s2+s3], $0x80, v3, vm0, $0xb8;
	[tilespmem:$0x18180] =	vst v63  }
0x79: {  	s23 =	simm.s32 $0xE180  }
0x7a: {  	[tilespmem:s23], [sflag:$0x1] =	stream.indirect_vreg.gather [hbm4b:s4+s3], $0x80, v3, vm0, $0xb8;
	[tilespmem:$0x18180] =	vst v63  }
0x7b: {  	s23 =	simm.s32 $0xE980  }
0x7c: {  	[tilespmem:s23], [sflag:$0x1] =	stream.indirect_vreg.gather [hbm4b:s5+s3], $0x80, v3, vm0, $0xb8;
	[tilespmem:$0x18180] =	vst v63  }
0x7d: {  	v3 =	vld [tilespmem:$0x50];
	_ =	sdelay $0x4  }
0x7e: {  	v52 =	vshrl.u32 v3, $0x3  }
0x7f: {  	v4 =	vmul.u32 $0x30, v52  }
0x80: {  	v3 =	vand.u32 $0x7, v3  }
0x81: {  	v3 =	vor.u32 v3, v4  }
0x82: {  	v4 =	vperm.xlane v3, v0;
	_ =	sdelay $0x1  }
0x83: {  	v4 =	vadd.s32 v1, v4;
	_ =	sdelay $0x3  }
0x84: {  	s23 =	simm.s32 $0xF180;
	v3 =	vperm.xlane v3, v2  }
0x85: {  	[tilespmem:s23], [sflag:$0x1] =	stream.indirect_vreg.gather [hbm4b:s2+s3], $0x80, v4, vm0, $0xb8;
	[tilespmem:$0x18180] =	vst v63  }
0x86: {  	v3 =	vadd.s32 v1, v3;
	s23 =	simm.s32 $0xF980  }
0x87: {  	[tilespmem:s23], [sflag:$0x1] =	stream.indirect_vreg.gather [hbm4b:s4+s3], $0x80, v4, vm0, $0xb8;
	[tilespmem:$0x18180] =	vst v63  }
0x88: {  	s23 =	simm.s32 $0x10180  }
0x89: {  	[tilespmem:s23], [sflag:$0x1] =	stream.indirect_vreg.gather [hbm4b:s5+s3], $0x80, v4, vm0, $0xb8;
	[tilespmem:$0x18180] =	vst v63  }
0x8a: {  	s23 =	simm.s32 $0x10980  }
0x8b: {  	[tilespmem:s23], [sflag:$0x1] =	stream.indirect_vreg.gather [hbm4b:s2+s3], $0x80, v3, vm0, $0xb8;
	[tilespmem:$0x18180] =	vst v63  }
0x8c: {  	s23 =	simm.s32 $0x11180  }
0x8d: {  	[tilespmem:s23], [sflag:$0x1] =	stream.indirect_vreg.gather [hbm4b:s4+s3], $0x80, v3, vm0, $0xb8;
	[tilespmem:$0x18180] =	vst v63  }
0x8e: {  	s23 =	simm.s32 $0x11980  }
0x8f: {  	[tilespmem:s23], [sflag:$0x1] =	stream.indirect_vreg.gather [hbm4b:s5+s3], $0x80, v3, vm0, $0xb8;
	[tilespmem:$0x18180] =	vst v63  }
0x90: {  	v3 =	vld [tilespmem:$0x60];
	_ =	sdelay $0x4  }
0x91: {  	v53 =	vshrl.u32 v3, $0x3  }
0x92: {  	v4 =	vmul.u32 $0x30, v53  }
0x93: {  	v3 =	vand.u32 $0x7, v3  }
0x94: {  	v3 =	vor.u32 v3, v4  }
0x95: {  	v4 =	vperm.xlane v3, v0;
	_ =	sdelay $0x1  }
0x96: {  	v4 =	vadd.s32 v1, v4;
	_ =	sdelay $0x3  }
0x97: {  	s23 =	simm.s32 $0x12180;
	v3 =	vperm.xlane v3, v2  }
0x98: {  	[tilespmem:s23], [sflag:$0x1] =	stream.indirect_vreg.gather [hbm4b:s2+s3], $0x80, v4, vm0, $0xb8;
	[tilespmem:$0x18180] =	vst v63  }
0x99: {  	v3 =	vadd.s32 v1, v3;
	s23 =	simm.s32 $0x12980  }
0x9a: {  	[tilespmem:s23], [sflag:$0x1] =	stream.indirect_vreg.gather [hbm4b:s4+s3], $0x80, v4, vm0, $0xb8;
	[tilespmem:$0x18180] =	vst v63  }
0x9b: {  	s23 =	simm.s32 $0x13180  }
0x9c: {  	[tilespmem:s23], [sflag:$0x1] =	stream.indirect_vreg.gather [hbm4b:s5+s3], $0x80, v4, vm0, $0xb8;
	[tilespmem:$0x18180] =	vst v63  }
0x9d: {  	s23 =	simm.s32 $0x13980  }
0x9e: {  	[tilespmem:s23], [sflag:$0x1] =	stream.indirect_vreg.gather [hbm4b:s2+s3], $0x80, v3, vm0, $0xb8;
	[tilespmem:$0x18180] =	vst v63  }
0x9f: {  	s23 =	simm.s32 $0x14180  }
0xa0: {  	[tilespmem:s23], [sflag:$0x1] =	stream.indirect_vreg.gather [hbm4b:s4+s3], $0x80, v3, vm0, $0xb8;
	[tilespmem:$0x18180] =	vst v63  }
0xa1: {  	s23 =	simm.s32 $0x14980  }
0xa2: {  	[tilespmem:s23], [sflag:$0x1] =	stream.indirect_vreg.gather [hbm4b:s5+s3], $0x80, v3, vm0, $0xb8;
	[tilespmem:$0x18180] =	vst v63  }
0xa3: {  	v3 =	vld [tilespmem:$0x70];
	_ =	sdelay $0x4  }
0xa4: {  	v54 =	vshrl.u32 v3, $0x3  }
0xa5: {  	v4 =	vmul.u32 $0x30, v54  }
0xa6: {  	v3 =	vand.u32 $0x7, v3  }
0xa7: {  	v3 =	vor.u32 v3, v4  }
0xa8: {  	v4 =	vperm.xlane v3, v0;
	_ =	sdelay $0x1  }
0xa9: {  	v4 =	vadd.s32 v1, v4;
	_ =	sdelay $0x3  }
0xaa: {  	s23 =	simm.s32 $0x15180;
	v3 =	vperm.xlane v3, v2  }
0xab: {  	[tilespmem:s23], [sflag:$0x1] =	stream.indirect_vreg.gather [hbm4b:s2+s3], $0x80, v4, vm0, $0xb8;
	[tilespmem:$0x18180] =	vst v63  }
0xac: {  	v3 =	vadd.s32 v1, v3;
	s23 =	simm.s32 $0x15980  }
0xad: {  	[tilespmem:s23], [sflag:$0x1] =	stream.indirect_vreg.gather [hbm4b:s4+s3], $0x80, v4, vm0, $0xb8;
	[tilespmem:$0x18180] =	vst v63  }
0xae: {  	s23 =	simm.s32 $0x16180  }
0xaf: {  	[tilespmem:s23], [sflag:$0x1] =	stream.indirect_vreg.gather [hbm4b:s5+s3], $0x80, v4, vm0, $0xb8;
	[tilespmem:$0x18180] =	vst v63  }
0xb0: {  	s23 =	simm.s32 $0x16980  }
0xb1: {  	[tilespmem:s23], [sflag:$0x1] =	stream.indirect_vreg.gather [hbm4b:s2+s3], $0x80, v3, vm0, $0xb8;
	[tilespmem:$0x18180] =	vst v63  }
0xb2: {  	s23 =	simm.s32 $0x17180  }
0xb3: {  	[tilespmem:s23], [sflag:$0x1] =	stream.indirect_vreg.gather [hbm4b:s4+s3], $0x80, v3, vm0, $0xb8;
	[tilespmem:$0x18180] =	vst v63  }
0xb4: {  	s23 =	simm.s32 $0x17980  }
0xb5: {  	[tilespmem:s23], [sflag:$0x1] =	stream.indirect_vreg.gather [hbm4b:s5+s3], $0x80, v3, vm0, $0xb8;
	[tilespmem:$0x18180] =	vst v63  }
0xb6: {  	_ =	swait.ge [sflag:s0], $0xC000  }
0xb7: {  	[sflag:s0] =	ssyncset.done $0x0  }
0xb8: {  	s23 =	rddreg [dreg:$0x6];
	[sflag:s0] =	ssyncadd.s32 $0xFFFF4000  }
0xb9: {  	[hbm4b:s23+s3] =	stream.linear.scatter [tilespmem:s11], [sflag:$0x3], $0xC000, $0x38;
	[tilespmem:$0x18180] =	vst v63  }
0xba: {  	_ =	swait.ge [sflag:s21], $0xC000  }
0xbb: {  	[sflag:s21] =	ssyncset.done $0x0  }
0xbc: {  	[sflag:s21] =	ssyncadd.s32 $0xFFFF4000  }
0xbd: {  	v3 =	vld [tilespmem:$0x80];
	_ =	sdelay $0x4  }
0xbe: {  	v55 =	vshrl.u32 v3, $0x3  }
0xbf: {  	v4 =	vmul.u32 $0x30, v55  }
0xc0: {  	v3 =	vand.u32 $0x7, v3  }
0xc1: {  	v3 =	vor.u32 v3, v4  }
0xc2: {  	v4 =	vperm.xlane v3, v0;
	_ =	sdelay $0x1  }
0xc3: {  	v4 =	vadd.s32 v1, v4;
	_ =	sdelay $0x3  }
0xc4: {  	v3 =	vperm.xlane v3, v2  }
0xc5: {  	[tilespmem:s22], [sflag:$0x1] =	stream.indirect_vreg.gather [hbm4b:s2+s3], $0x80, v4, vm0, $0xb8;
	[tilespmem:$0x18180] =	vst v63  }
0xc6: {  	s23 =	simm.s32 $0x980;
	v3 =	vadd.s32 v1, v3  }
0xc7: {  	[tilespmem:s23], [sflag:$0x1] =	stream.indirect_vreg.gather [hbm4b:s4+s3], $0x80, v4, vm0, $0xb8;
	[tilespmem:$0x18180] =	vst v63  }
0xc8: {  	s23 =	simm.s32 $0x1180  }
0xc9: {  	[tilespmem:s23], [sflag:$0x1] =	stream.indirect_vreg.gather [hbm4b:s5+s3], $0x80, v4, vm0, $0xb8;
	[tilespmem:$0x18180] =	vst v63  }
0xca: {  	s23 =	simm.s32 $0x1980  }
0xcb: {  	[tilespmem:s23], [sflag:$0x1] =	stream.indirect_vreg.gather [hbm4b:s2+s3], $0x80, v3, vm0, $0xb8;
	[tilespmem:$0x18180] =	vst v63  }
0xcc: {  	s23 =	simm.s32 $0x2180  }
0xcd: {  	[tilespmem:s23], [sflag:$0x1] =	stream.indirect_vreg.gather [hbm4b:s4+s3], $0x80, v3, vm0, $0xb8;
	[tilespmem:$0x18180] =	vst v63  }
0xce: {  	s23 =	simm.s32 $0x2980  }
0xcf: {  	[tilespmem:s23], [sflag:$0x1] =	stream.indirect_vreg.gather [hbm4b:s5+s3], $0x80, v3, vm0, $0xb8;
	[tilespmem:$0x18180] =	vst v63  }
0xd0: {  	v3 =	vld [tilespmem:$0x90];
	_ =	sdelay $0x4  }
0xd1: {  	v56 =	vshrl.u32 v3, $0x3  }
0xd2: {  	v4 =	vmul.u32 $0x30, v56  }
0xd3: {  	v3 =	vand.u32 $0x7, v3  }
0xd4: {  	v3 =	vor.u32 v3, v4  }
0xd5: {  	v4 =	vperm.xlane v3, v0;
	_ =	sdelay $0x1  }
0xd6: {  	v4 =	vadd.s32 v1, v4;
	_ =	sdelay $0x3  }
0xd7: {  	v3 =	vperm.xlane v3, v2  }
0xd8: {  	[tilespmem:s24], [sflag:$0x1] =	stream.indirect_vreg.gather [hbm4b:s2+s3], $0x80, v4, vm0, $0xb8;
	[tilespmem:$0x18180] =	vst v63  }
0xd9: {  	v3 =	vadd.s32 v1, v3  }
0xda: {  	[tilespmem:s25], [sflag:$0x1] =	stream.indirect_vreg.gather [hbm4b:s4+s3], $0x80, v4, vm0, $0xb8;
	[tilespmem:$0x18180] =	vst v63  }
0xdb: {  	_ = 	snop  }
0xdc: {  	[tilespmem:s26], [sflag:$0x1] =	stream.indirect_vreg.gather [hbm4b:s5+s3], $0x80, v4, vm0, $0xb8;
	[tilespmem:$0x18180] =	vst v63  }
0xdd: {  	_ = 	snop  }
0xde: {  	[tilespmem:s28], [sflag:$0x1] =	stream.indirect_vreg.gather [hbm4b:s2+s3], $0x80, v3, vm0, $0xb8;
	[tilespmem:$0x18180] =	vst v63  }
0xdf: {  	_ = 	snop  }
0xe0: {  	[tilespmem:s29], [sflag:$0x1] =	stream.indirect_vreg.gather [hbm4b:s4+s3], $0x80, v3, vm0, $0xb8;
	[tilespmem:$0x18180] =	vst v63  }
0xe1: {  	_ = 	snop  }
0xe2: {  	[tilespmem:s30], [sflag:$0x1] =	stream.indirect_vreg.gather [hbm4b:s5+s3], $0x80, v3, vm0, $0xb8;
	[tilespmem:$0x18180] =	vst v63  }
0xe3: {  	v3 =	vld [tilespmem:$0xA0];
	_ =	sdelay $0x4  }
0xe4: {  	v57 =	vshrl.u32 v3, $0x3  }
0xe5: {  	v4 =	vmul.u32 $0x30, v57  }
0xe6: {  	v3 =	vand.u32 $0x7, v3  }
0xe7: {  	v3 =	vor.u32 v3, v4  }
0xe8: {  	v4 =	vperm.xlane v3, v0;
	_ =	sdelay $0x1  }
0xe9: {  	v4 =	vadd.s32 v1, v4;
	_ =	sdelay $0x3  }
0xea: {  	v3 =	vperm.xlane v3, v2  }
0xeb: {  	[tilespmem:s31], [sflag:$0x1] =	stream.indirect_vreg.gather [hbm4b:s2+s3], $0x80, v4, vm0, $0xb8;
	[tilespmem:$0x18180] =	vst v63  }
0xec: {  	v3 =	vadd.s32 v1, v3  }
0xed: {  	[tilespmem:s1], [sflag:$0x1] =	stream.indirect_vreg.gather [hbm4b:s4+s3], $0x80, v4, vm0, $0xb8;
	[tilespmem:$0x18180] =	vst v63  }
0xee: {  	_ = 	snop  }
0xef: {  	[tilespmem:s15], [sflag:$0x1] =	stream.indirect_vreg.gather [hbm4b:s5+s3], $0x80, v4, vm0, $0xb8;
	[tilespmem:$0x18180] =	vst v63  }
0xf0: {  	_ = 	snop  }
0xf1: {  	[tilespmem:s16], [sflag:$0x1] =	stream.indirect_vreg.gather [hbm4b:s2+s3], $0x80, v3, vm0, $0xb8;
	[tilespmem:$0x18180] =	vst v63  }
0xf2: {  	_ = 	snop  }
0xf3: {  	[tilespmem:s17], [sflag:$0x1] =	stream.indirect_vreg.gather [hbm4b:s4+s3], $0x80, v3, vm0, $0xb8;
	[tilespmem:$0x18180] =	vst v63  }
0xf4: {  	_ = 	snop  }
0xf5: {  	[tilespmem:s18], [sflag:$0x1] =	stream.indirect_vreg.gather [hbm4b:s5+s3], $0x80, v3, vm0, $0xb8;
	[tilespmem:$0x18180] =	vst v63  }
0xf6: {  	v3 =	vld [tilespmem:$0xB0];
	_ =	sdelay $0x4  }
0xf7: {  	v58 =	vshrl.u32 v3, $0x3  }
0xf8: {  	v4 =	vmul.u32 $0x30, v58  }
0xf9: {  	v3 =	vand.u32 $0x7, v3  }
0xfa: {  	v3 =	vor.u32 v3, v4  }
0xfb: {  	v4 =	vperm.xlane v3, v0;
	_ =	sdelay $0x1  }
0xfc: {  	v4 =	vadd.s32 v1, v4;
	_ =	sdelay $0x3  }
0xfd: {  	v3 =	vperm.xlane v3, v2  }
0xfe: {  	[tilespmem:s19], [sflag:$0x1] =	stream.indirect_vreg.gather [hbm4b:s2+s3], $0x80, v4, vm0, $0xb8;
	[tilespmem:$0x18180] =	vst v63  }
0xff: {  	v3 =	vadd.s32 v1, v3  }
0x100: {  	[tilespmem:s20], [sflag:$0x1] =	stream.indirect_vreg.gather [hbm4b:s4+s3], $0x80, v4, vm0, $0xb8;
	[tilespmem:$0x18180] =	vst v63  }
0x101: {  	_ = 	snop  }
0x102: {  	[tilespmem:s7], [sflag:$0x1] =	stream.indirect_vreg.gather [hbm4b:s5+s3], $0x80, v4, vm0, $0xb8;
	[tilespmem:$0x18180] =	vst v63  }
0x103: {  	_ = 	snop  }
0x104: {  	[tilespmem:s9], [sflag:$0x1] =	stream.indirect_vreg.gather [hbm4b:s2+s3], $0x80, v3, vm0, $0xb8;
	[tilespmem:$0x18180] =	vst v63  }
0x105: {  	_ = 	snop  }
0x106: {  	[tilespmem:s8], [sflag:$0x1] =	stream.indirect_vreg.gather [hbm4b:s4+s3], $0x80, v3, vm0, $0xb8;
	[tilespmem:$0x18180] =	vst v63  }
0x107: {  	_ = 	snop  }
0x108: {  	[tilespmem:s10], [sflag:$0x1] =	stream.indirect_vreg.gather [hbm4b:s5+s3], $0x80, v3, vm0, $0xb8;
	[tilespmem:$0x18180] =	vst v63  }
0x109: {  	_ =	swait.ge [sflag:s0], $0xC000  }
0x10a: {  	[sflag:s0] =	ssyncset.done $0x0  }
0x10b: {  	s1 =	simm.s32 $0x3;
	s7 =	rddreg [dreg:$0x7];
	[sflag:s0] =	ssyncadd.s32 $0xFFFF4000  }
0x10c: {  	[hbm4b:s7+s3] =	stream.linear.scatter [tilespmem:s22], [sflag:$0x2], $0xC000, $0x38;
	[tilespmem:$0x18180] =	vst v63  }
0x10d: {  	_ =	swait.ge [sflag:s1], $0xC000  }
0x10e: {  	[sflag:s1] =	ssyncset.done $0x0  }
0x10f: {  	[sflag:s1] =	ssyncadd.s32 $0xFFFF4000  }
0x110: {  	v3 =	vld [tilespmem:$0xC0];
	_ =	sdelay $0x4  }
0x111: {  	v59 =	vshrl.u32 v3, $0x3  }
0x112: {  	v4 =	vmul.u32 $0x30, v59  }
0x113: {  	v3 =	vand.u32 $0x7, v3  }
0x114: {  	v3 =	vor.u32 v3, v4  }
0x115: {  	v4 =	vperm.xlane v3, v0;
	_ =	sdelay $0x1  }
0x116: {  	v4 =	vadd.s32 v1, v4;
	_ =	sdelay $0x3  }
0x117: {  	v3 =	vperm.xlane v3, v2  }
0x118: {  	[tilespmem:s11], [sflag:$0x1] =	stream.indirect_vreg.gather [hbm4b:s2+s3], $0x80, v4, vm0, $0xb8;
	[tilespmem:$0x18180] =	vst v63  }
0x119: {  	v3 =	vadd.s32 v1, v3  }
0x11a: {  	[tilespmem:s12], [sflag:$0x1] =	stream.indirect_vreg.gather [hbm4b:s4+s3], $0x80, v4, vm0, $0xb8;
	[tilespmem:$0x18180] =	vst v63  }
0x11b: {  	_ = 	snop  }
0x11c: {  	[tilespmem:s13], [sflag:$0x1] =	stream.indirect_vreg.gather [hbm4b:s5+s3], $0x80, v4, vm0, $0xb8;
	[tilespmem:$0x18180] =	vst v63  }
0x11d: {  	_ = 	snop  }
0x11e: {  	[tilespmem:s14], [sflag:$0x1] =	stream.indirect_vreg.gather [hbm4b:s2+s3], $0x80, v3, vm0, $0xb8;
	[tilespmem:$0x18180] =	vst v63  }
0x11f: {  	s23 =	simm.s32 $0xE180  }
0x120: {  	[tilespmem:s23], [sflag:$0x1] =	stream.indirect_vreg.gather [hbm4b:s4+s3], $0x80, v3, vm0, $0xb8;
	[tilespmem:$0x18180] =	vst v63  }
0x121: {  	s23 =	simm.s32 $0xE980  }
0x122: {  	[tilespmem:s23], [sflag:$0x1] =	stream.indirect_vreg.gather [hbm4b:s5+s3], $0x80, v3, vm0, $0xb8;
	[tilespmem:$0x18180] =	vst v63  }
0x123: {  	v3 =	vld [tilespmem:$0xD0];
	_ =	sdelay $0x4  }
0x124: {  	v60 =	vshrl.u32 v3, $0x3  }
0x125: {  	v4 =	vmul.u32 $0x30, v60  }
0x126: {  	v3 =	vand.u32 $0x7, v3  }
0x127: {  	v3 =	vor.u32 v3, v4  }
0x128: {  	v4 =	vperm.xlane v3, v0;
	_ =	sdelay $0x1  }
0x129: {  	v4 =	vadd.s32 v1, v4;
	_ =	sdelay $0x3  }
0x12a: {  	s23 =	simm.s32 $0xF180;
	v3 =	vperm.xlane v3, v2  }
0x12b: {  	[tilespmem:s23], [sflag:$0x1] =	stream.indirect_vreg.gather [hbm4b:s2+s3], $0x80, v4, vm0, $0xb8;
	[tilespmem:$0x18180] =	vst v63  }
0x12c: {  	v3 =	vadd.s32 v1, v3;
	s23 =	simm.s32 $0xF980  }
0x12d: {  	[tilespmem:s23], [sflag:$0x1] =	stream.indirect_vreg.gather [hbm4b:s4+s3], $0x80, v4, vm0, $0xb8;
	[tilespmem:$0x18180] =	vst v63  }
0x12e: {  	s23 =	simm.s32 $0x10180  }
0x12f: {  	[tilespmem:s23], [sflag:$0x1] =	stream.indirect_vreg.gather [hbm4b:s5+s3], $0x80, v4, vm0, $0xb8;
	[tilespmem:$0x18180] =	vst v63  }
0x130: {  	s23 =	simm.s32 $0x10980  }
0x131: {  	[tilespmem:s23], [sflag:$0x1] =	stream.indirect_vreg.gather [hbm4b:s2+s3], $0x80, v3, vm0, $0xb8;
	[tilespmem:$0x18180] =	vst v63  }
0x132: {  	s23 =	simm.s32 $0x11180  }
0x133: {  	[tilespmem:s23], [sflag:$0x1] =	stream.indirect_vreg.gather [hbm4b:s4+s3], $0x80, v3, vm0, $0xb8;
	[tilespmem:$0x18180] =	vst v63  }
0x134: {  	s23 =	simm.s32 $0x11980  }
0x135: {  	[tilespmem:s23], [sflag:$0x1] =	stream.indirect_vreg.gather [hbm4b:s5+s3], $0x80, v3, vm0, $0xb8;
	[tilespmem:$0x18180] =	vst v63  }
0x136: {  	v3 =	vld [tilespmem:$0xE0];
	_ =	sdelay $0x4  }
0x137: {  	v61 =	vshrl.u32 v3, $0x3  }
0x138: {  	v4 =	vmul.u32 $0x30, v61  }
0x139: {  	v3 =	vand.u32 $0x7, v3  }
0x13a: {  	v3 =	vor.u32 v3, v4  }
0x13b: {  	v4 =	vperm.xlane v3, v0;
	_ =	sdelay $0x1  }
0x13c: {  	v4 =	vadd.s32 v1, v4;
	_ =	sdelay $0x3  }
0x13d: {  	s23 =	simm.s32 $0x12180;
	v3 =	vperm.xlane v3, v2  }
0x13e: {  	[tilespmem:s23], [sflag:$0x1] =	stream.indirect_vreg.gather [hbm4b:s2+s3], $0x80, v4, vm0, $0xb8;
	[tilespmem:$0x18180] =	vst v63  }
0x13f: {  	v3 =	vadd.s32 v1, v3;
	s23 =	simm.s32 $0x12980  }
0x140: {  	[tilespmem:s23], [sflag:$0x1] =	stream.indirect_vreg.gather [hbm4b:s4+s3], $0x80, v4, vm0, $0xb8;
	[tilespmem:$0x18180] =	vst v63  }
0x141: {  	s23 =	simm.s32 $0x13180  }
0x142: {  	[tilespmem:s23], [sflag:$0x1] =	stream.indirect_vreg.gather [hbm4b:s5+s3], $0x80, v4, vm0, $0xb8;
	[tilespmem:$0x18180] =	vst v63  }
0x143: {  	s23 =	simm.s32 $0x13980  }
0x144: {  	[tilespmem:s23], [sflag:$0x1] =	stream.indirect_vreg.gather [hbm4b:s2+s3], $0x80, v3, vm0, $0xb8;
	[tilespmem:$0x18180] =	vst v63  }
0x145: {  	s23 =	simm.s32 $0x14180  }
0x146: {  	[tilespmem:s23], [sflag:$0x1] =	stream.indirect_vreg.gather [hbm4b:s4+s3], $0x80, v3, vm0, $0xb8;
	[tilespmem:$0x18180] =	vst v63  }
0x147: {  	s23 =	simm.s32 $0x14980  }
0x148: {  	[tilespmem:s23], [sflag:$0x1] =	stream.indirect_vreg.gather [hbm4b:s5+s3], $0x80, v3, vm0, $0xb8;
	[tilespmem:$0x18180] =	vst v63  }
0x149: {  	v3 =	vld [tilespmem:$0xF0];
	_ =	sdelay $0x4  }
0x14a: {  	v62 =	vshrl.u32 v3, $0x3  }
0x14b: {  	v4 =	vmul.u32 $0x30, v62  }
0x14c: {  	v3 =	vand.u32 $0x7, v3  }
0x14d: {  	v3 =	vor.u32 v3, v4  }
0x14e: {  	v4 =	vperm.xlane v3, v0;
	_ =	sdelay $0x1  }
0x14f: {  	v4 =	vadd.s32 v1, v4;
	_ =	sdelay $0x3  }
0x150: {  	s23 =	simm.s32 $0x15180;
	v3 =	vperm.xlane v3, v2  }
0x151: {  	[tilespmem:s23], [sflag:$0x1] =	stream.indirect_vreg.gather [hbm4b:s2+s3], $0x80, v4, vm0, $0xb8;
	[tilespmem:$0x18180] =	vst v63  }
0x152: {  	v3 =	vadd.s32 v1, v3;
	s23 =	simm.s32 $0x15980  }
0x153: {  	[tilespmem:s23], [sflag:$0x1] =	stream.indirect_vreg.gather [hbm4b:s4+s3], $0x80, v4, vm0, $0xb8;
	[tilespmem:$0x18180] =	vst v63  }
0x154: {  	s23 =	simm.s32 $0x16180  }
0x155: {  	[tilespmem:s23], [sflag:$0x1] =	stream.indirect_vreg.gather [hbm4b:s5+s3], $0x80, v4, vm0, $0xb8;
	[tilespmem:$0x18180] =	vst v63  }
0x156: {  	s23 =	simm.s32 $0x16980  }
0x157: {  	[tilespmem:s23], [sflag:$0x1] =	stream.indirect_vreg.gather [hbm4b:s2+s3], $0x80, v3, vm0, $0xb8;
	[tilespmem:$0x18180] =	vst v63  }
0x158: {  	s23 =	simm.s32 $0x17180  }
0x159: {  	[tilespmem:s23], [sflag:$0x1] =	stream.indirect_vreg.gather [hbm4b:s4+s3], $0x80, v3, vm0, $0xb8;
	[tilespmem:$0x18180] =	vst v63  }
0x15a: {  	s23 =	simm.s32 $0x17980  }
0x15b: {  	[tilespmem:s23], [sflag:$0x1] =	stream.indirect_vreg.gather [hbm4b:s5+s3], $0x80, v3, vm0, $0xb8;
	[tilespmem:$0x18180] =	vst v63  }
0x15c: {  	_ =	swait.ge [sflag:s0], $0xC000  }
0x15d: {  	[sflag:s0] =	ssyncset.done $0x0  }
0x15e: {  	s7 =	rddreg [dreg:$0x8];
	[sflag:s0] =	ssyncadd.s32 $0xFFFF4000  }
0x15f: {  	[hbm4b:s7+s3] =	stream.linear.scatter [tilespmem:s11], [sflag:$0x3], $0xC000, $0x38;
	[tilespmem:$0x18180] =	vst v63  }
0x160: {  	_ =	swait.ge [sflag:s21], $0xC000  }
0x161: {  	[sflag:s21] =	ssyncset.done $0x0  }
0x162: {  	[sflag:s21] =	ssyncadd.s32 $0xFFFF4000  }
0x163: {  	v3 =	vld [tilespmem:$0x100];
	_ =	sdelay $0x4  }
0x164: {  	v63 =	vshrl.u32 v3, $0x3  }
0x165: {  	v4 =	vmul.u32 $0x30, v63  }
0x166: {  	v3 =	vand.u32 $0x7, v3  }
0x167: {  	v3 =	vor.u32 v3, v4  }
0x168: {  	v4 =	vperm.xlane v3, v0;
	_ =	sdelay $0x1  }
0x169: {  	v4 =	vadd.s32 v1, v4;
	_ =	sdelay $0x3  }
0x16a: {  	v3 =	vperm.xlane v3, v2  }
0x16b: {  	[tilespmem:s22], [sflag:$0x1] =	stream.indirect_vreg.gather [hbm4b:s2+s3], $0x80, v4, vm0, $0xb8;
	[tilespmem:$0x18180] =	vst v63  }
0x16c: {  	s23 =	simm.s32 $0x980;
	v3 =	vadd.s32 v1, v3  }
0x16d: {  	[tilespmem:s23], [sflag:$0x1] =	stream.indirect_vreg.gather [hbm4b:s4+s3], $0x80, v4, vm0, $0xb8;
	[tilespmem:$0x18180] =	vst v63  }
0x16e: {  	s23 =	simm.s32 $0x1180  }
0x16f: {  	[tilespmem:s23], [sflag:$0x1] =	stream.indirect_vreg.gather [hbm4b:s5+s3], $0x80, v4, vm0, $0xb8;
	[tilespmem:$0x18180] =	vst v63  }
0x170: {  	s23 =	simm.s32 $0x1980  }
0x171: {  	[tilespmem:s23], [sflag:$0x1] =	stream.indirect_vreg.gather [hbm4b:s2+s3], $0x80, v3, vm0, $0xb8;
	[tilespmem:$0x18180] =	vst v63  }
0x172: {  	s23 =	simm.s32 $0x2180  }
0x173: {  	[tilespmem:s23], [sflag:$0x1] =	stream.indirect_vreg.gather [hbm4b:s4+s3], $0x80, v3, vm0, $0xb8;
	[tilespmem:$0x18180] =	vst v63  }
0x174: {  	s23 =	simm.s32 $0x2980  }
0x175: {  	[tilespmem:s23], [sflag:$0x1] =	stream.indirect_vreg.gather [hbm4b:s5+s3], $0x80, v3, vm0, $0xb8;
	[tilespmem:$0x18180] =	vst v63  }
0x176: {  	_ =	swait.ge [sflag:s0], $0x3000  }
0x177: {  	[sflag:s0] =	ssyncset.done $0x0  }
0x178: {  	s7 =	rddreg [dreg:$0x9];
	[sflag:s0] =	ssyncadd.s32 $0xFFFFD000  }
0x179: {  	[hbm4b:s7+s3] =	stream.linear.scatter [tilespmem:s22], [sflag:$0x2], $0x3000, $0x38;
	[tilespmem:$0x18180] =	vst v63  }
0x17a: {  	p0 =	sne.s32 s6, $0x1;
	_ =	swait.ge [sflag:s21], $0x3000  }
.Ltmp0:
0x17b: {  	[sflag:s21] =	ssyncset.done $0x0;
	(pc) =	sbr.rel @p0 .LBB2_1-.Ltmp0, $4  }
0x17c: {  	[sflag:s21] =	ssyncadd.s32 $0xFFFFD000  }
0x17d: {  	_ =	swait.ge [sflag:s1], $0xC000  }
0x17e: {  	[sflag:s1] =	ssyncset.done $0x0  }
0x17f: {  	s6 =	sadd.s32 $0xFFFFFFFF, s6;
	[sflag:s1] =	ssyncadd.s32 $0xFFFF4000  }
0x180: {  	_ =	sfence.sel $0x180000  }
0x181: {  	[bflag:$0x0] =	sbarrier.arrive $0xFFFF  }
0x182: {  	_ =	strace $0x90000047  }
0x183: {  	s0 =	stileid.u32;
	[bflag:$0x2] =	sbarrier.arrive $0xFFFF  }
0x184: {  	p0 =	sne.s32 s0, $0x0;
	s0 =	rddreg [dreg:$0x3]  }
0x185: {  	s0 =	sadd.s32 @!p0 $0x100000, s0  }
0x186: {  	[sflag:s0] =	ssyncadd.tile.s32 @!p0 $0x1;
	_ =	shalt  }
.Lfunc_end2:
_tile_overlayer_lowered:
.L_overlay_start_2:
0x187: {  	(tag) =	ssettag $0x2  }
0x188: {  	s0 =	rddreg [dreg:$0x0];
	s2 =	stileid.u32  }
0x189: {  	s1 =	rddreg [dreg:$0x1];
	p0 =	sne.s32 s2, $0x0  }
0x18a: {  	s3 =	rddreg [dreg:$0x2];
	[bflag:$0x3] =	sbarrier.arrive $0xFFFF;
	s2 =	simm.s32 @!p0 $0x1C04  }
0x18b: {  	[timem:s3], [sflag:s2] =	dma.local @!p0 [hbm:s0], s1  }
0x18c: {  	s0 =	simm.s32 @!p0 $0x4  }
0x18d: {  	_ =	swait.ge @!p0 [sflag:s0], s1  }
0x18e: {  	s1 =	ssub.s32 @!p0 $0x0, s1;
	[sflag:s0] =	ssyncset.done @!p0 $0x0  }
0x18f: {  	[sflag:s0] =	ssyncadd.s32 @!p0 s1  }
0x190: {  	[bflag:$0x3] =	sbarrier.arrive $0xFFFF  }
0x191: {  	_ =	shalt  }

</sc_bundles>
